<compile_context>
chip_gen: v7x
topology: tpu7x:2x2x1
jax: 0.10.2.dev20260603
libtpu: 0.0.44.dev20260713+nightly
codegen_flags: <defaults>
</compile_context>

<pallas_src>
import functools

import jax
import jax.numpy as jnp
from jax import lax
from jax.experimental import pallas as pl
from jax.experimental.pallas import tpu as pltpu
from jax.experimental.pallas import tpu_sc as plsc

BATCH = 1024
SEQ = 200
HIDDEN = 128
VOC = 100000
EPS = 1e-3

NC = 2
NS = 16
NW = NC * NS
ROWS = BATCH * SEQ
PER_W = ROWS // NW
CHUNK = 128
NCH = PER_W // CHUNK

TBLK = 2000
TGRID = VOC // TBLK

NBUF = 5
LOOK = 3
NMAIN = ((NCH - LOOK) // NBUF) * NBUF
C2ROWS = 320


def _transform_body(tab_ref, word_ref, w_ref, gamma_ref, var_ref, b_ref,
                    mean_ref, beta_ref, out_ref, c_ref):
    scale = gamma_ref[...] * jax.lax.rsqrt(var_ref[...] + EPS)
    wp = w_ref[...] * scale
    out_ref[...] = jnp.dot(tab_ref[...], wp, preferred_element_type=jnp.float32)
    bpp = scale * (b_ref[...] - mean_ref[...]) + beta_ref[...]
    c_ref[...] = jnp.dot(word_ref[...], wp, preferred_element_type=jnp.float32) + bpp


def _sc_gather(tp_hbm, idx_hbm, c_hbm, out_hbm, idx_v, c2_v,
               buf0, buf1, buf2, buf3, buf4,
               sg0, sg1, sg2, sg3, sg4, sw0, sw1, sw2, sw3, sw4):
    wid = lax.axis_index("s") * NC + lax.axis_index("c")
    base = wid * PER_W
    pltpu.sync_copy(idx_hbm.at[pl.ds(base, PER_W)], idx_v)
    pltpu.sync_copy(c_hbm, c2_v.at[pl.ds(0, SEQ)])
    pltpu.sync_copy(c_hbm.at[pl.ds(0, C2ROWS - SEQ)], c2_v.at[pl.ds(SEQ, C2ROWS - SEQ)])

    bufs = (buf0, buf1, buf2, buf3, buf4)
    sgs = (sg0, sg1, sg2, sg3, sg4)
    sws = (sw0, sw1, sw2, sw3, sw4)

    def gather_start(k, r):
        pltpu.async_copy(
            tp_hbm.at[idx_v.at[pl.ds(k * CHUNK, CHUNK)]], bufs[r], sgs[r])

    def gather_wait(k, r):
        pltpu.make_async_copy(
            tp_hbm.at[idx_v.at[pl.ds(k * CHUNK, CHUNK)]], bufs[r], sgs[r]).wait()

    def write_start(k, r):
        pltpu.async_copy(bufs[r], out_hbm.at[pl.ds(base + k * CHUNK, CHUNK)], sws[r])

    def write_wait(k, r):
        pltpu.make_async_copy(
            bufs[r], out_hbm.at[pl.ds(base + k * CHUNK, CHUNK)], sws[r]).wait()

    def add_c(k, r):
        buf = bufs[r]
        s0 = lax.rem(k * CHUNK, SEQ)

        def row_body(i):
            c_row = s0 + i
            for j in range(HIDDEN // 16):
                sl = pl.ds(j * 16, 16)
                plsc.addupdate(buf.at[i, sl], c2_v[c_row, sl])

        plsc.parallel_loop(0, CHUNK, 1, unroll=4)(row_body)

    for p in range(LOOK):
        gather_start(p, p)

    def ring_body(i, _):
        for t in range(NBUF):
            k = NBUF * i + t
            r = t
            nr = (t + LOOK) % NBUF

            @pl.when(k + LOOK >= NBUF)
            def _():
                write_wait(k + LOOK - NBUF, nr)

            gather_start(k + LOOK, nr)
            gather_wait(k, r)
            add_c(k, r)
            write_start(k, r)
        return 0

    lax.fori_loop(0, NMAIN // NBUF, ring_body, 0, unroll=False)
    for k in range(NMAIN, NCH):
        r = k % NBUF
        if k + LOOK < NCH:
            nr = (k + LOOK) % NBUF
            write_wait(k + LOOK - NBUF, nr)
            gather_start(k + LOOK, nr)
        gather_wait(k, r)
        add_c(k, r)
        write_start(k, r)
    for k in range(NCH - NBUF, NCH):
        write_wait(k, k % NBUF)


def kernel(inputs, word_table, pos_table, W, b, gamma, beta, moving_mean, moving_var):
    idx = inputs.reshape(-1).astype(jnp.int32)
    gamma2 = gamma.reshape(1, HIDDEN)
    var2 = moving_var.reshape(1, HIDDEN)
    b2 = b.reshape(1, HIDDEN)
    mean2 = moving_mean.reshape(1, HIDDEN)
    beta2 = beta.reshape(1, HIDDEN)

    full = lambda shp: pl.BlockSpec(shp, lambda i: (0, 0))
    tprime, cvec = pl.pallas_call(
        _transform_body,
        grid=(TGRID,),
        in_specs=[
            pl.BlockSpec((TBLK, HIDDEN), lambda i: (i, 0)),
            full((SEQ, HIDDEN)),
            full((HIDDEN, HIDDEN)),
            full((1, HIDDEN)),
            full((1, HIDDEN)),
            full((1, HIDDEN)),
            full((1, HIDDEN)),
            full((1, HIDDEN)),
        ],
        out_specs=[
            pl.BlockSpec((TBLK, HIDDEN), lambda i: (i, 0)),
            full((SEQ, HIDDEN)),
        ],
        out_shape=[
            jax.ShapeDtypeStruct((VOC, HIDDEN), jnp.float32),
            jax.ShapeDtypeStruct((SEQ, HIDDEN), jnp.float32),
        ],
    )(pos_table, word_table, W, gamma2, var2, b2, mean2, beta2)

    sc_call = functools.partial(
        pl.kernel,
        out_type=jax.ShapeDtypeStruct((ROWS, HIDDEN), jnp.float32),
        mesh=plsc.VectorSubcoreMesh(core_axis_name="c", subcore_axis_name="s"),
        scratch_types=(
            [pltpu.VMEM((PER_W,), jnp.int32),
             pltpu.VMEM((C2ROWS, HIDDEN), jnp.float32)]
            + [pltpu.VMEM((CHUNK, HIDDEN), jnp.float32)] * NBUF
            + [pltpu.SemaphoreType.DMA] * (2 * NBUF)
        ),
    )(_sc_gather)
    out = sc_call(tprime, idx, cvec)
    return out.reshape(BATCH, SEQ, HIDDEN)

# --- scband reference (transcript-rebuilt; emitter-appended) ---
"""Pipeline reference for scband-embeddings-31327491457209 (READ-ONLY COPY).

The authoritative reference and input builder live on the scoring server;
editing this copy changes nothing except your own understanding.
"""

import jax, jax.numpy as jnp
import numpy as np

VOC_SIZE = 100000
HIDDEN = 128
MAX_POS = 100000
BATCH = 1024
SEQ = 200

def setup_inputs(seed: int = 0) -> dict:
    key = jax.random.key(seed)
    k1, k2, k3, k4, k5 = jax.random.split(key, 5)
    inputs = jax.random.randint(k1, (BATCH, SEQ), 0, MAX_POS, dtype=jnp.int64 if jax.config.jax_enable_x64 else jnp.int32)
    # embedding tables ('uniform' initializer in keras: U(-0.05, 0.05))
    word_table = jax.random.uniform(k2, (VOC_SIZE, HIDDEN), minval=-0.05, maxval=0.05, dtype=jnp.float32)
    pos_table = jax.random.uniform(k3, (MAX_POS, HIDDEN), minval=-0.05, maxval=0.05, dtype=jnp.float32)
    # NormLayer Dense: kernel 'random_uniform' (U(-0.05,0.05)), bias zeros
    W = jax.random.uniform(k4, (HIDDEN, HIDDEN), minval=-0.05, maxval=0.05, dtype=jnp.float32)
    b = jnp.zeros((HIDDEN,), dtype=jnp.float32)
    # BatchNormalization params (fresh init, inference mode)
    gamma = jnp.ones((HIDDEN,), dtype=jnp.float32)
    beta = jnp.zeros((HIDDEN,), dtype=jnp.float32)
    moving_mean = jnp.zeros((HIDDEN,), dtype=jnp.float32)
    moving_var = jnp.ones((HIDDEN,), dtype=jnp.float32)
    return {"inputs": inputs, "word_table": word_table, "pos_table": pos_table, "W": W, "b": b, "gamma": gamma, "beta": beta, "moving_mean": moving_mean, "moving_var": moving_var}

def reference(inputs, word_table, pos_table, W, b, gamma, beta, moving_mean, moving_var):
    # Faithful translation: note the original code applies word_emb to position
    # indices and pos_emb to the input token ids (as written in the source).
    seq_len = inputs.shape[1]
    pos_idx = jnp.arange(seq_len)[None, :]  # [1, seq_len]
    word_embedding = jnp.take(word_table, pos_idx, axis=0)      # [1, seq_len, H]
    pos_embedding = jnp.take(pos_table, inputs, axis=0)         # [B, seq_len, H]
    embedding = word_embedding + pos_embedding                  # broadcast to [B, seq_len, H]
    # NormLayer: Dense then BatchNormalization (inference: use moving stats, eps=1e-3)
    x = jnp.dot(embedding, W) + b
    x = gamma * (x - moving_mean) / jnp.sqrt(moving_var + 1e-3) + beta
    # Dropout is identity in inference mode
    return x

if __name__ == "__main__":
    import jax
    _d = setup_inputs()
    print(jax.jit(kernel)(*tuple(_d.values())))

</pallas_src>

<mosaic_0001>
#map = affine_map<(d0, d1) -> (0, 0)>
#map1 = affine_map<(d0, d1) -> (0)>
module attributes {stable_mosaic.version = 14 : i64} {
  func.func @_sc_gather(%arg0: i32, %arg1: i32, %arg2: memref<100000x128xf32, #tpu.memory_space<hbm>>, %arg3: memref<204800xi32, #tpu.memory_space<hbm>>, %arg4: memref<200x128xf32, #tpu.memory_space<hbm>>, %arg5: memref<204800x128xf32, #tpu.memory_space<hbm>>, %arg6: memref<6400xi32, #tpu.memory_space<vmem>>, %arg7: memref<320x128xf32, #tpu.memory_space<vmem>>, %arg8: memref<128x128xf32, #tpu.memory_space<vmem>>, %arg9: memref<128x128xf32, #tpu.memory_space<vmem>>, %arg10: memref<128x128xf32, #tpu.memory_space<vmem>>, %arg11: memref<128x128xf32, #tpu.memory_space<vmem>>, %arg12: memref<128x128xf32, #tpu.memory_space<vmem>>, %arg13: memref<!tpu.dma_semaphore, #tpu.memory_space<semaphore_mem>>, %arg14: memref<!tpu.dma_semaphore, #tpu.memory_space<semaphore_mem>>, %arg15: memref<!tpu.dma_semaphore, #tpu.memory_space<semaphore_mem>>, %arg16: memref<!tpu.dma_semaphore, #tpu.memory_space<semaphore_mem>>, %arg17: memref<!tpu.dma_semaphore, #tpu.memory_space<semaphore_mem>>, %arg18: memref<!tpu.dma_semaphore, #tpu.memory_space<semaphore_mem>>, %arg19: memref<!tpu.dma_semaphore, #tpu.memory_space<semaphore_mem>>, %arg20: memref<!tpu.dma_semaphore, #tpu.memory_space<semaphore_mem>>, %arg21: memref<!tpu.dma_semaphore, #tpu.memory_space<semaphore_mem>>, %arg22: memref<!tpu.dma_semaphore, #tpu.memory_space<semaphore_mem>>) attributes {dimension_semantics = [#tpu.dimension_semantics<core_parallel>, #tpu.dimension_semantics<subcore_parallel>], iteration_bounds = array<i64: 2, 16>, scalar_prefetch = 0 : i64, scratch_operands = 17 : i64, tpu.core_type = #tpu.core_type<sc_vector_subcore>, window_params = [{transform_indices = #map}, {transform_indices = #map1}, {transform_indices = #map}, {transform_indices = #map}]} {
    %mul3A = arith.constant 2 : i32
    %mul3A_0 = arith.muli %arg1, %mul3A : i32
    %add3A = arith.addi %mul3A_0, %arg0 : i32
    %mul3A_1 = arith.constant 6400 : i32
    %mul3A_2 = arith.muli %add3A, %mul3A_1 : i32
    "tpu.region"() ({
      %run_scoped3A = tpu.sem_alloc : memref<!tpu.dma_semaphore, #tpu.memory_space<semaphore_mem>>
      %dma_start3A_157 = tpu.memref_slice %arg3[%mul3A_2] : memref<204800xi32, #tpu.memory_space<hbm>> -> memref<6400xi32, #tpu.memory_space<hbm>>
      %dma_start3A_158 = tpu.memref_slice %arg3[%mul3A_2] : memref<204800xi32, #tpu.memory_space<hbm>> -> memref<6400xi32, #tpu.memory_space<hbm>>
      tpu.enqueue_dma source(%dma_start3A_158 : memref<6400xi32, #tpu.memory_space<hbm>>) target(%arg6 : memref<6400xi32, #tpu.memory_space<vmem>>) target_semaphore(%run_scoped3A : memref<!tpu.dma_semaphore, #tpu.memory_space<semaphore_mem>>)
      %dma_wait3A_159 = tpu.memref_slice %arg3[%mul3A_2] : memref<204800xi32, #tpu.memory_space<hbm>> -> memref<6400xi32, #tpu.memory_space<hbm>>
      %dma_wait3A_160 = tpu.memref_slice %arg3[%mul3A_2] : memref<204800xi32, #tpu.memory_space<hbm>> -> memref<6400xi32, #tpu.memory_space<hbm>>
      tpu.wait_dma2 semaphore(%run_scoped3A : memref<!tpu.dma_semaphore, #tpu.memory_space<semaphore_mem>>) src(%dma_wait3A_160 : memref<6400xi32, #tpu.memory_space<hbm>>) dst(%arg6 : memref<6400xi32, #tpu.memory_space<vmem>>)
      tpu.yield
    }) : () -> ()
    "tpu.region"() ({
      %run_scoped3A = tpu.sem_alloc : memref<!tpu.dma_semaphore, #tpu.memory_space<semaphore_mem>>
      %dma_start3A_157 = arith.constant 0 : i32
      %dma_start3A_158 = arith.constant 0 : i32
      %dma_start3A_159 = tpu.memref_slice %arg7[%dma_start3A_157, %dma_start3A_158] : memref<320x128xf32, #tpu.memory_space<vmem>> -> memref<200x128xf32, #tpu.memory_space<vmem>>
      %dma_start3A_160 = arith.constant 0 : i32
      %dma_start3A_161 = arith.constant 0 : i32
      %dma_start3A_162 = tpu.memref_slice %arg7[%dma_start3A_160, %dma_start3A_161] : memref<320x128xf32, #tpu.memory_space<vmem>> -> memref<200x128xf32, #tpu.memory_space<vmem>>
      tpu.enqueue_dma source(%arg4 : memref<200x128xf32, #tpu.memory_space<hbm>>) target(%dma_start3A_162 : memref<200x128xf32, #tpu.memory_space<vmem>>) target_semaphore(%run_scoped3A : memref<!tpu.dma_semaphore, #tpu.memory_space<semaphore_mem>>)
      %dma_wait3A_163 = arith.constant 0 : i32
      %dma_wait3A_164 = arith.constant 0 : i32
      %dma_wait3A_165 = tpu.memref_slice %arg7[%dma_wait3A_163, %dma_wait3A_164] : memref<320x128xf32, #tpu.memory_space<vmem>> -> memref<200x128xf32, #tpu.memory_space<vmem>>
      %dma_wait3A_166 = arith.constant 0 : i32
      %dma_wait3A_167 = arith.constant 0 : i32
      %dma_wait3A_168 = tpu.memref_slice %arg7[%dma_wait3A_166, %dma_wait3A_167] : memref<320x128xf32, #tpu.memory_space<vmem>> -> memref<200x128xf32, #tpu.memory_space<vmem>>
      tpu.wait_dma2 semaphore(%run_scoped3A : memref<!tpu.dma_semaphore, #tpu.memory_space<semaphore_mem>>) src(%arg4 : memref<200x128xf32, #tpu.memory_space<hbm>>) dst(%dma_wait3A_168 : memref<200x128xf32, #tpu.memory_space<vmem>>)
      tpu.yield
    }) : () -> ()
    "tpu.region"() ({
      %run_scoped3A = tpu.sem_alloc : memref<!tpu.dma_semaphore, #tpu.memory_space<semaphore_mem>>
      %dma_start3A_157 = arith.constant 200 : i32
      %dma_start3A_158 = arith.constant 0 : i32
      %dma_start3A_159 = tpu.memref_slice %arg7[%dma_start3A_157, %dma_start3A_158] : memref<320x128xf32, #tpu.memory_space<vmem>> -> memref<120x128xf32, #tpu.memory_space<vmem>>
      %dma_start3A_160 = arith.constant 0 : i32
      %dma_start3A_161 = arith.constant 0 : i32
      %dma_start3A_162 = tpu.memref_slice %arg4[%dma_start3A_160, %dma_start3A_161] : memref<200x128xf32, #tpu.memory_space<hbm>> -> memref<120x128xf32, #tpu.memory_space<hbm>>
      %dma_start3A_163 = arith.constant 200 : i32
      %dma_start3A_164 = arith.constant 0 : i32
      %dma_start3A_165 = tpu.memref_slice %arg7[%dma_start3A_163, %dma_start3A_164] : memref<320x128xf32, #tpu.memory_space<vmem>> -> memref<120x128xf32, #tpu.memory_space<vmem>>
      %dma_start3A_166 = arith.constant 0 : i32
      %dma_start3A_167 = arith.constant 0 : i32
      %dma_start3A_168 = tpu.memref_slice %arg4[%dma_start3A_166, %dma_start3A_167] : memref<200x128xf32, #tpu.memory_space<hbm>> -> memref<120x128xf32, #tpu.memory_space<hbm>>
      tpu.enqueue_dma source(%dma_start3A_168 : memref<120x128xf32, #tpu.memory_space<hbm>>) target(%dma_start3A_165 : memref<120x128xf32, #tpu.memory_space<vmem>>) target_semaphore(%run_scoped3A : memref<!tpu.dma_semaphore, #tpu.memory_space<semaphore_mem>>)
      %dma_wait3A_169 = arith.constant 200 : i32
      %dma_wait3A_170 = arith.constant 0 : i32
      %dma_wait3A_171 = tpu.memref_slice %arg7[%dma_wait3A_169, %dma_wait3A_170] : memref<320x128xf32, #tpu.memory_space<vmem>> -> memref<120x128xf32, #tpu.memory_space<vmem>>
      %dma_wait3A_172 = arith.constant 0 : i32
      %dma_wait3A_173 = arith.constant 0 : i32
      %dma_wait3A_174 = tpu.memref_slice %arg4[%dma_wait3A_172, %dma_wait3A_173] : memref<200x128xf32, #tpu.memory_space<hbm>> -> memref<120x128xf32, #tpu.memory_space<hbm>>
      %dma_wait3A_175 = arith.constant 200 : i32
      %dma_wait3A_176 = arith.constant 0 : i32
      %dma_wait3A_177 = tpu.memref_slice %arg7[%dma_wait3A_175, %dma_wait3A_176] : memref<320x128xf32, #tpu.memory_space<vmem>> -> memref<120x128xf32, #tpu.memory_space<vmem>>
      %dma_wait3A_178 = arith.constant 0 : i32
      %dma_wait3A_179 = arith.constant 0 : i32
      %dma_wait3A_180 = tpu.memref_slice %arg4[%dma_wait3A_178, %dma_wait3A_179] : memref<200x128xf32, #tpu.memory_space<hbm>> -> memref<120x128xf32, #tpu.memory_space<hbm>>
      tpu.wait_dma2 semaphore(%run_scoped3A : memref<!tpu.dma_semaphore, #tpu.memory_space<semaphore_mem>>) src(%dma_wait3A_180 : memref<120x128xf32, #tpu.memory_space<hbm>>) dst(%dma_wait3A_177 : memref<120x128xf32, #tpu.memory_space<vmem>>)
      tpu.yield
    }) : () -> ()
    %dma_start3A = arith.constant 0 : i32
    %dma_start3A_3 = tpu.memref_slice %arg6[%dma_start3A] : memref<6400xi32, #tpu.memory_space<vmem>> -> memref<128xi32, #tpu.memory_space<vmem>>
    %dma_start3A_4 = arith.constant 0 : i32
    %dma_start3A_5 = arith.constant 0 : i32
    %dma_start3A_6 = tpu.memref_slice %arg2[%dma_start3A_4, %dma_start3A_5] : memref<100000x128xf32, #tpu.memory_space<hbm>> -> memref<100000x128xf32, #tpu.memory_space<hbm>>
    tpu.enqueue_indirect_dma source(%dma_start3A_6 : memref<100000x128xf32, #tpu.memory_space<hbm>>) target(%arg8 : memref<128x128xf32, #tpu.memory_space<vmem>>) offsets(%dma_start3A_3 : memref<128xi32, #tpu.memory_space<vmem>>) semaphore(%arg13 : memref<!tpu.dma_semaphore, #tpu.memory_space<semaphore_mem>>)
    %dma_start3A_7 = arith.constant 128 : i32
    %dma_start3A_8 = tpu.memref_slice %arg6[%dma_start3A_7] : memref<6400xi32, #tpu.memory_space<vmem>> -> memref<128xi32, #tpu.memory_space<vmem>>
    %dma_start3A_9 = arith.constant 0 : i32
    %dma_start3A_10 = arith.constant 0 : i32
    %dma_start3A_11 = tpu.memref_slice %arg2[%dma_start3A_9, %dma_start3A_10] : memref<100000x128xf32, #tpu.memory_space<hbm>> -> memref<100000x128xf32, #tpu.memory_space<hbm>>
    tpu.enqueue_indirect_dma source(%dma_start3A_11 : memref<100000x128xf32, #tpu.memory_space<hbm>>) target(%arg9 : memref<128x128xf32, #tpu.memory_space<vmem>>) offsets(%dma_start3A_8 : memref<128xi32, #tpu.memory_space<vmem>>) semaphore(%arg14 : memref<!tpu.dma_semaphore, #tpu.memory_space<semaphore_mem>>)
    %dma_start3A_12 = arith.constant 256 : i32
    %dma_start3A_13 = tpu.memref_slice %arg6[%dma_start3A_12] : memref<6400xi32, #tpu.memory_space<vmem>> -> memref<128xi32, #tpu.memory_space<vmem>>
    %dma_start3A_14 = arith.constant 0 : i32
    %dma_start3A_15 = arith.constant 0 : i32
    %dma_start3A_16 = tpu.memref_slice %arg2[%dma_start3A_14, %dma_start3A_15] : memref<100000x128xf32, #tpu.memory_space<hbm>> -> memref<100000x128xf32, #tpu.memory_space<hbm>>
    tpu.enqueue_indirect_dma source(%dma_start3A_16 : memref<100000x128xf32, #tpu.memory_space<hbm>>) target(%arg10 : memref<128x128xf32, #tpu.memory_space<vmem>>) offsets(%dma_start3A_13 : memref<128xi32, #tpu.memory_space<vmem>>) semaphore(%arg15 : memref<!tpu.dma_semaphore, #tpu.memory_space<semaphore_mem>>)
    %scan3A = arith.constant 0 : i32
    %scan3A_17 = arith.constant 0 : i32
    %scan3A_18 = arith.constant 9 : i32
    %scan3A_19 = arith.addi %scan3A_17, %scan3A_18 : i32
    %scan3A_20 = arith.constant 1 : i32
    %scan3A_21 = scf.for %scan3A_157 = %scan3A_17 to %scan3A_19 step %scan3A_20 iter_args(%scan3A_158 = %scan3A) -> (i32)  : i32 {
      %mul3A_159 = arith.constant 5 : i32
      %mul3A_160 = arith.muli %mul3A_159, %scan3A_157 : i32
      %add3A_161 = arith.constant 0 : i32
      %add3A_162 = arith.addi %mul3A_160, %add3A_161 : i32
      %add3A_163 = arith.constant 3 : i32
      %add3A_164 = arith.addi %add3A_162, %add3A_163 : i32
      %ge3A = arith.constant 5 : i32
      %ge3A_165 = arith.cmpi sge, %add3A_164, %ge3A : i32
      %convert_element_type3A = arith.extui %ge3A_165 : i1 to i32
      %cond3A = arith.constant 0 : i32
      %cond3A_166 = arith.cmpi ne, %convert_element_type3A, %cond3A : i32
      scf.if %cond3A_166 {
        %add3A_352 = arith.constant 3 : i32
        %add3A_353 = arith.addi %add3A_162, %add3A_352 : i32
        %sub3A = arith.constant 5 : i32
        %sub3A_354 = arith.subi %add3A_353, %sub3A : i32
        %mul3A_355 = arith.constant 128 : i32
        %mul3A_356 = arith.muli %sub3A_354, %mul3A_355 : i32
        %add3A_357 = arith.addi %mul3A_2, %mul3A_356 : i32
        %dma_wait3A_358 = arith.constant 0 : i32
        %dma_wait3A_359 = tpu.memref_slice %arg5[%add3A_357, %dma_wait3A_358] : memref<204800x128xf32, #tpu.memory_space<hbm>> -> memref<128x128xf32, #tpu.memory_space<hbm>>
        %dma_wait3A_360 = arith.constant 0 : i32
        %dma_wait3A_361 = tpu.memref_slice %arg5[%add3A_357, %dma_wait3A_360] : memref<204800x128xf32, #tpu.memory_space<hbm>> -> memref<128x128xf32, #tpu.memory_space<hbm>>
        tpu.wait_dma2 semaphore(%arg21 : memref<!tpu.dma_semaphore, #tpu.memory_space<semaphore_mem>>) src(%arg11 : memref<128x128xf32, #tpu.memory_space<vmem>>) dst(%dma_wait3A_361 : memref<128x128xf32, #tpu.memory_space<hbm>>)
      } else {
      }
      %add3A_167 = arith.constant 3 : i32
      %add3A_168 = arith.addi %add3A_162, %add3A_167 : i32
      %mul3A_169 = arith.constant 128 : i32
      %mul3A_170 = arith.muli %add3A_168, %mul3A_169 : i32
      %dma_start3A_171 = tpu.memref_slice %arg6[%mul3A_170] : memref<6400xi32, #tpu.memory_space<vmem>> -> memref<128xi32, #tpu.memory_space<vmem>>
      %dma_start3A_172 = arith.constant 0 : i32
      %dma_start3A_173 = arith.constant 0 : i32
      %dma_start3A_174 = tpu.memref_slice %arg2[%dma_start3A_172, %dma_start3A_173] : memref<100000x128xf32, #tpu.memory_space<hbm>> -> memref<100000x128xf32, #tpu.memory_space<hbm>>
      tpu.enqueue_indirect_dma source(%dma_start3A_174 : memref<100000x128xf32, #tpu.memory_space<hbm>>) target(%arg11 : memref<128x128xf32, #tpu.memory_space<vmem>>) offsets(%dma_start3A_171 : memref<128xi32, #tpu.memory_space<vmem>>) semaphore(%arg16 : memref<!tpu.dma_semaphore, #tpu.memory_space<semaphore_mem>>)
      %mul3A_175 = arith.constant 128 : i32
      %mul3A_176 = arith.muli %add3A_162, %mul3A_175 : i32
      %dma_wait3A_177 = tpu.memref_slice %arg6[%mul3A_176] : memref<6400xi32, #tpu.memory_space<vmem>> -> memref<128xi32, #tpu.memory_space<vmem>>
      %dma_wait3A_178 = arith.constant 0 : i32
      %dma_wait3A_179 = arith.constant 0 : i32
      %dma_wait3A_180 = tpu.memref_slice %arg2[%dma_wait3A_178, %dma_wait3A_179] : memref<100000x128xf32, #tpu.memory_space<hbm>> -> memref<100000x128xf32, #tpu.memory_space<hbm>>
      tpu.wait_indirect_dma semaphore(%arg13 : memref<!tpu.dma_semaphore, #tpu.memory_space<semaphore_mem>>) src(%dma_wait3A_180 : memref<100000x128xf32, #tpu.memory_space<hbm>>) dst(%arg8 : memref<128x128xf32, #tpu.memory_space<vmem>>)
      %mul3A_181 = arith.constant 128 : i32
      %mul3A_182 = arith.muli %add3A_162, %mul3A_181 : i32
      %rem3A_183 = arith.constant 200 : i32
      %rem3A_184 = arith.remsi %mul3A_182, %rem3A_183 : i32
      %parallel_loop3A_185 = arith.constant 0 : i32
      %parallel_loop3A_186 = arith.constant 128 : i32
      %parallel_loop3A_187 = arith.constant 1 : i32
      scf.for %parallel_loop3A_352 = %parallel_loop3A_185 to %parallel_loop3A_186 step %parallel_loop3A_187  : i32 {
        %parallel_loop3A_353 = arith.addi %rem3A_184, %parallel_loop3A_352 : i32
        %parallel_loop3A_354 = arith.index_cast %parallel_loop3A_353 : i32 to index
        %parallel_loop3A_355 = arith.constant 0 : index
        %parallel_loop3A_356 = tpu.vector_load %arg7[%parallel_loop3A_354, %parallel_loop3A_355] {strides = array<i32>} : memref<320x128xf32, #tpu.memory_space<vmem>>, vector<1x16xf32>,
        %parallel_loop3A_357 = vector.shape_cast %parallel_loop3A_356 : vector<1x16xf32> to vector<16xf32>
        %parallel_loop3A_358 = arith.index_cast %parallel_loop3A_352 : i32 to index
        %parallel_loop3A_359 = arith.constant 0 : index
        %parallel_loop3A_360 = tpu.vector_load %arg8[%parallel_loop3A_358, %parallel_loop3A_359] {strides = array<i32>} : memref<128x128xf32, #tpu.memory_space<vmem>>, vector<1x16xf32>,
        %parallel_loop3A_361 = vector.shape_cast %parallel_loop3A_360 : vector<1x16xf32> to vector<16xf32>
        %parallel_loop3A_362 = vector.shape_cast %parallel_loop3A_357 : vector<16xf32> to vector<1x16xf32>
        tpu.vector_store %arg8[%parallel_loop3A_358, %parallel_loop3A_359], %parallel_loop3A_362 {add = true, strides = array<i32>} : memref<128x128xf32, #tpu.memory_space<vmem>>, vector<1x16xf32>,
        %parallel_loop3A_363 = arith.index_cast %parallel_loop3A_353 : i32 to index
        %parallel_loop3A_364 = arith.constant 16 : index
        %parallel_loop3A_365 = tpu.vector_load %arg7[%parallel_loop3A_363, %parallel_loop3A_364] {strides = array<i32>} : memref<320x128xf32, #tpu.memory_space<vmem>>, vector<1x16xf32>,
        %parallel_loop3A_366 = vector.shape_cast %parallel_loop3A_365 : vector<1x16xf32> to vector<16xf32>
        %parallel_loop3A_367 = arith.index_cast %parallel_loop3A_352 : i32 to index
        %parallel_loop3A_368 = arith.constant 16 : index
        %parallel_loop3A_369 = tpu.vector_load %arg8[%parallel_loop3A_367, %parallel_loop3A_368] {strides = array<i32>} : memref<128x128xf32, #tpu.memory_space<vmem>>, vector<1x16xf32>,
        %parallel_loop3A_370 = vector.shape_cast %parallel_loop3A_369 : vector<1x16xf32> to vector<16xf32>
        %parallel_loop3A_371 = vector.shape_cast %parallel_loop3A_366 : vector<16xf32> to vector<1x16xf32>
        tpu.vector_store %arg8[%parallel_loop3A_367, %parallel_loop3A_368], %parallel_loop3A_371 {add = true, strides = array<i32>} : memref<128x128xf32, #tpu.memory_space<vmem>>, vector<1x16xf32>,
        %parallel_loop3A_372 = arith.index_cast %parallel_loop3A_353 : i32 to index
        %parallel_loop3A_373 = arith.constant 32 : index
        %parallel_loop3A_374 = tpu.vector_load %arg7[%parallel_loop3A_372, %parallel_loop3A_373] {strides = array<i32>} : memref<320x128xf32, #tpu.memory_space<vmem>>, vector<1x16xf32>,
        %parallel_loop3A_375 = vector.shape_cast %parallel_loop3A_374 : vector<1x16xf32> to vector<16xf32>
        %parallel_loop3A_376 = arith.index_cast %parallel_loop3A_352 : i32 to index
        %parallel_loop3A_377 = arith.constant 32 : index
        %parallel_loop3A_378 = tpu.vector_load %arg8[%parallel_loop3A_376, %parallel_loop3A_377] {strides = array<i32>} : memref<128x128xf32, #tpu.memory_space<vmem>>, vector<1x16xf32>,
        %parallel_loop3A_379 = vector.shape_cast %parallel_loop3A_378 : vector<1x16xf32> to vector<16xf32>
        %parallel_loop3A_380 = vector.shape_cast %parallel_loop3A_375 : vector<16xf32> to vector<1x16xf32>
        tpu.vector_store %arg8[%parallel_loop3A_376, %parallel_loop3A_377], %parallel_loop3A_380 {add = true, strides = array<i32>} : memref<128x128xf32, #tpu.memory_space<vmem>>, vector<1x16xf32>,
        %parallel_loop3A_381 = arith.index_cast %parallel_loop3A_353 : i32 to index
        %parallel_loop3A_382 = arith.constant 48 : index
        %parallel_loop3A_383 = tpu.vector_load %arg7[%parallel_loop3A_381, %parallel_loop3A_382] {strides = array<i32>} : memref<320x128xf32, #tpu.memory_space<vmem>>, vector<1x16xf32>,
        %parallel_loop3A_384 = vector.shape_cast %parallel_loop3A_383 : vector<1x16xf32> to vector<16xf32>
        %parallel_loop3A_385 = arith.index_cast %parallel_loop3A_352 : i32 to index
        %parallel_loop3A_386 = arith.constant 48 : index
        %parallel_loop3A_387 = tpu.vector_load %arg8[%parallel_loop3A_385, %parallel_loop3A_386] {strides = array<i32>} : memref<128x128xf32, #tpu.memory_space<vmem>>, vector<1x16xf32>,
        %parallel_loop3A_388 = vector.shape_cast %parallel_loop3A_387 : vector<1x16xf32> to vector<16xf32>
        %parallel_loop3A_389 = vector.shape_cast %parallel_loop3A_384 : vector<16xf32> to vector<1x16xf32>
        tpu.vector_store %arg8[%parallel_loop3A_385, %parallel_loop3A_386], %parallel_loop3A_389 {add = true, strides = array<i32>} : memref<128x128xf32, #tpu.memory_space<vmem>>, vector<1x16xf32>,
        %parallel_loop3A_390 = arith.index_cast %parallel_loop3A_353 : i32 to index
        %parallel_loop3A_391 = arith.constant 64 : index
        %parallel_loop3A_392 = tpu.vector_load %arg7[%parallel_loop3A_390, %parallel_loop3A_391] {strides = array<i32>} : memref<320x128xf32, #tpu.memory_space<vmem>>, vector<1x16xf32>,
        %parallel_loop3A_393 = vector.shape_cast %parallel_loop3A_392 : vector<1x16xf32> to vector<16xf32>
        %parallel_loop3A_394 = arith.index_cast %parallel_loop3A_352 : i32 to index
        %parallel_loop3A_395 = arith.constant 64 : index
        %parallel_loop3A_396 = tpu.vector_load %arg8[%parallel_loop3A_394, %parallel_loop3A_395] {strides = array<i32>} : memref<128x128xf32, #tpu.memory_space<vmem>>, vector<1x16xf32>,
        %parallel_loop3A_397 = vector.shape_cast %parallel_loop3A_396 : vector<1x16xf32> to vector<16xf32>
        %parallel_loop3A_398 = vector.shape_cast %parallel_loop3A_393 : vector<16xf32> to vector<1x16xf32>
        tpu.vector_store %arg8[%parallel_loop3A_394, %parallel_loop3A_395], %parallel_loop3A_398 {add = true, strides = array<i32>} : memref<128x128xf32, #tpu.memory_space<vmem>>, vector<1x16xf32>,
        %parallel_loop3A_399 = arith.index_cast %parallel_loop3A_353 : i32 to index
        %parallel_loop3A_400 = arith.constant 80 : index
        %parallel_loop3A_401 = tpu.vector_load %arg7[%parallel_loop3A_399, %parallel_loop3A_400] {strides = array<i32>} : memref<320x128xf32, #tpu.memory_space<vmem>>, vector<1x16xf32>,
        %parallel_loop3A_402 = vector.shape_cast %parallel_loop3A_401 : vector<1x16xf32> to vector<16xf32>
        %parallel_loop3A_403 = arith.index_cast %parallel_loop3A_352 : i32 to index
        %parallel_loop3A_404 = arith.constant 80 : index
        %parallel_loop3A_405 = tpu.vector_load %arg8[%parallel_loop3A_403, %parallel_loop3A_404] {strides = array<i32>} : memref<128x128xf32, #tpu.memory_space<vmem>>, vector<1x16xf32>,
        %parallel_loop3A_406 = vector.shape_cast %parallel_loop3A_405 : vector<1x16xf32> to vector<16xf32>
        %parallel_loop3A_407 = vector.shape_cast %parallel_loop3A_402 : vector<16xf32> to vector<1x16xf32>
        tpu.vector_store %arg8[%parallel_loop3A_403, %parallel_loop3A_404], %parallel_loop3A_407 {add = true, strides = array<i32>} : memref<128x128xf32, #tpu.memory_space<vmem>>, vector<1x16xf32>,
        %parallel_loop3A_408 = arith.index_cast %parallel_loop3A_353 : i32 to index
        %parallel_loop3A_409 = arith.constant 96 : index
        %parallel_loop3A_410 = tpu.vector_load %arg7[%parallel_loop3A_408, %parallel_loop3A_409] {strides = array<i32>} : memref<320x128xf32, #tpu.memory_space<vmem>>, vector<1x16xf32>,
        %parallel_loop3A_411 = vector.shape_cast %parallel_loop3A_410 : vector<1x16xf32> to vector<16xf32>
        %parallel_loop3A_412 = arith.index_cast %parallel_loop3A_352 : i32 to index
        %parallel_loop3A_413 = arith.constant 96 : index
        %parallel_loop3A_414 = tpu.vector_load %arg8[%parallel_loop3A_412, %parallel_loop3A_413] {strides = array<i32>} : memref<128x128xf32, #tpu.memory_space<vmem>>, vector<1x16xf32>,
        %parallel_loop3A_415 = vector.shape_cast %parallel_loop3A_414 : vector<1x16xf32> to vector<16xf32>
        %parallel_loop3A_416 = vector.shape_cast %parallel_loop3A_411 : vector<16xf32> to vector<1x16xf32>
        tpu.vector_store %arg8[%parallel_loop3A_412, %parallel_loop3A_413], %parallel_loop3A_416 {add = true, strides = array<i32>} : memref<128x128xf32, #tpu.memory_space<vmem>>, vector<1x16xf32>,
        %parallel_loop3A_417 = arith.index_cast %parallel_loop3A_353 : i32 to index
        %parallel_loop3A_418 = arith.constant 112 : index
        %parallel_loop3A_419 = tpu.vector_load %arg7[%parallel_loop3A_417, %parallel_loop3A_418] {strides = array<i32>} : memref<320x128xf32, #tpu.memory_space<vmem>>, vector<1x16xf32>,
        %parallel_loop3A_420 = vector.shape_cast %parallel_loop3A_419 : vector<1x16xf32> to vector<16xf32>
        %parallel_loop3A_421 = arith.index_cast %parallel_loop3A_352 : i32 to index
        %parallel_loop3A_422 = arith.constant 112 : index
        %parallel_loop3A_423 = tpu.vector_load %arg8[%parallel_loop3A_421, %parallel_loop3A_422] {strides = array<i32>} : memref<128x128xf32, #tpu.memory_space<vmem>>, vector<1x16xf32>,
        %parallel_loop3A_424 = vector.shape_cast %parallel_loop3A_423 : vector<1x16xf32> to vector<16xf32>
        %parallel_loop3A_425 = vector.shape_cast %parallel_loop3A_420 : vector<16xf32> to vector<1x16xf32>
        tpu.vector_store %arg8[%parallel_loop3A_421, %parallel_loop3A_422], %parallel_loop3A_425 {add = true, strides = array<i32>} : memref<128x128xf32, #tpu.memory_space<vmem>>, vector<1x16xf32>,
      } {sc.loop_unroll_factor = 4 : i64, sc.parallel_access}
      %mul3A_188 = arith.constant 128 : i32
      %mul3A_189 = arith.muli %add3A_162, %mul3A_188 : i32
      %add3A_190 = arith.addi %mul3A_2, %mul3A_189 : i32
      %dma_start3A_191 = arith.constant 0 : i32
      %dma_start3A_192 = tpu.memref_slice %arg5[%add3A_190, %dma_start3A_191] : memref<204800x128xf32, #tpu.memory_space<hbm>> -> memref<128x128xf32, #tpu.memory_space<hbm>>
      %dma_start3A_193 = arith.constant 0 : i32
      %dma_start3A_194 = tpu.memref_slice %arg5[%add3A_190, %dma_start3A_193] : memref<204800x128xf32, #tpu.memory_space<hbm>> -> memref<128x128xf32, #tpu.memory_space<hbm>>
      tpu.enqueue_dma source(%arg8 : memref<128x128xf32, #tpu.memory_space<vmem>>) target(%dma_start3A_194 : memref<128x128xf32, #tpu.memory_space<hbm>>) target_semaphore(%arg18 : memref<!tpu.dma_semaphore, #tpu.memory_space<semaphore_mem>>)
      %mul3A_195 = arith.constant 5 : i32
      %mul3A_196 = arith.muli %mul3A_195, %scan3A_157 : i32
      %add3A_197 = arith.constant 1 : i32
      %add3A_198 = arith.addi %mul3A_196, %add3A_197 : i32
      %add3A_199 = arith.constant 3 : i32
      %add3A_200 = arith.addi %add3A_198, %add3A_199 : i32
      %ge3A_201 = arith.constant 5 : i32
      %ge3A_202 = arith.cmpi sge, %add3A_200, %ge3A_201 : i32
      %convert_element_type3A_203 = arith.extui %ge3A_202 : i1 to i32
      %cond3A_204 = arith.constant 0 : i32
      %cond3A_205 = arith.cmpi ne, %convert_element_type3A_203, %cond3A_204 : i32
      scf.if %cond3A_205 {
        %add3A_352 = arith.constant 3 : i32
        %add3A_353 = arith.addi %add3A_198, %add3A_352 : i32
        %sub3A = arith.constant 5 : i32
        %sub3A_354 = arith.subi %add3A_353, %sub3A : i32
        %mul3A_355 = arith.constant 128 : i32
        %mul3A_356 = arith.muli %sub3A_354, %mul3A_355 : i32
        %add3A_357 = arith.addi %mul3A_2, %mul3A_356 : i32
        %dma_wait3A_358 = arith.constant 0 : i32
        %dma_wait3A_359 = tpu.memref_slice %arg5[%add3A_357, %dma_wait3A_358] : memref<204800x128xf32, #tpu.memory_space<hbm>> -> memref<128x128xf32, #tpu.memory_space<hbm>>
        %dma_wait3A_360 = arith.constant 0 : i32
        %dma_wait3A_361 = tpu.memref_slice %arg5[%add3A_357, %dma_wait3A_360] : memref<204800x128xf32, #tpu.memory_space<hbm>> -> memref<128x128xf32, #tpu.memory_space<hbm>>
        tpu.wait_dma2 semaphore(%arg22 : memref<!tpu.dma_semaphore, #tpu.memory_space<semaphore_mem>>) src(%arg12 : memref<128x128xf32, #tpu.memory_space<vmem>>) dst(%dma_wait3A_361 : memref<128x128xf32, #tpu.memory_space<hbm>>)
      } else {
      }
      %add3A_206 = arith.constant 3 : i32
      %add3A_207 = arith.addi %add3A_198, %add3A_206 : i32
      %mul3A_208 = arith.constant 128 : i32
      %mul3A_209 = arith.muli %add3A_207, %mul3A_208 : i32
      %dma_start3A_210 = tpu.memref_slice %arg6[%mul3A_209] : memref<6400xi32, #tpu.memory_space<vmem>> -> memref<128xi32, #tpu.memory_space<vmem>>
      %dma_start3A_211 = arith.constant 0 : i32
      %dma_start3A_212 = arith.constant 0 : i32
      %dma_start3A_213 = tpu.memref_slice %arg2[%dma_start3A_211, %dma_start3A_212] : memref<100000x128xf32, #tpu.memory_space<hbm>> -> memref<100000x128xf32, #tpu.memory_space<hbm>>
      tpu.enqueue_indirect_dma source(%dma_start3A_213 : memref<100000x128xf32, #tpu.memory_space<hbm>>) target(%arg12 : memref<128x128xf32, #tpu.memory_space<vmem>>) offsets(%dma_start3A_210 : memref<128xi32, #tpu.memory_space<vmem>>) semaphore(%arg17 : memref<!tpu.dma_semaphore, #tpu.memory_space<semaphore_mem>>)
      %mul3A_214 = arith.constant 128 : i32
      %mul3A_215 = arith.muli %add3A_198, %mul3A_214 : i32
      %dma_wait3A_216 = tpu.memref_slice %arg6[%mul3A_215] : memref<6400xi32, #tpu.memory_space<vmem>> -> memref<128xi32, #tpu.memory_space<vmem>>
      %dma_wait3A_217 = arith.constant 0 : i32
      %dma_wait3A_218 = arith.constant 0 : i32
      %dma_wait3A_219 = tpu.memref_slice %arg2[%dma_wait3A_217, %dma_wait3A_218] : memref<100000x128xf32, #tpu.memory_space<hbm>> -> memref<100000x128xf32, #tpu.memory_space<hbm>>
      tpu.wait_indirect_dma semaphore(%arg14 : memref<!tpu.dma_semaphore, #tpu.memory_space<semaphore_mem>>) src(%dma_wait3A_219 : memref<100000x128xf32, #tpu.memory_space<hbm>>) dst(%arg9 : memref<128x128xf32, #tpu.memory_space<vmem>>)
      %mul3A_220 = arith.constant 128 : i32
      %mul3A_221 = arith.muli %add3A_198, %mul3A_220 : i32
      %rem3A_222 = arith.constant 200 : i32
      %rem3A_223 = arith.remsi %mul3A_221, %rem3A_222 : i32
      %parallel_loop3A_224 = arith.constant 0 : i32
      %parallel_loop3A_225 = arith.constant 128 : i32
      %parallel_loop3A_226 = arith.constant 1 : i32
      scf.for %parallel_loop3A_352 = %parallel_loop3A_224 to %parallel_loop3A_225 step %parallel_loop3A_226  : i32 {
        %parallel_loop3A_353 = arith.addi %rem3A_223, %parallel_loop3A_352 : i32
        %parallel_loop3A_354 = arith.index_cast %parallel_loop3A_353 : i32 to index
        %parallel_loop3A_355 = arith.constant 0 : index
        %parallel_loop3A_356 = tpu.vector_load %arg7[%parallel_loop3A_354, %parallel_loop3A_355] {strides = array<i32>} : memref<320x128xf32, #tpu.memory_space<vmem>>, vector<1x16xf32>,
        %parallel_loop3A_357 = vector.shape_cast %parallel_loop3A_356 : vector<1x16xf32> to vector<16xf32>
        %parallel_loop3A_358 = arith.index_cast %parallel_loop3A_352 : i32 to index
        %parallel_loop3A_359 = arith.constant 0 : index
        %parallel_loop3A_360 = tpu.vector_load %arg9[%parallel_loop3A_358, %parallel_loop3A_359] {strides = array<i32>} : memref<128x128xf32, #tpu.memory_space<vmem>>, vector<1x16xf32>,
        %parallel_loop3A_361 = vector.shape_cast %parallel_loop3A_360 : vector<1x16xf32> to vector<16xf32>
        %parallel_loop3A_362 = vector.shape_cast %parallel_loop3A_357 : vector<16xf32> to vector<1x16xf32>
        tpu.vector_store %arg9[%parallel_loop3A_358, %parallel_loop3A_359], %parallel_loop3A_362 {add = true, strides = array<i32>} : memref<128x128xf32, #tpu.memory_space<vmem>>, vector<1x16xf32>,
        %parallel_loop3A_363 = arith.index_cast %parallel_loop3A_353 : i32 to index
        %parallel_loop3A_364 = arith.constant 16 : index
        %parallel_loop3A_365 = tpu.vector_load %arg7[%parallel_loop3A_363, %parallel_loop3A_364] {strides = array<i32>} : memref<320x128xf32, #tpu.memory_space<vmem>>, vector<1x16xf32>,
        %parallel_loop3A_366 = vector.shape_cast %parallel_loop3A_365 : vector<1x16xf32> to vector<16xf32>
        %parallel_loop3A_367 = arith.index_cast %parallel_loop3A_352 : i32 to index
        %parallel_loop3A_368 = arith.constant 16 : index
        %parallel_loop3A_369 = tpu.vector_load %arg9[%parallel_loop3A_367, %parallel_loop3A_368] {strides = array<i32>} : memref<128x128xf32, #tpu.memory_space<vmem>>, vector<1x16xf32>,
        %parallel_loop3A_370 = vector.shape_cast %parallel_loop3A_369 : vector<1x16xf32> to vector<16xf32>
        %parallel_loop3A_371 = vector.shape_cast %parallel_loop3A_366 : vector<16xf32> to vector<1x16xf32>
        tpu.vector_store %arg9[%parallel_loop3A_367, %parallel_loop3A_368], %parallel_loop3A_371 {add = true, strides = array<i32>} : memref<128x128xf32, #tpu.memory_space<vmem>>, vector<1x16xf32>,
        %parallel_loop3A_372 = arith.index_cast %parallel_loop3A_353 : i32 to index
        %parallel_loop3A_373 = arith.constant 32 : index
        %parallel_loop3A_374 = tpu.vector_load %arg7[%parallel_loop3A_372, %parallel_loop3A_373] {strides = array<i32>} : memref<320x128xf32, #tpu.memory_space<vmem>>, vector<1x16xf32>,
        %parallel_loop3A_375 = vector.shape_cast %parallel_loop3A_374 : vector<1x16xf32> to vector<16xf32>
        %parallel_loop3A_376 = arith.index_cast %parallel_loop3A_352 : i32 to index
        %parallel_loop3A_377 = arith.constant 32 : index
        %parallel_loop3A_378 = tpu.vector_load %arg9[%parallel_loop3A_376, %parallel_loop3A_377] {strides = array<i32>} : memref<128x128xf32, #tpu.memory_space<vmem>>, vector<1x16xf32>,
        %parallel_loop3A_379 = vector.shape_cast %parallel_loop3A_378 : vector<1x16xf32> to vector<16xf32>
        %parallel_loop3A_380 = vector.shape_cast %parallel_loop3A_375 : vector<16xf32> to vector<1x16xf32>
        tpu.vector_store %arg9[%parallel_loop3A_376, %parallel_loop3A_377], %parallel_loop3A_380 {add = true, strides = array<i32>} : memref<128x128xf32, #tpu.memory_space<vmem>>, vector<1x16xf32>,
        %parallel_loop3A_381 = arith.index_cast %parallel_loop3A_353 : i32 to index
        %parallel_loop3A_382 = arith.constant 48 : index
        %parallel_loop3A_383 = tpu.vector_load %arg7[%parallel_loop3A_381, %parallel_loop3A_382] {strides = array<i32>} : memref<320x128xf32, #tpu.memory_space<vmem>>, vector<1x16xf32>,
        %parallel_loop3A_384 = vector.shape_cast %parallel_loop3A_383 : vector<1x16xf32> to vector<16xf32>
        %parallel_loop3A_385 = arith.index_cast %parallel_loop3A_352 : i32 to index
        %parallel_loop3A_386 = arith.constant 48 : index
        %parallel_loop3A_387 = tpu.vector_load %arg9[%parallel_loop3A_385, %parallel_loop3A_386] {strides = array<i32>} : memref<128x128xf32, #tpu.memory_space<vmem>>, vector<1x16xf32>,
        %parallel_loop3A_388 = vector.shape_cast %parallel_loop3A_387 : vector<1x16xf32> to vector<16xf32>
        %parallel_loop3A_389 = vector.shape_cast %parallel_loop3A_384 : vector<16xf32> to vector<1x16xf32>
        tpu.vector_store %arg9[%parallel_loop3A_385, %parallel_loop3A_386], %parallel_loop3A_389 {add = true, strides = array<i32>} : memref<128x128xf32, #tpu.memory_space<vmem>>, vector<1x16xf32>,
        %parallel_loop3A_390 = arith.index_cast %parallel_loop3A_353 : i32 to index
        %parallel_loop3A_391 = arith.constant 64 : index
        %parallel_loop3A_392 = tpu.vector_load %arg7[%parallel_loop3A_390, %parallel_loop3A_391] {strides = array<i32>} : memref<320x128xf32, #tpu.memory_space<vmem>>, vector<1x16xf32>,
        %parallel_loop3A_393 = vector.shape_cast %parallel_loop3A_392 : vector<1x16xf32> to vector<16xf32>
        %parallel_loop3A_394 = arith.index_cast %parallel_loop3A_352 : i32 to index
        %parallel_loop3A_395 = arith.constant 64 : index
        %parallel_loop3A_396 = tpu.vector_load %arg9[%parallel_loop3A_394, %parallel_loop3A_395] {strides = array<i32>} : memref<128x128xf32, #tpu.memory_space<vmem>>, vector<1x16xf32>,
        %parallel_loop3A_397 = vector.shape_cast %parallel_loop3A_396 : vector<1x16xf32> to vector<16xf32>
        %parallel_loop3A_398 = vector.shape_cast %parallel_loop3A_393 : vector<16xf32> to vector<1x16xf32>
        tpu.vector_store %arg9[%parallel_loop3A_394, %parallel_loop3A_395], %parallel_loop3A_398 {add = true, strides = array<i32>} : memref<128x128xf32, #tpu.memory_space<vmem>>, vector<1x16xf32>,
        %parallel_loop3A_399 = arith.index_cast %parallel_loop3A_353 : i32 to index
        %parallel_loop3A_400 = arith.constant 80 : index
        %parallel_loop3A_401 = tpu.vector_load %arg7[%parallel_loop3A_399, %parallel_loop3A_400] {strides = array<i32>} : memref<320x128xf32, #tpu.memory_space<vmem>>, vector<1x16xf32>,
        %parallel_loop3A_402 = vector.shape_cast %parallel_loop3A_401 : vector<1x16xf32> to vector<16xf32>
        %parallel_loop3A_403 = arith.index_cast %parallel_loop3A_352 : i32 to index
        %parallel_loop3A_404 = arith.constant 80 : index
        %parallel_loop3A_405 = tpu.vector_load %arg9[%parallel_loop3A_403, %parallel_loop3A_404] {strides = array<i32>} : memref<128x128xf32, #tpu.memory_space<vmem>>, vector<1x16xf32>,
        %parallel_loop3A_406 = vector.shape_cast %parallel_loop3A_405 : vector<1x16xf32> to vector<16xf32>
        %parallel_loop3A_407 = vector.shape_cast %parallel_loop3A_402 : vector<16xf32> to vector<1x16xf32>
        tpu.vector_store %arg9[%parallel_loop3A_403, %parallel_loop3A_404], %parallel_loop3A_407 {add = true, strides = array<i32>} : memref<128x128xf32, #tpu.memory_space<vmem>>, vector<1x16xf32>,
        %parallel_loop3A_408 = arith.index_cast %parallel_loop3A_353 : i32 to index
        %parallel_loop3A_409 = arith.constant 96 : index
        %parallel_loop3A_410 = tpu.vector_load %arg7[%parallel_loop3A_408, %parallel_loop3A_409] {strides = array<i32>} : memref<320x128xf32, #tpu.memory_space<vmem>>, vector<1x16xf32>,
        %parallel_loop3A_411 = vector.shape_cast %parallel_loop3A_410 : vector<1x16xf32> to vector<16xf32>
        %parallel_loop3A_412 = arith.index_cast %parallel_loop3A_352 : i32 to index
        %parallel_loop3A_413 = arith.constant 96 : index
        %parallel_loop3A_414 = tpu.vector_load %arg9[%parallel_loop3A_412, %parallel_loop3A_413] {strides = array<i32>} : memref<128x128xf32, #tpu.memory_space<vmem>>, vector<1x16xf32>,
        %parallel_loop3A_415 = vector.shape_cast %parallel_loop3A_414 : vector<1x16xf32> to vector<16xf32>
        %parallel_loop3A_416 = vector.shape_cast %parallel_loop3A_411 : vector<16xf32> to vector<1x16xf32>
        tpu.vector_store %arg9[%parallel_loop3A_412, %parallel_loop3A_413], %parallel_loop3A_416 {add = true, strides = array<i32>} : memref<128x128xf32, #tpu.memory_space<vmem>>, vector<1x16xf32>,
        %parallel_loop3A_417 = arith.index_cast %parallel_loop3A_353 : i32 to index
        %parallel_loop3A_418 = arith.constant 112 : index
        %parallel_loop3A_419 = tpu.vector_load %arg7[%parallel_loop3A_417, %parallel_loop3A_418] {strides = array<i32>} : memref<320x128xf32, #tpu.memory_space<vmem>>, vector<1x16xf32>,
        %parallel_loop3A_420 = vector.shape_cast %parallel_loop3A_419 : vector<1x16xf32> to vector<16xf32>
        %parallel_loop3A_421 = arith.index_cast %parallel_loop3A_352 : i32 to index
        %parallel_loop3A_422 = arith.constant 112 : index
        %parallel_loop3A_423 = tpu.vector_load %arg9[%parallel_loop3A_421, %parallel_loop3A_422] {strides = array<i32>} : memref<128x128xf32, #tpu.memory_space<vmem>>, vector<1x16xf32>,
        %parallel_loop3A_424 = vector.shape_cast %parallel_loop3A_423 : vector<1x16xf32> to vector<16xf32>
        %parallel_loop3A_425 = vector.shape_cast %parallel_loop3A_420 : vector<16xf32> to vector<1x16xf32>
        tpu.vector_store %arg9[%parallel_loop3A_421, %parallel_loop3A_422], %parallel_loop3A_425 {add = true, strides = array<i32>} : memref<128x128xf32, #tpu.memory_space<vmem>>, vector<1x16xf32>,
      } {sc.loop_unroll_factor = 4 : i64, sc.parallel_access}
      %mul3A_227 = arith.constant 128 : i32
      %mul3A_228 = arith.muli %add3A_198, %mul3A_227 : i32
      %add3A_229 = arith.addi %mul3A_2, %mul3A_228 : i32
      %dma_start3A_230 = arith.constant 0 : i32
      %dma_start3A_231 = tpu.memref_slice %arg5[%add3A_229, %dma_start3A_230] : memref<204800x128xf32, #tpu.memory_space<hbm>> -> memref<128x128xf32, #tpu.memory_space<hbm>>
      %dma_start3A_232 = arith.constant 0 : i32
      %dma_start3A_233 = tpu.memref_slice %arg5[%add3A_229, %dma_start3A_232] : memref<204800x128xf32, #tpu.memory_space<hbm>> -> memref<128x128xf32, #tpu.memory_space<hbm>>
      tpu.enqueue_dma source(%arg9 : memref<128x128xf32, #tpu.memory_space<vmem>>) target(%dma_start3A_233 : memref<128x128xf32, #tpu.memory_space<hbm>>) target_semaphore(%arg19 : memref<!tpu.dma_semaphore, #tpu.memory_space<semaphore_mem>>)
      %mul3A_234 = arith.constant 5 : i32
      %mul3A_235 = arith.muli %mul3A_234, %scan3A_157 : i32
      %add3A_236 = arith.constant 2 : i32
      %add3A_237 = arith.addi %mul3A_235, %add3A_236 : i32
      %add3A_238 = arith.constant 3 : i32
      %add3A_239 = arith.addi %add3A_237, %add3A_238 : i32
      %ge3A_240 = arith.constant 5 : i32
      %ge3A_241 = arith.cmpi sge, %add3A_239, %ge3A_240 : i32
      %convert_element_type3A_242 = arith.extui %ge3A_241 : i1 to i32
      %cond3A_243 = arith.constant 0 : i32
      %cond3A_244 = arith.cmpi ne, %convert_element_type3A_242, %cond3A_243 : i32
      scf.if %cond3A_244 {
        %add3A_352 = arith.constant 3 : i32
        %add3A_353 = arith.addi %add3A_237, %add3A_352 : i32
        %sub3A = arith.constant 5 : i32
        %sub3A_354 = arith.subi %add3A_353, %sub3A : i32
        %mul3A_355 = arith.constant 128 : i32
        %mul3A_356 = arith.muli %sub3A_354, %mul3A_355 : i32
        %add3A_357 = arith.addi %mul3A_2, %mul3A_356 : i32
        %dma_wait3A_358 = arith.constant 0 : i32
        %dma_wait3A_359 = tpu.memref_slice %arg5[%add3A_357, %dma_wait3A_358] : memref<204800x128xf32, #tpu.memory_space<hbm>> -> memref<128x128xf32, #tpu.memory_space<hbm>>
        %dma_wait3A_360 = arith.constant 0 : i32
        %dma_wait3A_361 = tpu.memref_slice %arg5[%add3A_357, %dma_wait3A_360] : memref<204800x128xf32, #tpu.memory_space<hbm>> -> memref<128x128xf32, #tpu.memory_space<hbm>>
        tpu.wait_dma2 semaphore(%arg18 : memref<!tpu.dma_semaphore, #tpu.memory_space<semaphore_mem>>) src(%arg8 : memref<128x128xf32, #tpu.memory_space<vmem>>) dst(%dma_wait3A_361 : memref<128x128xf32, #tpu.memory_space<hbm>>)
      } else {
      }
      %add3A_245 = arith.constant 3 : i32
      %add3A_246 = arith.addi %add3A_237, %add3A_245 : i32
      %mul3A_247 = arith.constant 128 : i32
      %mul3A_248 = arith.muli %add3A_246, %mul3A_247 : i32
      %dma_start3A_249 = tpu.memref_slice %arg6[%mul3A_248] : memref<6400xi32, #tpu.memory_space<vmem>> -> memref<128xi32, #tpu.memory_space<vmem>>
      %dma_start3A_250 = arith.constant 0 : i32
      %dma_start3A_251 = arith.constant 0 : i32
      %dma_start3A_252 = tpu.memref_slice %arg2[%dma_start3A_250, %dma_start3A_251] : memref<100000x128xf32, #tpu.memory_space<hbm>> -> memref<100000x128xf32, #tpu.memory_space<hbm>>
      tpu.enqueue_indirect_dma source(%dma_start3A_252 : memref<100000x128xf32, #tpu.memory_space<hbm>>) target(%arg8 : memref<128x128xf32, #tpu.memory_space<vmem>>) offsets(%dma_start3A_249 : memref<128xi32, #tpu.memory_space<vmem>>) semaphore(%arg13 : memref<!tpu.dma_semaphore, #tpu.memory_space<semaphore_mem>>)
      %mul3A_253 = arith.constant 128 : i32
      %mul3A_254 = arith.muli %add3A_237, %mul3A_253 : i32
      %dma_wait3A_255 = tpu.memref_slice %arg6[%mul3A_254] : memref<6400xi32, #tpu.memory_space<vmem>> -> memref<128xi32, #tpu.memory_space<vmem>>
      %dma_wait3A_256 = arith.constant 0 : i32
      %dma_wait3A_257 = arith.constant 0 : i32
      %dma_wait3A_258 = tpu.memref_slice %arg2[%dma_wait3A_256, %dma_wait3A_257] : memref<100000x128xf32, #tpu.memory_space<hbm>> -> memref<100000x128xf32, #tpu.memory_space<hbm>>
      tpu.wait_indirect_dma semaphore(%arg15 : memref<!tpu.dma_semaphore, #tpu.memory_space<semaphore_mem>>) src(%dma_wait3A_258 : memref<100000x128xf32, #tpu.memory_space<hbm>>) dst(%arg10 : memref<128x128xf32, #tpu.memory_space<vmem>>)
      %mul3A_259 = arith.constant 128 : i32
      %mul3A_260 = arith.muli %add3A_237, %mul3A_259 : i32
      %rem3A_261 = arith.constant 200 : i32
      %rem3A_262 = arith.remsi %mul3A_260, %rem3A_261 : i32
      %parallel_loop3A_263 = arith.constant 0 : i32
      %parallel_loop3A_264 = arith.constant 128 : i32
      %parallel_loop3A_265 = arith.constant 1 : i32
      scf.for %parallel_loop3A_352 = %parallel_loop3A_263 to %parallel_loop3A_264 step %parallel_loop3A_265  : i32 {
        %parallel_loop3A_353 = arith.addi %rem3A_262, %parallel_loop3A_352 : i32
        %parallel_loop3A_354 = arith.index_cast %parallel_loop3A_353 : i32 to index
        %parallel_loop3A_355 = arith.constant 0 : index
        %parallel_loop3A_356 = tpu.vector_load %arg7[%parallel_loop3A_354, %parallel_loop3A_355] {strides = array<i32>} : memref<320x128xf32, #tpu.memory_space<vmem>>, vector<1x16xf32>,
        %parallel_loop3A_357 = vector.shape_cast %parallel_loop3A_356 : vector<1x16xf32> to vector<16xf32>
        %parallel_loop3A_358 = arith.index_cast %parallel_loop3A_352 : i32 to index
        %parallel_loop3A_359 = arith.constant 0 : index
        %parallel_loop3A_360 = tpu.vector_load %arg10[%parallel_loop3A_358, %parallel_loop3A_359] {strides = array<i32>} : memref<128x128xf32, #tpu.memory_space<vmem>>, vector<1x16xf32>,
        %parallel_loop3A_361 = vector.shape_cast %parallel_loop3A_360 : vector<1x16xf32> to vector<16xf32>
        %parallel_loop3A_362 = vector.shape_cast %parallel_loop3A_357 : vector<16xf32> to vector<1x16xf32>
        tpu.vector_store %arg10[%parallel_loop3A_358, %parallel_loop3A_359], %parallel_loop3A_362 {add = true, strides = array<i32>} : memref<128x128xf32, #tpu.memory_space<vmem>>, vector<1x16xf32>,
        %parallel_loop3A_363 = arith.index_cast %parallel_loop3A_353 : i32 to index
        %parallel_loop3A_364 = arith.constant 16 : index
        %parallel_loop3A_365 = tpu.vector_load %arg7[%parallel_loop3A_363, %parallel_loop3A_364] {strides = array<i32>} : memref<320x128xf32, #tpu.memory_space<vmem>>, vector<1x16xf32>,
        %parallel_loop3A_366 = vector.shape_cast %parallel_loop3A_365 : vector<1x16xf32> to vector<16xf32>
        %parallel_loop3A_367 = arith.index_cast %parallel_loop3A_352 : i32 to index
        %parallel_loop3A_368 = arith.constant 16 : index
        %parallel_loop3A_369 = tpu.vector_load %arg10[%parallel_loop3A_367, %parallel_loop3A_368] {strides = array<i32>} : memref<128x128xf32, #tpu.memory_space<vmem>>, vector<1x16xf32>,
        %parallel_loop3A_370 = vector.shape_cast %parallel_loop3A_369 : vector<1x16xf32> to vector<16xf32>
        %parallel_loop3A_371 = vector.shape_cast %parallel_loop3A_366 : vector<16xf32> to vector<1x16xf32>
        tpu.vector_store %arg10[%parallel_loop3A_367, %parallel_loop3A_368], %parallel_loop3A_371 {add = true, strides = array<i32>} : memref<128x128xf32, #tpu.memory_space<vmem>>, vector<1x16xf32>,
        %parallel_loop3A_372 = arith.index_cast %parallel_loop3A_353 : i32 to index
        %parallel_loop3A_373 = arith.constant 32 : index
        %parallel_loop3A_374 = tpu.vector_load %arg7[%parallel_loop3A_372, %parallel_loop3A_373] {strides = array<i32>} : memref<320x128xf32, #tpu.memory_space<vmem>>, vector<1x16xf32>,
        %parallel_loop3A_375 = vector.shape_cast %parallel_loop3A_374 : vector<1x16xf32> to vector<16xf32>
        %parallel_loop3A_376 = arith.index_cast %parallel_loop3A_352 : i32 to index
        %parallel_loop3A_377 = arith.constant 32 : index
        %parallel_loop3A_378 = tpu.vector_load %arg10[%parallel_loop3A_376, %parallel_loop3A_377] {strides = array<i32>} : memref<128x128xf32, #tpu.memory_space<vmem>>, vector<1x16xf32>,
        %parallel_loop3A_379 = vector.shape_cast %parallel_loop3A_378 : vector<1x16xf32> to vector<16xf32>
        %parallel_loop3A_380 = vector.shape_cast %parallel_loop3A_375 : vector<16xf32> to vector<1x16xf32>
        tpu.vector_store %arg10[%parallel_loop3A_376, %parallel_loop3A_377], %parallel_loop3A_380 {add = true, strides = array<i32>} : memref<128x128xf32, #tpu.memory_space<vmem>>, vector<1x16xf32>,
        %parallel_loop3A_381 = arith.index_cast %parallel_loop3A_353 : i32 to index
        %parallel_loop3A_382 = arith.constant 48 : index
        %parallel_loop3A_383 = tpu.vector_load %arg7[%parallel_loop3A_381, %parallel_loop3A_382] {strides = array<i32>} : memref<320x128xf32, #tpu.memory_space<vmem>>, vector<1x16xf32>,
        %parallel_loop3A_384 = vector.shape_cast %parallel_loop3A_383 : vector<1x16xf32> to vector<16xf32>
        %parallel_loop3A_385 = arith.index_cast %parallel_loop3A_352 : i32 to index
        %parallel_loop3A_386 = arith.constant 48 : index
        %parallel_loop3A_387 = tpu.vector_load %arg10[%parallel_loop3A_385, %parallel_loop3A_386] {strides = array<i32>} : memref<128x128xf32, #tpu.memory_space<vmem>>, vector<1x16xf32>,
        %parallel_loop3A_388 = vector.shape_cast %parallel_loop3A_387 : vector<1x16xf32> to vector<16xf32>
        %parallel_loop3A_389 = vector.shape_cast %parallel_loop3A_384 : vector<16xf32> to vector<1x16xf32>
        tpu.vector_store %arg10[%parallel_loop3A_385, %parallel_loop3A_386], %parallel_loop3A_389 {add = true, strides = array<i32>} : memref<128x128xf32, #tpu.memory_space<vmem>>, vector<1x16xf32>,
        %parallel_loop3A_390 = arith.index_cast %parallel_loop3A_353 : i32 to index
        %parallel_loop3A_391 = arith.constant 64 : index
        %parallel_loop3A_392 = tpu.vector_load %arg7[%parallel_loop3A_390, %parallel_loop3A_391] {strides = array<i32>} : memref<320x128xf32, #tpu.memory_space<vmem>>, vector<1x16xf32>,
        %parallel_loop3A_393 = vector.shape_cast %parallel_loop3A_392 : vector<1x16xf32> to vector<16xf32>
        %parallel_loop3A_394 = arith.index_cast %parallel_loop3A_352 : i32 to index
        %parallel_loop3A_395 = arith.constant 64 : index
        %parallel_loop3A_396 = tpu.vector_load %arg10[%parallel_loop3A_394, %parallel_loop3A_395] {strides = array<i32>} : memref<128x128xf32, #tpu.memory_space<vmem>>, vector<1x16xf32>,
        %parallel_loop3A_397 = vector.shape_cast %parallel_loop3A_396 : vector<1x16xf32> to vector<16xf32>
        %parallel_loop3A_398 = vector.shape_cast %parallel_loop3A_393 : vector<16xf32> to vector<1x16xf32>
        tpu.vector_store %arg10[%parallel_loop3A_394, %parallel_loop3A_395], %parallel_loop3A_398 {add = true, strides = array<i32>} : memref<128x128xf32, #tpu.memory_space<vmem>>, vector<1x16xf32>,
        %parallel_loop3A_399 = arith.index_cast %parallel_loop3A_353 : i32 to index
        %parallel_loop3A_400 = arith.constant 80 : index
        %parallel_loop3A_401 = tpu.vector_load %arg7[%parallel_loop3A_399, %parallel_loop3A_400] {strides = array<i32>} : memref<320x128xf32, #tpu.memory_space<vmem>>, vector<1x16xf32>,
        %parallel_loop3A_402 = vector.shape_cast %parallel_loop3A_401 : vector<1x16xf32> to vector<16xf32>
        %parallel_loop3A_403 = arith.index_cast %parallel_loop3A_352 : i32 to index
        %parallel_loop3A_404 = arith.constant 80 : index
        %parallel_loop3A_405 = tpu.vector_load %arg10[%parallel_loop3A_403, %parallel_loop3A_404] {strides = array<i32>} : memref<128x128xf32, #tpu.memory_space<vmem>>, vector<1x16xf32>,
        %parallel_loop3A_406 = vector.shape_cast %parallel_loop3A_405 : vector<1x16xf32> to vector<16xf32>
        %parallel_loop3A_407 = vector.shape_cast %parallel_loop3A_402 : vector<16xf32> to vector<1x16xf32>
        tpu.vector_store %arg10[%parallel_loop3A_403, %parallel_loop3A_404], %parallel_loop3A_407 {add = true, strides = array<i32>} : memref<128x128xf32, #tpu.memory_space<vmem>>, vector<1x16xf32>,
        %parallel_loop3A_408 = arith.index_cast %parallel_loop3A_353 : i32 to index
        %parallel_loop3A_409 = arith.constant 96 : index
        %parallel_loop3A_410 = tpu.vector_load %arg7[%parallel_loop3A_408, %parallel_loop3A_409] {strides = array<i32>} : memref<320x128xf32, #tpu.memory_space<vmem>>, vector<1x16xf32>,
        %parallel_loop3A_411 = vector.shape_cast %parallel_loop3A_410 : vector<1x16xf32> to vector<16xf32>
        %parallel_loop3A_412 = arith.index_cast %parallel_loop3A_352 : i32 to index
        %parallel_loop3A_413 = arith.constant 96 : index
        %parallel_loop3A_414 = tpu.vector_load %arg10[%parallel_loop3A_412, %parallel_loop3A_413] {strides = array<i32>} : memref<128x128xf32, #tpu.memory_space<vmem>>, vector<1x16xf32>,
        %parallel_loop3A_415 = vector.shape_cast %parallel_loop3A_414 : vector<1x16xf32> to vector<16xf32>
        %parallel_loop3A_416 = vector.shape_cast %parallel_loop3A_411 : vector<16xf32> to vector<1x16xf32>
        tpu.vector_store %arg10[%parallel_loop3A_412, %parallel_loop3A_413], %parallel_loop3A_416 {add = true, strides = array<i32>} : memref<128x128xf32, #tpu.memory_space<vmem>>, vector<1x16xf32>,
        %parallel_loop3A_417 = arith.index_cast %parallel_loop3A_353 : i32 to index
        %parallel_loop3A_418 = arith.constant 112 : index
        %parallel_loop3A_419 = tpu.vector_load %arg7[%parallel_loop3A_417, %parallel_loop3A_418] {strides = array<i32>} : memref<320x128xf32, #tpu.memory_space<vmem>>, vector<1x16xf32>,
        %parallel_loop3A_420 = vector.shape_cast %parallel_loop3A_419 : vector<1x16xf32> to vector<16xf32>
        %parallel_loop3A_421 = arith.index_cast %parallel_loop3A_352 : i32 to index
        %parallel_loop3A_422 = arith.constant 112 : index
        %parallel_loop3A_423 = tpu.vector_load %arg10[%parallel_loop3A_421, %parallel_loop3A_422] {strides = array<i32>} : memref<128x128xf32, #tpu.memory_space<vmem>>, vector<1x16xf32>,
        %parallel_loop3A_424 = vector.shape_cast %parallel_loop3A_423 : vector<1x16xf32> to vector<16xf32>
        %parallel_loop3A_425 = vector.shape_cast %parallel_loop3A_420 : vector<16xf32> to vector<1x16xf32>
        tpu.vector_store %arg10[%parallel_loop3A_421, %parallel_loop3A_422], %parallel_loop3A_425 {add = true, strides = array<i32>} : memref<128x128xf32, #tpu.memory_space<vmem>>, vector<1x16xf32>,
      } {sc.loop_unroll_factor = 4 : i64, sc.parallel_access}
      %mul3A_266 = arith.constant 128 : i32
      %mul3A_267 = arith.muli %add3A_237, %mul3A_266 : i32
      %add3A_268 = arith.addi %mul3A_2, %mul3A_267 : i32
      %dma_start3A_269 = arith.constant 0 : i32
      %dma_start3A_270 = tpu.memref_slice %arg5[%add3A_268, %dma_start3A_269] : memref<204800x128xf32, #tpu.memory_space<hbm>> -> memref<128x128xf32, #tpu.memory_space<hbm>>
      %dma_start3A_271 = arith.constant 0 : i32
      %dma_start3A_272 = tpu.memref_slice %arg5[%add3A_268, %dma_start3A_271] : memref<204800x128xf32, #tpu.memory_space<hbm>> -> memref<128x128xf32, #tpu.memory_space<hbm>>
      tpu.enqueue_dma source(%arg10 : memref<128x128xf32, #tpu.memory_space<vmem>>) target(%dma_start3A_272 : memref<128x128xf32, #tpu.memory_space<hbm>>) target_semaphore(%arg20 : memref<!tpu.dma_semaphore, #tpu.memory_space<semaphore_mem>>)
      %mul3A_273 = arith.constant 5 : i32
      %mul3A_274 = arith.muli %mul3A_273, %scan3A_157 : i32
      %add3A_275 = arith.constant 3 : i32
      %add3A_276 = arith.addi %mul3A_274, %add3A_275 : i32
      %add3A_277 = arith.constant 3 : i32
      %add3A_278 = arith.addi %add3A_276, %add3A_277 : i32
      %ge3A_279 = arith.constant 5 : i32
      %ge3A_280 = arith.cmpi sge, %add3A_278, %ge3A_279 : i32
      %convert_element_type3A_281 = arith.extui %ge3A_280 : i1 to i32
      %cond3A_282 = arith.constant 0 : i32
      %cond3A_283 = arith.cmpi ne, %convert_element_type3A_281, %cond3A_282 : i32
      scf.if %cond3A_283 {
        %add3A_352 = arith.constant 3 : i32
        %add3A_353 = arith.addi %add3A_276, %add3A_352 : i32
        %sub3A = arith.constant 5 : i32
        %sub3A_354 = arith.subi %add3A_353, %sub3A : i32
        %mul3A_355 = arith.constant 128 : i32
        %mul3A_356 = arith.muli %sub3A_354, %mul3A_355 : i32
        %add3A_357 = arith.addi %mul3A_2, %mul3A_356 : i32
        %dma_wait3A_358 = arith.constant 0 : i32
        %dma_wait3A_359 = tpu.memref_slice %arg5[%add3A_357, %dma_wait3A_358] : memref<204800x128xf32, #tpu.memory_space<hbm>> -> memref<128x128xf32, #tpu.memory_space<hbm>>
        %dma_wait3A_360 = arith.constant 0 : i32
        %dma_wait3A_361 = tpu.memref_slice %arg5[%add3A_357, %dma_wait3A_360] : memref<204800x128xf32, #tpu.memory_space<hbm>> -> memref<128x128xf32, #tpu.memory_space<hbm>>
        tpu.wait_dma2 semaphore(%arg19 : memref<!tpu.dma_semaphore, #tpu.memory_space<semaphore_mem>>) src(%arg9 : memref<128x128xf32, #tpu.memory_space<vmem>>) dst(%dma_wait3A_361 : memref<128x128xf32, #tpu.memory_space<hbm>>)
      } else {
      }
      %add3A_284 = arith.constant 3 : i32
      %add3A_285 = arith.addi %add3A_276, %add3A_284 : i32
      %mul3A_286 = arith.constant 128 : i32
      %mul3A_287 = arith.muli %add3A_285, %mul3A_286 : i32
      %dma_start3A_288 = tpu.memref_slice %arg6[%mul3A_287] : memref<6400xi32, #tpu.memory_space<vmem>> -> memref<128xi32, #tpu.memory_space<vmem>>
      %dma_start3A_289 = arith.constant 0 : i32
      %dma_start3A_290 = arith.constant 0 : i32
      %dma_start3A_291 = tpu.memref_slice %arg2[%dma_start3A_289, %dma_start3A_290] : memref<100000x128xf32, #tpu.memory_space<hbm>> -> memref<100000x128xf32, #tpu.memory_space<hbm>>
      tpu.enqueue_indirect_dma source(%dma_start3A_291 : memref<100000x128xf32, #tpu.memory_space<hbm>>) target(%arg9 : memref<128x128xf32, #tpu.memory_space<vmem>>) offsets(%dma_start3A_288 : memref<128xi32, #tpu.memory_space<vmem>>) semaphore(%arg14 : memref<!tpu.dma_semaphore, #tpu.memory_space<semaphore_mem>>)
      %mul3A_292 = arith.constant 128 : i32
      %mul3A_293 = arith.muli %add3A_276, %mul3A_292 : i32
      %dma_wait3A_294 = tpu.memref_slice %arg6[%mul3A_293] : memref<6400xi32, #tpu.memory_space<vmem>> -> memref<128xi32, #tpu.memory_space<vmem>>
      %dma_wait3A_295 = arith.constant 0 : i32
      %dma_wait3A_296 = arith.constant 0 : i32
      %dma_wait3A_297 = tpu.memref_slice %arg2[%dma_wait3A_295, %dma_wait3A_296] : memref<100000x128xf32, #tpu.memory_space<hbm>> -> memref<100000x128xf32, #tpu.memory_space<hbm>>
      tpu.wait_indirect_dma semaphore(%arg16 : memref<!tpu.dma_semaphore, #tpu.memory_space<semaphore_mem>>) src(%dma_wait3A_297 : memref<100000x128xf32, #tpu.memory_space<hbm>>) dst(%arg11 : memref<128x128xf32, #tpu.memory_space<vmem>>)
      %mul3A_298 = arith.constant 128 : i32
      %mul3A_299 = arith.muli %add3A_276, %mul3A_298 : i32
      %rem3A_300 = arith.constant 200 : i32
      %rem3A_301 = arith.remsi %mul3A_299, %rem3A_300 : i32
      %parallel_loop3A_302 = arith.constant 0 : i32
      %parallel_loop3A_303 = arith.constant 128 : i32
      %parallel_loop3A_304 = arith.constant 1 : i32
      scf.for %parallel_loop3A_352 = %parallel_loop3A_302 to %parallel_loop3A_303 step %parallel_loop3A_304  : i32 {
        %parallel_loop3A_353 = arith.addi %rem3A_301, %parallel_loop3A_352 : i32
        %parallel_loop3A_354 = arith.index_cast %parallel_loop3A_353 : i32 to index
        %parallel_loop3A_355 = arith.constant 0 : index
        %parallel_loop3A_356 = tpu.vector_load %arg7[%parallel_loop3A_354, %parallel_loop3A_355] {strides = array<i32>} : memref<320x128xf32, #tpu.memory_space<vmem>>, vector<1x16xf32>,
        %parallel_loop3A_357 = vector.shape_cast %parallel_loop3A_356 : vector<1x16xf32> to vector<16xf32>
        %parallel_loop3A_358 = arith.index_cast %parallel_loop3A_352 : i32 to index
        %parallel_loop3A_359 = arith.constant 0 : index
        %parallel_loop3A_360 = tpu.vector_load %arg11[%parallel_loop3A_358, %parallel_loop3A_359] {strides = array<i32>} : memref<128x128xf32, #tpu.memory_space<vmem>>, vector<1x16xf32>,
        %parallel_loop3A_361 = vector.shape_cast %parallel_loop3A_360 : vector<1x16xf32> to vector<16xf32>
        %parallel_loop3A_362 = vector.shape_cast %parallel_loop3A_357 : vector<16xf32> to vector<1x16xf32>
        tpu.vector_store %arg11[%parallel_loop3A_358, %parallel_loop3A_359], %parallel_loop3A_362 {add = true, strides = array<i32>} : memref<128x128xf32, #tpu.memory_space<vmem>>, vector<1x16xf32>,
        %parallel_loop3A_363 = arith.index_cast %parallel_loop3A_353 : i32 to index
        %parallel_loop3A_364 = arith.constant 16 : index
        %parallel_loop3A_365 = tpu.vector_load %arg7[%parallel_loop3A_363, %parallel_loop3A_364] {strides = array<i32>} : memref<320x128xf32, #tpu.memory_space<vmem>>, vector<1x16xf32>,
        %parallel_loop3A_366 = vector.shape_cast %parallel_loop3A_365 : vector<1x16xf32> to vector<16xf32>
        %parallel_loop3A_367 = arith.index_cast %parallel_loop3A_352 : i32 to index
        %parallel_loop3A_368 = arith.constant 16 : index
        %parallel_loop3A_369 = tpu.vector_load %arg11[%parallel_loop3A_367, %parallel_loop3A_368] {strides = array<i32>} : memref<128x128xf32, #tpu.memory_space<vmem>>, vector<1x16xf32>,
        %parallel_loop3A_370 = vector.shape_cast %parallel_loop3A_369 : vector<1x16xf32> to vector<16xf32>
        %parallel_loop3A_371 = vector.shape_cast %parallel_loop3A_366 : vector<16xf32> to vector<1x16xf32>
        tpu.vector_store %arg11[%parallel_loop3A_367, %parallel_loop3A_368], %parallel_loop3A_371 {add = true, strides = array<i32>} : memref<128x128xf32, #tpu.memory_space<vmem>>, vector<1x16xf32>,
        %parallel_loop3A_372 = arith.index_cast %parallel_loop3A_353 : i32 to index
        %parallel_loop3A_373 = arith.constant 32 : index
        %parallel_loop3A_374 = tpu.vector_load %arg7[%parallel_loop3A_372, %parallel_loop3A_373] {strides = array<i32>} : memref<320x128xf32, #tpu.memory_space<vmem>>, vector<1x16xf32>,
        %parallel_loop3A_375 = vector.shape_cast %parallel_loop3A_374 : vector<1x16xf32> to vector<16xf32>
        %parallel_loop3A_376 = arith.index_cast %parallel_loop3A_352 : i32 to index
        %parallel_loop3A_377 = arith.constant 32 : index
        %parallel_loop3A_378 = tpu.vector_load %arg11[%parallel_loop3A_376, %parallel_loop3A_377] {strides = array<i32>} : memref<128x128xf32, #tpu.memory_space<vmem>>, vector<1x16xf32>,
        %parallel_loop3A_379 = vector.shape_cast %parallel_loop3A_378 : vector<1x16xf32> to vector<16xf32>
        %parallel_loop3A_380 = vector.shape_cast %parallel_loop3A_375 : vector<16xf32> to vector<1x16xf32>
        tpu.vector_store %arg11[%parallel_loop3A_376, %parallel_loop3A_377], %parallel_loop3A_380 {add = true, strides = array<i32>} : memref<128x128xf32, #tpu.memory_space<vmem>>, vector<1x16xf32>,
        %parallel_loop3A_381 = arith.index_cast %parallel_loop3A_353 : i32 to index
        %parallel_loop3A_382 = arith.constant 48 : index
        %parallel_loop3A_383 = tpu.vector_load %arg7[%parallel_loop3A_381, %parallel_loop3A_382] {strides = array<i32>} : memref<320x128xf32, #tpu.memory_space<vmem>>, vector<1x16xf32>,
        %parallel_loop3A_384 = vector.shape_cast %parallel_loop3A_383 : vector<1x16xf32> to vector<16xf32>
        %parallel_loop3A_385 = arith.index_cast %parallel_loop3A_352 : i32 to index
        %parallel_loop3A_386 = arith.constant 48 : index
        %parallel_loop3A_387 = tpu.vector_load %arg11[%parallel_loop3A_385, %parallel_loop3A_386] {strides = array<i32>} : memref<128x128xf32, #tpu.memory_space<vmem>>, vector<1x16xf32>,
        %parallel_loop3A_388 = vector.shape_cast %parallel_loop3A_387 : vector<1x16xf32> to vector<16xf32>
        %parallel_loop3A_389 = vector.shape_cast %parallel_loop3A_384 : vector<16xf32> to vector<1x16xf32>
        tpu.vector_store %arg11[%parallel_loop3A_385, %parallel_loop3A_386], %parallel_loop3A_389 {add = true, strides = array<i32>} : memref<128x128xf32, #tpu.memory_space<vmem>>, vector<1x16xf32>,
        %parallel_loop3A_390 = arith.index_cast %parallel_loop3A_353 : i32 to index
        %parallel_loop3A_391 = arith.constant 64 : index
        %parallel_loop3A_392 = tpu.vector_load %arg7[%parallel_loop3A_390, %parallel_loop3A_391] {strides = array<i32>} : memref<320x128xf32, #tpu.memory_space<vmem>>, vector<1x16xf32>,
        %parallel_loop3A_393 = vector.shape_cast %parallel_loop3A_392 : vector<1x16xf32> to vector<16xf32>
        %parallel_loop3A_394 = arith.index_cast %parallel_loop3A_352 : i32 to index
        %parallel_loop3A_395 = arith.constant 64 : index
        %parallel_loop3A_396 = tpu.vector_load %arg11[%parallel_loop3A_394, %parallel_loop3A_395] {strides = array<i32>} : memref<128x128xf32, #tpu.memory_space<vmem>>, vector<1x16xf32>,
        %parallel_loop3A_397 = vector.shape_cast %parallel_loop3A_396 : vector<1x16xf32> to vector<16xf32>
        %parallel_loop3A_398 = vector.shape_cast %parallel_loop3A_393 : vector<16xf32> to vector<1x16xf32>
        tpu.vector_store %arg11[%parallel_loop3A_394, %parallel_loop3A_395], %parallel_loop3A_398 {add = true, strides = array<i32>} : memref<128x128xf32, #tpu.memory_space<vmem>>, vector<1x16xf32>,
        %parallel_loop3A_399 = arith.index_cast %parallel_loop3A_353 : i32 to index
        %parallel_loop3A_400 = arith.constant 80 : index
        %parallel_loop3A_401 = tpu.vector_load %arg7[%parallel_loop3A_399, %parallel_loop3A_400] {strides = array<i32>} : memref<320x128xf32, #tpu.memory_space<vmem>>, vector<1x16xf32>,
        %parallel_loop3A_402 = vector.shape_cast %parallel_loop3A_401 : vector<1x16xf32> to vector<16xf32>
        %parallel_loop3A_403 = arith.index_cast %parallel_loop3A_352 : i32 to index
        %parallel_loop3A_404 = arith.constant 80 : index
        %parallel_loop3A_405 = tpu.vector_load %arg11[%parallel_loop3A_403, %parallel_loop3A_404] {strides = array<i32>} : memref<128x128xf32, #tpu.memory_space<vmem>>, vector<1x16xf32>,
        %parallel_loop3A_406 = vector.shape_cast %parallel_loop3A_405 : vector<1x16xf32> to vector<16xf32>
        %parallel_loop3A_407 = vector.shape_cast %parallel_loop3A_402 : vector<16xf32> to vector<1x16xf32>
        tpu.vector_store %arg11[%parallel_loop3A_403, %parallel_loop3A_404], %parallel_loop3A_407 {add = true, strides = array<i32>} : memref<128x128xf32, #tpu.memory_space<vmem>>, vector<1x16xf32>,
        %parallel_loop3A_408 = arith.index_cast %parallel_loop3A_353 : i32 to index
        %parallel_loop3A_409 = arith.constant 96 : index
        %parallel_loop3A_410 = tpu.vector_load %arg7[%parallel_loop3A_408, %parallel_loop3A_409] {strides = array<i32>} : memref<320x128xf32, #tpu.memory_space<vmem>>, vector<1x16xf32>,
        %parallel_loop3A_411 = vector.shape_cast %parallel_loop3A_410 : vector<1x16xf32> to vector<16xf32>
        %parallel_loop3A_412 = arith.index_cast %parallel_loop3A_352 : i32 to index
        %parallel_loop3A_413 = arith.constant 96 : index
        %parallel_loop3A_414 = tpu.vector_load %arg11[%parallel_loop3A_412, %parallel_loop3A_413] {strides = array<i32>} : memref<128x128xf32, #tpu.memory_space<vmem>>, vector<1x16xf32>,
        %parallel_loop3A_415 = vector.shape_cast %parallel_loop3A_414 : vector<1x16xf32> to vector<16xf32>
        %parallel_loop3A_416 = vector.shape_cast %parallel_loop3A_411 : vector<16xf32> to vector<1x16xf32>
        tpu.vector_store %arg11[%parallel_loop3A_412, %parallel_loop3A_413], %parallel_loop3A_416 {add = true, strides = array<i32>} : memref<128x128xf32, #tpu.memory_space<vmem>>, vector<1x16xf32>,
        %parallel_loop3A_417 = arith.index_cast %parallel_loop3A_353 : i32 to index
        %parallel_loop3A_418 = arith.constant 112 : index
        %parallel_loop3A_419 = tpu.vector_load %arg7[%parallel_loop3A_417, %parallel_loop3A_418] {strides = array<i32>} : memref<320x128xf32, #tpu.memory_space<vmem>>, vector<1x16xf32>,
        %parallel_loop3A_420 = vector.shape_cast %parallel_loop3A_419 : vector<1x16xf32> to vector<16xf32>
        %parallel_loop3A_421 = arith.index_cast %parallel_loop3A_352 : i32 to index
        %parallel_loop3A_422 = arith.constant 112 : index
        %parallel_loop3A_423 = tpu.vector_load %arg11[%parallel_loop3A_421, %parallel_loop3A_422] {strides = array<i32>} : memref<128x128xf32, #tpu.memory_space<vmem>>, vector<1x16xf32>,
        %parallel_loop3A_424 = vector.shape_cast %parallel_loop3A_423 : vector<1x16xf32> to vector<16xf32>
        %parallel_loop3A_425 = vector.shape_cast %parallel_loop3A_420 : vector<16xf32> to vector<1x16xf32>
        tpu.vector_store %arg11[%parallel_loop3A_421, %parallel_loop3A_422], %parallel_loop3A_425 {add = true, strides = array<i32>} : memref<128x128xf32, #tpu.memory_space<vmem>>, vector<1x16xf32>,
      } {sc.loop_unroll_factor = 4 : i64, sc.parallel_access}
      %mul3A_305 = arith.constant 128 : i32
      %mul3A_306 = arith.muli %add3A_276, %mul3A_305 : i32
      %add3A_307 = arith.addi %mul3A_2, %mul3A_306 : i32
      %dma_start3A_308 = arith.constant 0 : i32
      %dma_start3A_309 = tpu.memref_slice %arg5[%add3A_307, %dma_start3A_308] : memref<204800x128xf32, #tpu.memory_space<hbm>> -> memref<128x128xf32, #tpu.memory_space<hbm>>
      %dma_start3A_310 = arith.constant 0 : i32
      %dma_start3A_311 = tpu.memref_slice %arg5[%add3A_307, %dma_start3A_310] : memref<204800x128xf32, #tpu.memory_space<hbm>> -> memref<128x128xf32, #tpu.memory_space<hbm>>
      tpu.enqueue_dma source(%arg11 : memref<128x128xf32, #tpu.memory_space<vmem>>) target(%dma_start3A_311 : memref<128x128xf32, #tpu.memory_space<hbm>>) target_semaphore(%arg21 : memref<!tpu.dma_semaphore, #tpu.memory_space<semaphore_mem>>)
      %mul3A_312 = arith.constant 5 : i32
      %mul3A_313 = arith.muli %mul3A_312, %scan3A_157 : i32
      %add3A_314 = arith.constant 4 : i32
      %add3A_315 = arith.addi %mul3A_313, %add3A_314 : i32
      %add3A_316 = arith.constant 3 : i32
      %add3A_317 = arith.addi %add3A_315, %add3A_316 : i32
      %ge3A_318 = arith.constant 5 : i32
      %ge3A_319 = arith.cmpi sge, %add3A_317, %ge3A_318 : i32
      %convert_element_type3A_320 = arith.extui %ge3A_319 : i1 to i32
      %cond3A_321 = arith.constant 0 : i32
      %cond3A_322 = arith.cmpi ne, %convert_element_type3A_320, %cond3A_321 : i32
      scf.if %cond3A_322 {
        %add3A_352 = arith.constant 3 : i32
        %add3A_353 = arith.addi %add3A_315, %add3A_352 : i32
        %sub3A = arith.constant 5 : i32
        %sub3A_354 = arith.subi %add3A_353, %sub3A : i32
        %mul3A_355 = arith.constant 128 : i32
        %mul3A_356 = arith.muli %sub3A_354, %mul3A_355 : i32
        %add3A_357 = arith.addi %mul3A_2, %mul3A_356 : i32
        %dma_wait3A_358 = arith.constant 0 : i32
        %dma_wait3A_359 = tpu.memref_slice %arg5[%add3A_357, %dma_wait3A_358] : memref<204800x128xf32, #tpu.memory_space<hbm>> -> memref<128x128xf32, #tpu.memory_space<hbm>>
        %dma_wait3A_360 = arith.constant 0 : i32
        %dma_wait3A_361 = tpu.memref_slice %arg5[%add3A_357, %dma_wait3A_360] : memref<204800x128xf32, #tpu.memory_space<hbm>> -> memref<128x128xf32, #tpu.memory_space<hbm>>
        tpu.wait_dma2 semaphore(%arg20 : memref<!tpu.dma_semaphore, #tpu.memory_space<semaphore_mem>>) src(%arg10 : memref<128x128xf32, #tpu.memory_space<vmem>>) dst(%dma_wait3A_361 : memref<128x128xf32, #tpu.memory_space<hbm>>)
      } else {
      }
      %add3A_323 = arith.constant 3 : i32
      %add3A_324 = arith.addi %add3A_315, %add3A_323 : i32
      %mul3A_325 = arith.constant 128 : i32
      %mul3A_326 = arith.muli %add3A_324, %mul3A_325 : i32
      %dma_start3A_327 = tpu.memref_slice %arg6[%mul3A_326] : memref<6400xi32, #tpu.memory_space<vmem>> -> memref<128xi32, #tpu.memory_space<vmem>>
      %dma_start3A_328 = arith.constant 0 : i32
      %dma_start3A_329 = arith.constant 0 : i32
      %dma_start3A_330 = tpu.memref_slice %arg2[%dma_start3A_328, %dma_start3A_329] : memref<100000x128xf32, #tpu.memory_space<hbm>> -> memref<100000x128xf32, #tpu.memory_space<hbm>>
      tpu.enqueue_indirect_dma source(%dma_start3A_330 : memref<100000x128xf32, #tpu.memory_space<hbm>>) target(%arg10 : memref<128x128xf32, #tpu.memory_space<vmem>>) offsets(%dma_start3A_327 : memref<128xi32, #tpu.memory_space<vmem>>) semaphore(%arg15 : memref<!tpu.dma_semaphore, #tpu.memory_space<semaphore_mem>>)
      %mul3A_331 = arith.constant 128 : i32
      %mul3A_332 = arith.muli %add3A_315, %mul3A_331 : i32
      %dma_wait3A_333 = tpu.memref_slice %arg6[%mul3A_332] : memref<6400xi32, #tpu.memory_space<vmem>> -> memref<128xi32, #tpu.memory_space<vmem>>
      %dma_wait3A_334 = arith.constant 0 : i32
      %dma_wait3A_335 = arith.constant 0 : i32
      %dma_wait3A_336 = tpu.memref_slice %arg2[%dma_wait3A_334, %dma_wait3A_335] : memref<100000x128xf32, #tpu.memory_space<hbm>> -> memref<100000x128xf32, #tpu.memory_space<hbm>>
      tpu.wait_indirect_dma semaphore(%arg17 : memref<!tpu.dma_semaphore, #tpu.memory_space<semaphore_mem>>) src(%dma_wait3A_336 : memref<100000x128xf32, #tpu.memory_space<hbm>>) dst(%arg12 : memref<128x128xf32, #tpu.memory_space<vmem>>)
      %mul3A_337 = arith.constant 128 : i32
      %mul3A_338 = arith.muli %add3A_315, %mul3A_337 : i32
      %rem3A_339 = arith.constant 200 : i32
      %rem3A_340 = arith.remsi %mul3A_338, %rem3A_339 : i32
      %parallel_loop3A_341 = arith.constant 0 : i32
      %parallel_loop3A_342 = arith.constant 128 : i32
      %parallel_loop3A_343 = arith.constant 1 : i32
      scf.for %parallel_loop3A_352 = %parallel_loop3A_341 to %parallel_loop3A_342 step %parallel_loop3A_343  : i32 {
        %parallel_loop3A_353 = arith.addi %rem3A_340, %parallel_loop3A_352 : i32
        %parallel_loop3A_354 = arith.index_cast %parallel_loop3A_353 : i32 to index
        %parallel_loop3A_355 = arith.constant 0 : index
        %parallel_loop3A_356 = tpu.vector_load %arg7[%parallel_loop3A_354, %parallel_loop3A_355] {strides = array<i32>} : memref<320x128xf32, #tpu.memory_space<vmem>>, vector<1x16xf32>,
        %parallel_loop3A_357 = vector.shape_cast %parallel_loop3A_356 : vector<1x16xf32> to vector<16xf32>
        %parallel_loop3A_358 = arith.index_cast %parallel_loop3A_352 : i32 to index
        %parallel_loop3A_359 = arith.constant 0 : index
        %parallel_loop3A_360 = tpu.vector_load %arg12[%parallel_loop3A_358, %parallel_loop3A_359] {strides = array<i32>} : memref<128x128xf32, #tpu.memory_space<vmem>>, vector<1x16xf32>,
        %parallel_loop3A_361 = vector.shape_cast %parallel_loop3A_360 : vector<1x16xf32> to vector<16xf32>
        %parallel_loop3A_362 = vector.shape_cast %parallel_loop3A_357 : vector<16xf32> to vector<1x16xf32>
        tpu.vector_store %arg12[%parallel_loop3A_358, %parallel_loop3A_359], %parallel_loop3A_362 {add = true, strides = array<i32>} : memref<128x128xf32, #tpu.memory_space<vmem>>, vector<1x16xf32>,
        %parallel_loop3A_363 = arith.index_cast %parallel_loop3A_353 : i32 to index
        %parallel_loop3A_364 = arith.constant 16 : index
        %parallel_loop3A_365 = tpu.vector_load %arg7[%parallel_loop3A_363, %parallel_loop3A_364] {strides = array<i32>} : memref<320x128xf32, #tpu.memory_space<vmem>>, vector<1x16xf32>,
        %parallel_loop3A_366 = vector.shape_cast %parallel_loop3A_365 : vector<1x16xf32> to vector<16xf32>
        %parallel_loop3A_367 = arith.index_cast %parallel_loop3A_352 : i32 to index
        %parallel_loop3A_368 = arith.constant 16 : index
        %parallel_loop3A_369 = tpu.vector_load %arg12[%parallel_loop3A_367, %parallel_loop3A_368] {strides = array<i32>} : memref<128x128xf32, #tpu.memory_space<vmem>>, vector<1x16xf32>,
        %parallel_loop3A_370 = vector.shape_cast %parallel_loop3A_369 : vector<1x16xf32> to vector<16xf32>
        %parallel_loop3A_371 = vector.shape_cast %parallel_loop3A_366 : vector<16xf32> to vector<1x16xf32>
        tpu.vector_store %arg12[%parallel_loop3A_367, %parallel_loop3A_368], %parallel_loop3A_371 {add = true, strides = array<i32>} : memref<128x128xf32, #tpu.memory_space<vmem>>, vector<1x16xf32>,
        %parallel_loop3A_372 = arith.index_cast %parallel_loop3A_353 : i32 to index
        %parallel_loop3A_373 = arith.constant 32 : index
        %parallel_loop3A_374 = tpu.vector_load %arg7[%parallel_loop3A_372, %parallel_loop3A_373] {strides = array<i32>} : memref<320x128xf32, #tpu.memory_space<vmem>>, vector<1x16xf32>,
        %parallel_loop3A_375 = vector.shape_cast %parallel_loop3A_374 : vector<1x16xf32> to vector<16xf32>
        %parallel_loop3A_376 = arith.index_cast %parallel_loop3A_352 : i32 to index
        %parallel_loop3A_377 = arith.constant 32 : index
        %parallel_loop3A_378 = tpu.vector_load %arg12[%parallel_loop3A_376, %parallel_loop3A_377] {strides = array<i32>} : memref<128x128xf32, #tpu.memory_space<vmem>>, vector<1x16xf32>,
        %parallel_loop3A_379 = vector.shape_cast %parallel_loop3A_378 : vector<1x16xf32> to vector<16xf32>
        %parallel_loop3A_380 = vector.shape_cast %parallel_loop3A_375 : vector<16xf32> to vector<1x16xf32>
        tpu.vector_store %arg12[%parallel_loop3A_376, %parallel_loop3A_377], %parallel_loop3A_380 {add = true, strides = array<i32>} : memref<128x128xf32, #tpu.memory_space<vmem>>, vector<1x16xf32>,
        %parallel_loop3A_381 = arith.index_cast %parallel_loop3A_353 : i32 to index
        %parallel_loop3A_382 = arith.constant 48 : index
        %parallel_loop3A_383 = tpu.vector_load %arg7[%parallel_loop3A_381, %parallel_loop3A_382] {strides = array<i32>} : memref<320x128xf32, #tpu.memory_space<vmem>>, vector<1x16xf32>,
        %parallel_loop3A_384 = vector.shape_cast %parallel_loop3A_383 : vector<1x16xf32> to vector<16xf32>
        %parallel_loop3A_385 = arith.index_cast %parallel_loop3A_352 : i32 to index
        %parallel_loop3A_386 = arith.constant 48 : index
        %parallel_loop3A_387 = tpu.vector_load %arg12[%parallel_loop3A_385, %parallel_loop3A_386] {strides = array<i32>} : memref<128x128xf32, #tpu.memory_space<vmem>>, vector<1x16xf32>,
        %parallel_loop3A_388 = vector.shape_cast %parallel_loop3A_387 : vector<1x16xf32> to vector<16xf32>
        %parallel_loop3A_389 = vector.shape_cast %parallel_loop3A_384 : vector<16xf32> to vector<1x16xf32>
        tpu.vector_store %arg12[%parallel_loop3A_385, %parallel_loop3A_386], %parallel_loop3A_389 {add = true, strides = array<i32>} : memref<128x128xf32, #tpu.memory_space<vmem>>, vector<1x16xf32>,
        %parallel_loop3A_390 = arith.index_cast %parallel_loop3A_353 : i32 to index
        %parallel_loop3A_391 = arith.constant 64 : index
        %parallel_loop3A_392 = tpu.vector_load %arg7[%parallel_loop3A_390, %parallel_loop3A_391] {strides = array<i32>} : memref<320x128xf32, #tpu.memory_space<vmem>>, vector<1x16xf32>,
        %parallel_loop3A_393 = vector.shape_cast %parallel_loop3A_392 : vector<1x16xf32> to vector<16xf32>
        %parallel_loop3A_394 = arith.index_cast %parallel_loop3A_352 : i32 to index
        %parallel_loop3A_395 = arith.constant 64 : index
        %parallel_loop3A_396 = tpu.vector_load %arg12[%parallel_loop3A_394, %parallel_loop3A_395] {strides = array<i32>} : memref<128x128xf32, #tpu.memory_space<vmem>>, vector<1x16xf32>,
        %parallel_loop3A_397 = vector.shape_cast %parallel_loop3A_396 : vector<1x16xf32> to vector<16xf32>
        %parallel_loop3A_398 = vector.shape_cast %parallel_loop3A_393 : vector<16xf32> to vector<1x16xf32>
        tpu.vector_store %arg12[%parallel_loop3A_394, %parallel_loop3A_395], %parallel_loop3A_398 {add = true, strides = array<i32>} : memref<128x128xf32, #tpu.memory_space<vmem>>, vector<1x16xf32>,
        %parallel_loop3A_399 = arith.index_cast %parallel_loop3A_353 : i32 to index
        %parallel_loop3A_400 = arith.constant 80 : index
        %parallel_loop3A_401 = tpu.vector_load %arg7[%parallel_loop3A_399, %parallel_loop3A_400] {strides = array<i32>} : memref<320x128xf32, #tpu.memory_space<vmem>>, vector<1x16xf32>,
        %parallel_loop3A_402 = vector.shape_cast %parallel_loop3A_401 : vector<1x16xf32> to vector<16xf32>
        %parallel_loop3A_403 = arith.index_cast %parallel_loop3A_352 : i32 to index
        %parallel_loop3A_404 = arith.constant 80 : index
        %parallel_loop3A_405 = tpu.vector_load %arg12[%parallel_loop3A_403, %parallel_loop3A_404] {strides = array<i32>} : memref<128x128xf32, #tpu.memory_space<vmem>>, vector<1x16xf32>,
        %parallel_loop3A_406 = vector.shape_cast %parallel_loop3A_405 : vector<1x16xf32> to vector<16xf32>
        %parallel_loop3A_407 = vector.shape_cast %parallel_loop3A_402 : vector<16xf32> to vector<1x16xf32>
        tpu.vector_store %arg12[%parallel_loop3A_403, %parallel_loop3A_404], %parallel_loop3A_407 {add = true, strides = array<i32>} : memref<128x128xf32, #tpu.memory_space<vmem>>, vector<1x16xf32>,
        %parallel_loop3A_408 = arith.index_cast %parallel_loop3A_353 : i32 to index
        %parallel_loop3A_409 = arith.constant 96 : index
        %parallel_loop3A_410 = tpu.vector_load %arg7[%parallel_loop3A_408, %parallel_loop3A_409] {strides = array<i32>} : memref<320x128xf32, #tpu.memory_space<vmem>>, vector<1x16xf32>,
        %parallel_loop3A_411 = vector.shape_cast %parallel_loop3A_410 : vector<1x16xf32> to vector<16xf32>
        %parallel_loop3A_412 = arith.index_cast %parallel_loop3A_352 : i32 to index
        %parallel_loop3A_413 = arith.constant 96 : index
        %parallel_loop3A_414 = tpu.vector_load %arg12[%parallel_loop3A_412, %parallel_loop3A_413] {strides = array<i32>} : memref<128x128xf32, #tpu.memory_space<vmem>>, vector<1x16xf32>,
        %parallel_loop3A_415 = vector.shape_cast %parallel_loop3A_414 : vector<1x16xf32> to vector<16xf32>
        %parallel_loop3A_416 = vector.shape_cast %parallel_loop3A_411 : vector<16xf32> to vector<1x16xf32>
        tpu.vector_store %arg12[%parallel_loop3A_412, %parallel_loop3A_413], %parallel_loop3A_416 {add = true, strides = array<i32>} : memref<128x128xf32, #tpu.memory_space<vmem>>, vector<1x16xf32>,
        %parallel_loop3A_417 = arith.index_cast %parallel_loop3A_353 : i32 to index
        %parallel_loop3A_418 = arith.constant 112 : index
        %parallel_loop3A_419 = tpu.vector_load %arg7[%parallel_loop3A_417, %parallel_loop3A_418] {strides = array<i32>} : memref<320x128xf32, #tpu.memory_space<vmem>>, vector<1x16xf32>,
        %parallel_loop3A_420 = vector.shape_cast %parallel_loop3A_419 : vector<1x16xf32> to vector<16xf32>
        %parallel_loop3A_421 = arith.index_cast %parallel_loop3A_352 : i32 to index
        %parallel_loop3A_422 = arith.constant 112 : index
        %parallel_loop3A_423 = tpu.vector_load %arg12[%parallel_loop3A_421, %parallel_loop3A_422] {strides = array<i32>} : memref<128x128xf32, #tpu.memory_space<vmem>>, vector<1x16xf32>,
        %parallel_loop3A_424 = vector.shape_cast %parallel_loop3A_423 : vector<1x16xf32> to vector<16xf32>
        %parallel_loop3A_425 = vector.shape_cast %parallel_loop3A_420 : vector<16xf32> to vector<1x16xf32>
        tpu.vector_store %arg12[%parallel_loop3A_421, %parallel_loop3A_422], %parallel_loop3A_425 {add = true, strides = array<i32>} : memref<128x128xf32, #tpu.memory_space<vmem>>, vector<1x16xf32>,
      } {sc.loop_unroll_factor = 4 : i64, sc.parallel_access}
      %mul3A_344 = arith.constant 128 : i32
      %mul3A_345 = arith.muli %add3A_315, %mul3A_344 : i32
      %add3A_346 = arith.addi %mul3A_2, %mul3A_345 : i32
      %dma_start3A_347 = arith.constant 0 : i32
      %dma_start3A_348 = tpu.memref_slice %arg5[%add3A_346, %dma_start3A_347] : memref<204800x128xf32, #tpu.memory_space<hbm>> -> memref<128x128xf32, #tpu.memory_space<hbm>>
      %dma_start3A_349 = arith.constant 0 : i32
      %dma_start3A_350 = tpu.memref_slice %arg5[%add3A_346, %dma_start3A_349] : memref<204800x128xf32, #tpu.memory_space<hbm>> -> memref<128x128xf32, #tpu.memory_space<hbm>>
      tpu.enqueue_dma source(%arg12 : memref<128x128xf32, #tpu.memory_space<vmem>>) target(%dma_start3A_350 : memref<128x128xf32, #tpu.memory_space<hbm>>) target_semaphore(%arg22 : memref<!tpu.dma_semaphore, #tpu.memory_space<semaphore_mem>>)
      %scan3A_351 = arith.constant 0 : i32
      scf.yield %scan3A_351 : i32
    }
    %scan3A_22 = arith.constant 9 : i32
    %add3A_23 = arith.constant 5504 : i32
    %add3A_24 = arith.addi %mul3A_2, %add3A_23 : i32
    %dma_wait3A = arith.constant 0 : i32
    %dma_wait3A_25 = tpu.memref_slice %arg5[%add3A_24, %dma_wait3A] : memref<204800x128xf32, #tpu.memory_space<hbm>> -> memref<128x128xf32, #tpu.memory_space<hbm>>
    %dma_wait3A_26 = arith.constant 0 : i32
    %dma_wait3A_27 = tpu.memref_slice %arg5[%add3A_24, %dma_wait3A_26] : memref<204800x128xf32, #tpu.memory_space<hbm>> -> memref<128x128xf32, #tpu.memory_space<hbm>>
    tpu.wait_dma2 semaphore(%arg21 : memref<!tpu.dma_semaphore, #tpu.memory_space<semaphore_mem>>) src(%arg11 : memref<128x128xf32, #tpu.memory_space<vmem>>) dst(%dma_wait3A_27 : memref<128x128xf32, #tpu.memory_space<hbm>>)
    %dma_start3A_28 = arith.constant 6144 : i32
    %dma_start3A_29 = tpu.memref_slice %arg6[%dma_start3A_28] : memref<6400xi32, #tpu.memory_space<vmem>> -> memref<128xi32, #tpu.memory_space<vmem>>
    %dma_start3A_30 = arith.constant 0 : i32
    %dma_start3A_31 = arith.constant 0 : i32
    %dma_start3A_32 = tpu.memref_slice %arg2[%dma_start3A_30, %dma_start3A_31] : memref<100000x128xf32, #tpu.memory_space<hbm>> -> memref<100000x128xf32, #tpu.memory_space<hbm>>
    tpu.enqueue_indirect_dma source(%dma_start3A_32 : memref<100000x128xf32, #tpu.memory_space<hbm>>) target(%arg11 : memref<128x128xf32, #tpu.memory_space<vmem>>) offsets(%dma_start3A_29 : memref<128xi32, #tpu.memory_space<vmem>>) semaphore(%arg16 : memref<!tpu.dma_semaphore, #tpu.memory_space<semaphore_mem>>)
    %dma_wait3A_33 = arith.constant 5760 : i32
    %dma_wait3A_34 = tpu.memref_slice %arg6[%dma_wait3A_33] : memref<6400xi32, #tpu.memory_space<vmem>> -> memref<128xi32, #tpu.memory_space<vmem>>
    %dma_wait3A_35 = arith.constant 0 : i32
    %dma_wait3A_36 = arith.constant 0 : i32
    %dma_wait3A_37 = tpu.memref_slice %arg2[%dma_wait3A_35, %dma_wait3A_36] : memref<100000x128xf32, #tpu.memory_space<hbm>> -> memref<100000x128xf32, #tpu.memory_space<hbm>>
    tpu.wait_indirect_dma semaphore(%arg13 : memref<!tpu.dma_semaphore, #tpu.memory_space<semaphore_mem>>) src(%dma_wait3A_37 : memref<100000x128xf32, #tpu.memory_space<hbm>>) dst(%arg8 : memref<128x128xf32, #tpu.memory_space<vmem>>)
    %rem3A = arith.constant 5760 : i32
    %rem3A_38 = arith.constant 200 : i32
    %rem3A_39 = arith.remsi %rem3A, %rem3A_38 : i32
    %parallel_loop3A = arith.constant 0 : i32
    %parallel_loop3A_40 = arith.constant 128 : i32
    %parallel_loop3A_41 = arith.constant 1 : i32
    scf.for %parallel_loop3A_157 = %parallel_loop3A to %parallel_loop3A_40 step %parallel_loop3A_41  : i32 {
      %parallel_loop3A_158 = arith.addi %rem3A_39, %parallel_loop3A_157 : i32
      %parallel_loop3A_159 = arith.index_cast %parallel_loop3A_158 : i32 to index
      %parallel_loop3A_160 = arith.constant 0 : index
      %parallel_loop3A_161 = tpu.vector_load %arg7[%parallel_loop3A_159, %parallel_loop3A_160] {strides = array<i32>} : memref<320x128xf32, #tpu.memory_space<vmem>>, vector<1x16xf32>,
      %parallel_loop3A_162 = vector.shape_cast %parallel_loop3A_161 : vector<1x16xf32> to vector<16xf32>
      %parallel_loop3A_163 = arith.index_cast %parallel_loop3A_157 : i32 to index
      %parallel_loop3A_164 = arith.constant 0 : index
      %parallel_loop3A_165 = tpu.vector_load %arg8[%parallel_loop3A_163, %parallel_loop3A_164] {strides = array<i32>} : memref<128x128xf32, #tpu.memory_space<vmem>>, vector<1x16xf32>,
      %parallel_loop3A_166 = vector.shape_cast %parallel_loop3A_165 : vector<1x16xf32> to vector<16xf32>
      %parallel_loop3A_167 = vector.shape_cast %parallel_loop3A_162 : vector<16xf32> to vector<1x16xf32>
      tpu.vector_store %arg8[%parallel_loop3A_163, %parallel_loop3A_164], %parallel_loop3A_167 {add = true, strides = array<i32>} : memref<128x128xf32, #tpu.memory_space<vmem>>, vector<1x16xf32>,
      %parallel_loop3A_168 = arith.index_cast %parallel_loop3A_158 : i32 to index
      %parallel_loop3A_169 = arith.constant 16 : index
      %parallel_loop3A_170 = tpu.vector_load %arg7[%parallel_loop3A_168, %parallel_loop3A_169] {strides = array<i32>} : memref<320x128xf32, #tpu.memory_space<vmem>>, vector<1x16xf32>,
      %parallel_loop3A_171 = vector.shape_cast %parallel_loop3A_170 : vector<1x16xf32> to vector<16xf32>
      %parallel_loop3A_172 = arith.index_cast %parallel_loop3A_157 : i32 to index
      %parallel_loop3A_173 = arith.constant 16 : index
      %parallel_loop3A_174 = tpu.vector_load %arg8[%parallel_loop3A_172, %parallel_loop3A_173] {strides = array<i32>} : memref<128x128xf32, #tpu.memory_space<vmem>>, vector<1x16xf32>,
      %parallel_loop3A_175 = vector.shape_cast %parallel_loop3A_174 : vector<1x16xf32> to vector<16xf32>
      %parallel_loop3A_176 = vector.shape_cast %parallel_loop3A_171 : vector<16xf32> to vector<1x16xf32>
      tpu.vector_store %arg8[%parallel_loop3A_172, %parallel_loop3A_173], %parallel_loop3A_176 {add = true, strides = array<i32>} : memref<128x128xf32, #tpu.memory_space<vmem>>, vector<1x16xf32>,
      %parallel_loop3A_177 = arith.index_cast %parallel_loop3A_158 : i32 to index
      %parallel_loop3A_178 = arith.constant 32 : index
      %parallel_loop3A_179 = tpu.vector_load %arg7[%parallel_loop3A_177, %parallel_loop3A_178] {strides = array<i32>} : memref<320x128xf32, #tpu.memory_space<vmem>>, vector<1x16xf32>,
      %parallel_loop3A_180 = vector.shape_cast %parallel_loop3A_179 : vector<1x16xf32> to vector<16xf32>
      %parallel_loop3A_181 = arith.index_cast %parallel_loop3A_157 : i32 to index
      %parallel_loop3A_182 = arith.constant 32 : index
      %parallel_loop3A_183 = tpu.vector_load %arg8[%parallel_loop3A_181, %parallel_loop3A_182] {strides = array<i32>} : memref<128x128xf32, #tpu.memory_space<vmem>>, vector<1x16xf32>,
      %parallel_loop3A_184 = vector.shape_cast %parallel_loop3A_183 : vector<1x16xf32> to vector<16xf32>
      %parallel_loop3A_185 = vector.shape_cast %parallel_loop3A_180 : vector<16xf32> to vector<1x16xf32>
      tpu.vector_store %arg8[%parallel_loop3A_181, %parallel_loop3A_182], %parallel_loop3A_185 {add = true, strides = array<i32>} : memref<128x128xf32, #tpu.memory_space<vmem>>, vector<1x16xf32>,
      %parallel_loop3A_186 = arith.index_cast %parallel_loop3A_158 : i32 to index
      %parallel_loop3A_187 = arith.constant 48 : index
      %parallel_loop3A_188 = tpu.vector_load %arg7[%parallel_loop3A_186, %parallel_loop3A_187] {strides = array<i32>} : memref<320x128xf32, #tpu.memory_space<vmem>>, vector<1x16xf32>,
      %parallel_loop3A_189 = vector.shape_cast %parallel_loop3A_188 : vector<1x16xf32> to vector<16xf32>
      %parallel_loop3A_190 = arith.index_cast %parallel_loop3A_157 : i32 to index
      %parallel_loop3A_191 = arith.constant 48 : index
      %parallel_loop3A_192 = tpu.vector_load %arg8[%parallel_loop3A_190, %parallel_loop3A_191] {strides = array<i32>} : memref<128x128xf32, #tpu.memory_space<vmem>>, vector<1x16xf32>,
      %parallel_loop3A_193 = vector.shape_cast %parallel_loop3A_192 : vector<1x16xf32> to vector<16xf32>
      %parallel_loop3A_194 = vector.shape_cast %parallel_loop3A_189 : vector<16xf32> to vector<1x16xf32>
      tpu.vector_store %arg8[%parallel_loop3A_190, %parallel_loop3A_191], %parallel_loop3A_194 {add = true, strides = array<i32>} : memref<128x128xf32, #tpu.memory_space<vmem>>, vector<1x16xf32>,
      %parallel_loop3A_195 = arith.index_cast %parallel_loop3A_158 : i32 to index
      %parallel_loop3A_196 = arith.constant 64 : index
      %parallel_loop3A_197 = tpu.vector_load %arg7[%parallel_loop3A_195, %parallel_loop3A_196] {strides = array<i32>} : memref<320x128xf32, #tpu.memory_space<vmem>>, vector<1x16xf32>,
      %parallel_loop3A_198 = vector.shape_cast %parallel_loop3A_197 : vector<1x16xf32> to vector<16xf32>
      %parallel_loop3A_199 = arith.index_cast %parallel_loop3A_157 : i32 to index
      %parallel_loop3A_200 = arith.constant 64 : index
      %parallel_loop3A_201 = tpu.vector_load %arg8[%parallel_loop3A_199, %parallel_loop3A_200] {strides = array<i32>} : memref<128x128xf32, #tpu.memory_space<vmem>>, vector<1x16xf32>,
      %parallel_loop3A_202 = vector.shape_cast %parallel_loop3A_201 : vector<1x16xf32> to vector<16xf32>
      %parallel_loop3A_203 = vector.shape_cast %parallel_loop3A_198 : vector<16xf32> to vector<1x16xf32>
      tpu.vector_store %arg8[%parallel_loop3A_199, %parallel_loop3A_200], %parallel_loop3A_203 {add = true, strides = array<i32>} : memref<128x128xf32, #tpu.memory_space<vmem>>, vector<1x16xf32>,
      %parallel_loop3A_204 = arith.index_cast %parallel_loop3A_158 : i32 to index
      %parallel_loop3A_205 = arith.constant 80 : index
      %parallel_loop3A_206 = tpu.vector_load %arg7[%parallel_loop3A_204, %parallel_loop3A_205] {strides = array<i32>} : memref<320x128xf32, #tpu.memory_space<vmem>>, vector<1x16xf32>,
      %parallel_loop3A_207 = vector.shape_cast %parallel_loop3A_206 : vector<1x16xf32> to vector<16xf32>
      %parallel_loop3A_208 = arith.index_cast %parallel_loop3A_157 : i32 to index
      %parallel_loop3A_209 = arith.constant 80 : index
      %parallel_loop3A_210 = tpu.vector_load %arg8[%parallel_loop3A_208, %parallel_loop3A_209] {strides = array<i32>} : memref<128x128xf32, #tpu.memory_space<vmem>>, vector<1x16xf32>,
      %parallel_loop3A_211 = vector.shape_cast %parallel_loop3A_210 : vector<1x16xf32> to vector<16xf32>
      %parallel_loop3A_212 = vector.shape_cast %parallel_loop3A_207 : vector<16xf32> to vector<1x16xf32>
      tpu.vector_store %arg8[%parallel_loop3A_208, %parallel_loop3A_209], %parallel_loop3A_212 {add = true, strides = array<i32>} : memref<128x128xf32, #tpu.memory_space<vmem>>, vector<1x16xf32>,
      %parallel_loop3A_213 = arith.index_cast %parallel_loop3A_158 : i32 to index
      %parallel_loop3A_214 = arith.constant 96 : index
      %parallel_loop3A_215 = tpu.vector_load %arg7[%parallel_loop3A_213, %parallel_loop3A_214] {strides = array<i32>} : memref<320x128xf32, #tpu.memory_space<vmem>>, vector<1x16xf32>,
      %parallel_loop3A_216 = vector.shape_cast %parallel_loop3A_215 : vector<1x16xf32> to vector<16xf32>
      %parallel_loop3A_217 = arith.index_cast %parallel_loop3A_157 : i32 to index
      %parallel_loop3A_218 = arith.constant 96 : index
      %parallel_loop3A_219 = tpu.vector_load %arg8[%parallel_loop3A_217, %parallel_loop3A_218] {strides = array<i32>} : memref<128x128xf32, #tpu.memory_space<vmem>>, vector<1x16xf32>,
      %parallel_loop3A_220 = vector.shape_cast %parallel_loop3A_219 : vector<1x16xf32> to vector<16xf32>
      %parallel_loop3A_221 = vector.shape_cast %parallel_loop3A_216 : vector<16xf32> to vector<1x16xf32>
      tpu.vector_store %arg8[%parallel_loop3A_217, %parallel_loop3A_218], %parallel_loop3A_221 {add = true, strides = array<i32>} : memref<128x128xf32, #tpu.memory_space<vmem>>, vector<1x16xf32>,
      %parallel_loop3A_222 = arith.index_cast %parallel_loop3A_158 : i32 to index
      %parallel_loop3A_223 = arith.constant 112 : index
      %parallel_loop3A_224 = tpu.vector_load %arg7[%parallel_loop3A_222, %parallel_loop3A_223] {strides = array<i32>} : memref<320x128xf32, #tpu.memory_space<vmem>>, vector<1x16xf32>,
      %parallel_loop3A_225 = vector.shape_cast %parallel_loop3A_224 : vector<1x16xf32> to vector<16xf32>
      %parallel_loop3A_226 = arith.index_cast %parallel_loop3A_157 : i32 to index
      %parallel_loop3A_227 = arith.constant 112 : index
      %parallel_loop3A_228 = tpu.vector_load %arg8[%parallel_loop3A_226, %parallel_loop3A_227] {strides = array<i32>} : memref<128x128xf32, #tpu.memory_space<vmem>>, vector<1x16xf32>,
      %parallel_loop3A_229 = vector.shape_cast %parallel_loop3A_228 : vector<1x16xf32> to vector<16xf32>
      %parallel_loop3A_230 = vector.shape_cast %parallel_loop3A_225 : vector<16xf32> to vector<1x16xf32>
      tpu.vector_store %arg8[%parallel_loop3A_226, %parallel_loop3A_227], %parallel_loop3A_230 {add = true, strides = array<i32>} : memref<128x128xf32, #tpu.memory_space<vmem>>, vector<1x16xf32>,
    } {sc.loop_unroll_factor = 4 : i64, sc.parallel_access}
    %add3A_42 = arith.constant 5760 : i32
    %add3A_43 = arith.addi %mul3A_2, %add3A_42 : i32
    %dma_start3A_44 = arith.constant 0 : i32
    %dma_start3A_45 = tpu.memref_slice %arg5[%add3A_43, %dma_start3A_44] : memref<204800x128xf32, #tpu.memory_space<hbm>> -> memref<128x128xf32, #tpu.memory_space<hbm>>
    %dma_start3A_46 = arith.constant 0 : i32
    %dma_start3A_47 = tpu.memref_slice %arg5[%add3A_43, %dma_start3A_46] : memref<204800x128xf32, #tpu.memory_space<hbm>> -> memref<128x128xf32, #tpu.memory_space<hbm>>
    tpu.enqueue_dma source(%arg8 : memref<128x128xf32, #tpu.memory_space<vmem>>) target(%dma_start3A_47 : memref<128x128xf32, #tpu.memory_space<hbm>>) target_semaphore(%arg18 : memref<!tpu.dma_semaphore, #tpu.memory_space<semaphore_mem>>)
    %add3A_48 = arith.constant 5632 : i32
    %add3A_49 = arith.addi %mul3A_2, %add3A_48 : i32
    %dma_wait3A_50 = arith.constant 0 : i32
    %dma_wait3A_51 = tpu.memref_slice %arg5[%add3A_49, %dma_wait3A_50] : memref<204800x128xf32, #tpu.memory_space<hbm>> -> memref<128x128xf32, #tpu.memory_space<hbm>>
    %dma_wait3A_52 = arith.constant 0 : i32
    %dma_wait3A_53 = tpu.memref_slice %arg5[%add3A_49, %dma_wait3A_52] : memref<204800x128xf32, #tpu.memory_space<hbm>> -> memref<128x128xf32, #tpu.memory_space<hbm>>
    tpu.wait_dma2 semaphore(%arg22 : memref<!tpu.dma_semaphore, #tpu.memory_space<semaphore_mem>>) src(%arg12 : memref<128x128xf32, #tpu.memory_space<vmem>>) dst(%dma_wait3A_53 : memref<128x128xf32, #tpu.memory_space<hbm>>)
    %dma_start3A_54 = arith.constant 6272 : i32
    %dma_start3A_55 = tpu.memref_slice %arg6[%dma_start3A_54] : memref<6400xi32, #tpu.memory_space<vmem>> -> memref<128xi32, #tpu.memory_space<vmem>>
    %dma_start3A_56 = arith.constant 0 : i32
    %dma_start3A_57 = arith.constant 0 : i32
    %dma_start3A_58 = tpu.memref_slice %arg2[%dma_start3A_56, %dma_start3A_57] : memref<100000x128xf32, #tpu.memory_space<hbm>> -> memref<100000x128xf32, #tpu.memory_space<hbm>>
    tpu.enqueue_indirect_dma source(%dma_start3A_58 : memref<100000x128xf32, #tpu.memory_space<hbm>>) target(%arg12 : memref<128x128xf32, #tpu.memory_space<vmem>>) offsets(%dma_start3A_55 : memref<128xi32, #tpu.memory_space<vmem>>) semaphore(%arg17 : memref<!tpu.dma_semaphore, #tpu.memory_space<semaphore_mem>>)
    %dma_wait3A_59 = arith.constant 5888 : i32
    %dma_wait3A_60 = tpu.memref_slice %arg6[%dma_wait3A_59] : memref<6400xi32, #tpu.memory_space<vmem>> -> memref<128xi32, #tpu.memory_space<vmem>>
    %dma_wait3A_61 = arith.constant 0 : i32
    %dma_wait3A_62 = arith.constant 0 : i32
    %dma_wait3A_63 = tpu.memref_slice %arg2[%dma_wait3A_61, %dma_wait3A_62] : memref<100000x128xf32, #tpu.memory_space<hbm>> -> memref<100000x128xf32, #tpu.memory_space<hbm>>
    tpu.wait_indirect_dma semaphore(%arg14 : memref<!tpu.dma_semaphore, #tpu.memory_space<semaphore_mem>>) src(%dma_wait3A_63 : memref<100000x128xf32, #tpu.memory_space<hbm>>) dst(%arg9 : memref<128x128xf32, #tpu.memory_space<vmem>>)
    %rem3A_64 = arith.constant 5888 : i32
    %rem3A_65 = arith.constant 200 : i32
    %rem3A_66 = arith.remsi %rem3A_64, %rem3A_65 : i32
    %parallel_loop3A_67 = arith.constant 0 : i32
    %parallel_loop3A_68 = arith.constant 128 : i32
    %parallel_loop3A_69 = arith.constant 1 : i32
    scf.for %parallel_loop3A_157 = %parallel_loop3A_67 to %parallel_loop3A_68 step %parallel_loop3A_69  : i32 {
      %parallel_loop3A_158 = arith.addi %rem3A_66, %parallel_loop3A_157 : i32
      %parallel_loop3A_159 = arith.index_cast %parallel_loop3A_158 : i32 to index
      %parallel_loop3A_160 = arith.constant 0 : index
      %parallel_loop3A_161 = tpu.vector_load %arg7[%parallel_loop3A_159, %parallel_loop3A_160] {strides = array<i32>} : memref<320x128xf32, #tpu.memory_space<vmem>>, vector<1x16xf32>,
      %parallel_loop3A_162 = vector.shape_cast %parallel_loop3A_161 : vector<1x16xf32> to vector<16xf32>
      %parallel_loop3A_163 = arith.index_cast %parallel_loop3A_157 : i32 to index
      %parallel_loop3A_164 = arith.constant 0 : index
      %parallel_loop3A_165 = tpu.vector_load %arg9[%parallel_loop3A_163, %parallel_loop3A_164] {strides = array<i32>} : memref<128x128xf32, #tpu.memory_space<vmem>>, vector<1x16xf32>,
      %parallel_loop3A_166 = vector.shape_cast %parallel_loop3A_165 : vector<1x16xf32> to vector<16xf32>
      %parallel_loop3A_167 = vector.shape_cast %parallel_loop3A_162 : vector<16xf32> to vector<1x16xf32>
      tpu.vector_store %arg9[%parallel_loop3A_163, %parallel_loop3A_164], %parallel_loop3A_167 {add = true, strides = array<i32>} : memref<128x128xf32, #tpu.memory_space<vmem>>, vector<1x16xf32>,
      %parallel_loop3A_168 = arith.index_cast %parallel_loop3A_158 : i32 to index
      %parallel_loop3A_169 = arith.constant 16 : index
      %parallel_loop3A_170 = tpu.vector_load %arg7[%parallel_loop3A_168, %parallel_loop3A_169] {strides = array<i32>} : memref<320x128xf32, #tpu.memory_space<vmem>>, vector<1x16xf32>,
      %parallel_loop3A_171 = vector.shape_cast %parallel_loop3A_170 : vector<1x16xf32> to vector<16xf32>
      %parallel_loop3A_172 = arith.index_cast %parallel_loop3A_157 : i32 to index
      %parallel_loop3A_173 = arith.constant 16 : index
      %parallel_loop3A_174 = tpu.vector_load %arg9[%parallel_loop3A_172, %parallel_loop3A_173] {strides = array<i32>} : memref<128x128xf32, #tpu.memory_space<vmem>>, vector<1x16xf32>,
      %parallel_loop3A_175 = vector.shape_cast %parallel_loop3A_174 : vector<1x16xf32> to vector<16xf32>
      %parallel_loop3A_176 = vector.shape_cast %parallel_loop3A_171 : vector<16xf32> to vector<1x16xf32>
      tpu.vector_store %arg9[%parallel_loop3A_172, %parallel_loop3A_173], %parallel_loop3A_176 {add = true, strides = array<i32>} : memref<128x128xf32, #tpu.memory_space<vmem>>, vector<1x16xf32>,
      %parallel_loop3A_177 = arith.index_cast %parallel_loop3A_158 : i32 to index
      %parallel_loop3A_178 = arith.constant 32 : index
      %parallel_loop3A_179 = tpu.vector_load %arg7[%parallel_loop3A_177, %parallel_loop3A_178] {strides = array<i32>} : memref<320x128xf32, #tpu.memory_space<vmem>>, vector<1x16xf32>,
      %parallel_loop3A_180 = vector.shape_cast %parallel_loop3A_179 : vector<1x16xf32> to vector<16xf32>
      %parallel_loop3A_181 = arith.index_cast %parallel_loop3A_157 : i32 to index
      %parallel_loop3A_182 = arith.constant 32 : index
      %parallel_loop3A_183 = tpu.vector_load %arg9[%parallel_loop3A_181, %parallel_loop3A_182] {strides = array<i32>} : memref<128x128xf32, #tpu.memory_space<vmem>>, vector<1x16xf32>,
      %parallel_loop3A_184 = vector.shape_cast %parallel_loop3A_183 : vector<1x16xf32> to vector<16xf32>
      %parallel_loop3A_185 = vector.shape_cast %parallel_loop3A_180 : vector<16xf32> to vector<1x16xf32>
      tpu.vector_store %arg9[%parallel_loop3A_181, %parallel_loop3A_182], %parallel_loop3A_185 {add = true, strides = array<i32>} : memref<128x128xf32, #tpu.memory_space<vmem>>, vector<1x16xf32>,
      %parallel_loop3A_186 = arith.index_cast %parallel_loop3A_158 : i32 to index
      %parallel_loop3A_187 = arith.constant 48 : index
      %parallel_loop3A_188 = tpu.vector_load %arg7[%parallel_loop3A_186, %parallel_loop3A_187] {strides = array<i32>} : memref<320x128xf32, #tpu.memory_space<vmem>>, vector<1x16xf32>,
      %parallel_loop3A_189 = vector.shape_cast %parallel_loop3A_188 : vector<1x16xf32> to vector<16xf32>
      %parallel_loop3A_190 = arith.index_cast %parallel_loop3A_157 : i32 to index
      %parallel_loop3A_191 = arith.constant 48 : index
      %parallel_loop3A_192 = tpu.vector_load %arg9[%parallel_loop3A_190, %parallel_loop3A_191] {strides = array<i32>} : memref<128x128xf32, #tpu.memory_space<vmem>>, vector<1x16xf32>,
      %parallel_loop3A_193 = vector.shape_cast %parallel_loop3A_192 : vector<1x16xf32> to vector<16xf32>
      %parallel_loop3A_194 = vector.shape_cast %parallel_loop3A_189 : vector<16xf32> to vector<1x16xf32>
      tpu.vector_store %arg9[%parallel_loop3A_190, %parallel_loop3A_191], %parallel_loop3A_194 {add = true, strides = array<i32>} : memref<128x128xf32, #tpu.memory_space<vmem>>, vector<1x16xf32>,
      %parallel_loop3A_195 = arith.index_cast %parallel_loop3A_158 : i32 to index
      %parallel_loop3A_196 = arith.constant 64 : index
      %parallel_loop3A_197 = tpu.vector_load %arg7[%parallel_loop3A_195, %parallel_loop3A_196] {strides = array<i32>} : memref<320x128xf32, #tpu.memory_space<vmem>>, vector<1x16xf32>,
      %parallel_loop3A_198 = vector.shape_cast %parallel_loop3A_197 : vector<1x16xf32> to vector<16xf32>
      %parallel_loop3A_199 = arith.index_cast %parallel_loop3A_157 : i32 to index
      %parallel_loop3A_200 = arith.constant 64 : index
      %parallel_loop3A_201 = tpu.vector_load %arg9[%parallel_loop3A_199, %parallel_loop3A_200] {strides = array<i32>} : memref<128x128xf32, #tpu.memory_space<vmem>>, vector<1x16xf32>,
      %parallel_loop3A_202 = vector.shape_cast %parallel_loop3A_201 : vector<1x16xf32> to vector<16xf32>
      %parallel_loop3A_203 = vector.shape_cast %parallel_loop3A_198 : vector<16xf32> to vector<1x16xf32>
      tpu.vector_store %arg9[%parallel_loop3A_199, %parallel_loop3A_200], %parallel_loop3A_203 {add = true, strides = array<i32>} : memref<128x128xf32, #tpu.memory_space<vmem>>, vector<1x16xf32>,
      %parallel_loop3A_204 = arith.index_cast %parallel_loop3A_158 : i32 to index
      %parallel_loop3A_205 = arith.constant 80 : index
      %parallel_loop3A_206 = tpu.vector_load %arg7[%parallel_loop3A_204, %parallel_loop3A_205] {strides = array<i32>} : memref<320x128xf32, #tpu.memory_space<vmem>>, vector<1x16xf32>,
      %parallel_loop3A_207 = vector.shape_cast %parallel_loop3A_206 : vector<1x16xf32> to vector<16xf32>
      %parallel_loop3A_208 = arith.index_cast %parallel_loop3A_157 : i32 to index
      %parallel_loop3A_209 = arith.constant 80 : index
      %parallel_loop3A_210 = tpu.vector_load %arg9[%parallel_loop3A_208, %parallel_loop3A_209] {strides = array<i32>} : memref<128x128xf32, #tpu.memory_space<vmem>>, vector<1x16xf32>,
      %parallel_loop3A_211 = vector.shape_cast %parallel_loop3A_210 : vector<1x16xf32> to vector<16xf32>
      %parallel_loop3A_212 = vector.shape_cast %parallel_loop3A_207 : vector<16xf32> to vector<1x16xf32>
      tpu.vector_store %arg9[%parallel_loop3A_208, %parallel_loop3A_209], %parallel_loop3A_212 {add = true, strides = array<i32>} : memref<128x128xf32, #tpu.memory_space<vmem>>, vector<1x16xf32>,
      %parallel_loop3A_213 = arith.index_cast %parallel_loop3A_158 : i32 to index
      %parallel_loop3A_214 = arith.constant 96 : index
      %parallel_loop3A_215 = tpu.vector_load %arg7[%parallel_loop3A_213, %parallel_loop3A_214] {strides = array<i32>} : memref<320x128xf32, #tpu.memory_space<vmem>>, vector<1x16xf32>,
      %parallel_loop3A_216 = vector.shape_cast %parallel_loop3A_215 : vector<1x16xf32> to vector<16xf32>
      %parallel_loop3A_217 = arith.index_cast %parallel_loop3A_157 : i32 to index
      %parallel_loop3A_218 = arith.constant 96 : index
      %parallel_loop3A_219 = tpu.vector_load %arg9[%parallel_loop3A_217, %parallel_loop3A_218] {strides = array<i32>} : memref<128x128xf32, #tpu.memory_space<vmem>>, vector<1x16xf32>,
      %parallel_loop3A_220 = vector.shape_cast %parallel_loop3A_219 : vector<1x16xf32> to vector<16xf32>
      %parallel_loop3A_221 = vector.shape_cast %parallel_loop3A_216 : vector<16xf32> to vector<1x16xf32>
      tpu.vector_store %arg9[%parallel_loop3A_217, %parallel_loop3A_218], %parallel_loop3A_221 {add = true, strides = array<i32>} : memref<128x128xf32, #tpu.memory_space<vmem>>, vector<1x16xf32>,
      %parallel_loop3A_222 = arith.index_cast %parallel_loop3A_158 : i32 to index
      %parallel_loop3A_223 = arith.constant 112 : index
      %parallel_loop3A_224 = tpu.vector_load %arg7[%parallel_loop3A_222, %parallel_loop3A_223] {strides = array<i32>} : memref<320x128xf32, #tpu.memory_space<vmem>>, vector<1x16xf32>,
      %parallel_loop3A_225 = vector.shape_cast %parallel_loop3A_224 : vector<1x16xf32> to vector<16xf32>
      %parallel_loop3A_226 = arith.index_cast %parallel_loop3A_157 : i32 to index
      %parallel_loop3A_227 = arith.constant 112 : index
      %parallel_loop3A_228 = tpu.vector_load %arg9[%parallel_loop3A_226, %parallel_loop3A_227] {strides = array<i32>} : memref<128x128xf32, #tpu.memory_space<vmem>>, vector<1x16xf32>,
      %parallel_loop3A_229 = vector.shape_cast %parallel_loop3A_228 : vector<1x16xf32> to vector<16xf32>
      %parallel_loop3A_230 = vector.shape_cast %parallel_loop3A_225 : vector<16xf32> to vector<1x16xf32>
      tpu.vector_store %arg9[%parallel_loop3A_226, %parallel_loop3A_227], %parallel_loop3A_230 {add = true, strides = array<i32>} : memref<128x128xf32, #tpu.memory_space<vmem>>, vector<1x16xf32>,
    } {sc.loop_unroll_factor = 4 : i64, sc.parallel_access}
    %add3A_70 = arith.constant 5888 : i32
    %add3A_71 = arith.addi %mul3A_2, %add3A_70 : i32
    %dma_start3A_72 = arith.constant 0 : i32
    %dma_start3A_73 = tpu.memref_slice %arg5[%add3A_71, %dma_start3A_72] : memref<204800x128xf32, #tpu.memory_space<hbm>> -> memref<128x128xf32, #tpu.memory_space<hbm>>
    %dma_start3A_74 = arith.constant 0 : i32
    %dma_start3A_75 = tpu.memref_slice %arg5[%add3A_71, %dma_start3A_74] : memref<204800x128xf32, #tpu.memory_space<hbm>> -> memref<128x128xf32, #tpu.memory_space<hbm>>
    tpu.enqueue_dma source(%arg9 : memref<128x128xf32, #tpu.memory_space<vmem>>) target(%dma_start3A_75 : memref<128x128xf32, #tpu.memory_space<hbm>>) target_semaphore(%arg19 : memref<!tpu.dma_semaphore, #tpu.memory_space<semaphore_mem>>)
    %dma_wait3A_76 = arith.constant 6016 : i32
    %dma_wait3A_77 = tpu.memref_slice %arg6[%dma_wait3A_76] : memref<6400xi32, #tpu.memory_space<vmem>> -> memref<128xi32, #tpu.memory_space<vmem>>
    %dma_wait3A_78 = arith.constant 0 : i32
    %dma_wait3A_79 = arith.constant 0 : i32
    %dma_wait3A_80 = tpu.memref_slice %arg2[%dma_wait3A_78, %dma_wait3A_79] : memref<100000x128xf32, #tpu.memory_space<hbm>> -> memref<100000x128xf32, #tpu.memory_space<hbm>>
    tpu.wait_indirect_dma semaphore(%arg15 : memref<!tpu.dma_semaphore, #tpu.memory_space<semaphore_mem>>) src(%dma_wait3A_80 : memref<100000x128xf32, #tpu.memory_space<hbm>>) dst(%arg10 : memref<128x128xf32, #tpu.memory_space<vmem>>)
    %rem3A_81 = arith.constant 6016 : i32
    %rem3A_82 = arith.constant 200 : i32
    %rem3A_83 = arith.remsi %rem3A_81, %rem3A_82 : i32
    %parallel_loop3A_84 = arith.constant 0 : i32
    %parallel_loop3A_85 = arith.constant 128 : i32
    %parallel_loop3A_86 = arith.constant 1 : i32
    scf.for %parallel_loop3A_157 = %parallel_loop3A_84 to %parallel_loop3A_85 step %parallel_loop3A_86  : i32 {
      %parallel_loop3A_158 = arith.addi %rem3A_83, %parallel_loop3A_157 : i32
      %parallel_loop3A_159 = arith.index_cast %parallel_loop3A_158 : i32 to index
      %parallel_loop3A_160 = arith.constant 0 : index
      %parallel_loop3A_161 = tpu.vector_load %arg7[%parallel_loop3A_159, %parallel_loop3A_160] {strides = array<i32>} : memref<320x128xf32, #tpu.memory_space<vmem>>, vector<1x16xf32>,
      %parallel_loop3A_162 = vector.shape_cast %parallel_loop3A_161 : vector<1x16xf32> to vector<16xf32>
      %parallel_loop3A_163 = arith.index_cast %parallel_loop3A_157 : i32 to index
      %parallel_loop3A_164 = arith.constant 0 : index
      %parallel_loop3A_165 = tpu.vector_load %arg10[%parallel_loop3A_163, %parallel_loop3A_164] {strides = array<i32>} : memref<128x128xf32, #tpu.memory_space<vmem>>, vector<1x16xf32>,
      %parallel_loop3A_166 = vector.shape_cast %parallel_loop3A_165 : vector<1x16xf32> to vector<16xf32>
      %parallel_loop3A_167 = vector.shape_cast %parallel_loop3A_162 : vector<16xf32> to vector<1x16xf32>
      tpu.vector_store %arg10[%parallel_loop3A_163, %parallel_loop3A_164], %parallel_loop3A_167 {add = true, strides = array<i32>} : memref<128x128xf32, #tpu.memory_space<vmem>>, vector<1x16xf32>,
      %parallel_loop3A_168 = arith.index_cast %parallel_loop3A_158 : i32 to index
      %parallel_loop3A_169 = arith.constant 16 : index
      %parallel_loop3A_170 = tpu.vector_load %arg7[%parallel_loop3A_168, %parallel_loop3A_169] {strides = array<i32>} : memref<320x128xf32, #tpu.memory_space<vmem>>, vector<1x16xf32>,
      %parallel_loop3A_171 = vector.shape_cast %parallel_loop3A_170 : vector<1x16xf32> to vector<16xf32>
      %parallel_loop3A_172 = arith.index_cast %parallel_loop3A_157 : i32 to index
      %parallel_loop3A_173 = arith.constant 16 : index
      %parallel_loop3A_174 = tpu.vector_load %arg10[%parallel_loop3A_172, %parallel_loop3A_173] {strides = array<i32>} : memref<128x128xf32, #tpu.memory_space<vmem>>, vector<1x16xf32>,
      %parallel_loop3A_175 = vector.shape_cast %parallel_loop3A_174 : vector<1x16xf32> to vector<16xf32>
      %parallel_loop3A_176 = vector.shape_cast %parallel_loop3A_171 : vector<16xf32> to vector<1x16xf32>
      tpu.vector_store %arg10[%parallel_loop3A_172, %parallel_loop3A_173], %parallel_loop3A_176 {add = true, strides = array<i32>} : memref<128x128xf32, #tpu.memory_space<vmem>>, vector<1x16xf32>,
      %parallel_loop3A_177 = arith.index_cast %parallel_loop3A_158 : i32 to index
      %parallel_loop3A_178 = arith.constant 32 : index
      %parallel_loop3A_179 = tpu.vector_load %arg7[%parallel_loop3A_177, %parallel_loop3A_178] {strides = array<i32>} : memref<320x128xf32, #tpu.memory_space<vmem>>, vector<1x16xf32>,
      %parallel_loop3A_180 = vector.shape_cast %parallel_loop3A_179 : vector<1x16xf32> to vector<16xf32>
      %parallel_loop3A_181 = arith.index_cast %parallel_loop3A_157 : i32 to index
      %parallel_loop3A_182 = arith.constant 32 : index
      %parallel_loop3A_183 = tpu.vector_load %arg10[%parallel_loop3A_181, %parallel_loop3A_182] {strides = array<i32>} : memref<128x128xf32, #tpu.memory_space<vmem>>, vector<1x16xf32>,
      %parallel_loop3A_184 = vector.shape_cast %parallel_loop3A_183 : vector<1x16xf32> to vector<16xf32>
      %parallel_loop3A_185 = vector.shape_cast %parallel_loop3A_180 : vector<16xf32> to vector<1x16xf32>
      tpu.vector_store %arg10[%parallel_loop3A_181, %parallel_loop3A_182], %parallel_loop3A_185 {add = true, strides = array<i32>} : memref<128x128xf32, #tpu.memory_space<vmem>>, vector<1x16xf32>,
      %parallel_loop3A_186 = arith.index_cast %parallel_loop3A_158 : i32 to index
      %parallel_loop3A_187 = arith.constant 48 : index
      %parallel_loop3A_188 = tpu.vector_load %arg7[%parallel_loop3A_186, %parallel_loop3A_187] {strides = array<i32>} : memref<320x128xf32, #tpu.memory_space<vmem>>, vector<1x16xf32>,
      %parallel_loop3A_189 = vector.shape_cast %parallel_loop3A_188 : vector<1x16xf32> to vector<16xf32>
      %parallel_loop3A_190 = arith.index_cast %parallel_loop3A_157 : i32 to index
      %parallel_loop3A_191 = arith.constant 48 : index
      %parallel_loop3A_192 = tpu.vector_load %arg10[%parallel_loop3A_190, %parallel_loop3A_191] {strides = array<i32>} : memref<128x128xf32, #tpu.memory_space<vmem>>, vector<1x16xf32>,
      %parallel_loop3A_193 = vector.shape_cast %parallel_loop3A_192 : vector<1x16xf32> to vector<16xf32>
      %parallel_loop3A_194 = vector.shape_cast %parallel_loop3A_189 : vector<16xf32> to vector<1x16xf32>
      tpu.vector_store %arg10[%parallel_loop3A_190, %parallel_loop3A_191], %parallel_loop3A_194 {add = true, strides = array<i32>} : memref<128x128xf32, #tpu.memory_space<vmem>>, vector<1x16xf32>,
      %parallel_loop3A_195 = arith.index_cast %parallel_loop3A_158 : i32 to index
      %parallel_loop3A_196 = arith.constant 64 : index
      %parallel_loop3A_197 = tpu.vector_load %arg7[%parallel_loop3A_195, %parallel_loop3A_196] {strides = array<i32>} : memref<320x128xf32, #tpu.memory_space<vmem>>, vector<1x16xf32>,
      %parallel_loop3A_198 = vector.shape_cast %parallel_loop3A_197 : vector<1x16xf32> to vector<16xf32>
      %parallel_loop3A_199 = arith.index_cast %parallel_loop3A_157 : i32 to index
      %parallel_loop3A_200 = arith.constant 64 : index
      %parallel_loop3A_201 = tpu.vector_load %arg10[%parallel_loop3A_199, %parallel_loop3A_200] {strides = array<i32>} : memref<128x128xf32, #tpu.memory_space<vmem>>, vector<1x16xf32>,
      %parallel_loop3A_202 = vector.shape_cast %parallel_loop3A_201 : vector<1x16xf32> to vector<16xf32>
      %parallel_loop3A_203 = vector.shape_cast %parallel_loop3A_198 : vector<16xf32> to vector<1x16xf32>
      tpu.vector_store %arg10[%parallel_loop3A_199, %parallel_loop3A_200], %parallel_loop3A_203 {add = true, strides = array<i32>} : memref<128x128xf32, #tpu.memory_space<vmem>>, vector<1x16xf32>,
      %parallel_loop3A_204 = arith.index_cast %parallel_loop3A_158 : i32 to index
      %parallel_loop3A_205 = arith.constant 80 : index
      %parallel_loop3A_206 = tpu.vector_load %arg7[%parallel_loop3A_204, %parallel_loop3A_205] {strides = array<i32>} : memref<320x128xf32, #tpu.memory_space<vmem>>, vector<1x16xf32>,
      %parallel_loop3A_207 = vector.shape_cast %parallel_loop3A_206 : vector<1x16xf32> to vector<16xf32>
      %parallel_loop3A_208 = arith.index_cast %parallel_loop3A_157 : i32 to index
      %parallel_loop3A_209 = arith.constant 80 : index
      %parallel_loop3A_210 = tpu.vector_load %arg10[%parallel_loop3A_208, %parallel_loop3A_209] {strides = array<i32>} : memref<128x128xf32, #tpu.memory_space<vmem>>, vector<1x16xf32>,
      %parallel_loop3A_211 = vector.shape_cast %parallel_loop3A_210 : vector<1x16xf32> to vector<16xf32>
      %parallel_loop3A_212 = vector.shape_cast %parallel_loop3A_207 : vector<16xf32> to vector<1x16xf32>
      tpu.vector_store %arg10[%parallel_loop3A_208, %parallel_loop3A_209], %parallel_loop3A_212 {add = true, strides = array<i32>} : memref<128x128xf32, #tpu.memory_space<vmem>>, vector<1x16xf32>,
      %parallel_loop3A_213 = arith.index_cast %parallel_loop3A_158 : i32 to index
      %parallel_loop3A_214 = arith.constant 96 : index
      %parallel_loop3A_215 = tpu.vector_load %arg7[%parallel_loop3A_213, %parallel_loop3A_214] {strides = array<i32>} : memref<320x128xf32, #tpu.memory_space<vmem>>, vector<1x16xf32>,
      %parallel_loop3A_216 = vector.shape_cast %parallel_loop3A_215 : vector<1x16xf32> to vector<16xf32>
      %parallel_loop3A_217 = arith.index_cast %parallel_loop3A_157 : i32 to index
      %parallel_loop3A_218 = arith.constant 96 : index
      %parallel_loop3A_219 = tpu.vector_load %arg10[%parallel_loop3A_217, %parallel_loop3A_218] {strides = array<i32>} : memref<128x128xf32, #tpu.memory_space<vmem>>, vector<1x16xf32>,
      %parallel_loop3A_220 = vector.shape_cast %parallel_loop3A_219 : vector<1x16xf32> to vector<16xf32>
      %parallel_loop3A_221 = vector.shape_cast %parallel_loop3A_216 : vector<16xf32> to vector<1x16xf32>
      tpu.vector_store %arg10[%parallel_loop3A_217, %parallel_loop3A_218], %parallel_loop3A_221 {add = true, strides = array<i32>} : memref<128x128xf32, #tpu.memory_space<vmem>>, vector<1x16xf32>,
      %parallel_loop3A_222 = arith.index_cast %parallel_loop3A_158 : i32 to index
      %parallel_loop3A_223 = arith.constant 112 : index
      %parallel_loop3A_224 = tpu.vector_load %arg7[%parallel_loop3A_222, %parallel_loop3A_223] {strides = array<i32>} : memref<320x128xf32, #tpu.memory_space<vmem>>, vector<1x16xf32>,
      %parallel_loop3A_225 = vector.shape_cast %parallel_loop3A_224 : vector<1x16xf32> to vector<16xf32>
      %parallel_loop3A_226 = arith.index_cast %parallel_loop3A_157 : i32 to index
      %parallel_loop3A_227 = arith.constant 112 : index
      %parallel_loop3A_228 = tpu.vector_load %arg10[%parallel_loop3A_226, %parallel_loop3A_227] {strides = array<i32>} : memref<128x128xf32, #tpu.memory_space<vmem>>, vector<1x16xf32>,
      %parallel_loop3A_229 = vector.shape_cast %parallel_loop3A_228 : vector<1x16xf32> to vector<16xf32>
      %parallel_loop3A_230 = vector.shape_cast %parallel_loop3A_225 : vector<16xf32> to vector<1x16xf32>
      tpu.vector_store %arg10[%parallel_loop3A_226, %parallel_loop3A_227], %parallel_loop3A_230 {add = true, strides = array<i32>} : memref<128x128xf32, #tpu.memory_space<vmem>>, vector<1x16xf32>,
    } {sc.loop_unroll_factor = 4 : i64, sc.parallel_access}
    %add3A_87 = arith.constant 6016 : i32
    %add3A_88 = arith.addi %mul3A_2, %add3A_87 : i32
    %dma_start3A_89 = arith.constant 0 : i32
    %dma_start3A_90 = tpu.memref_slice %arg5[%add3A_88, %dma_start3A_89] : memref<204800x128xf32, #tpu.memory_space<hbm>> -> memref<128x128xf32, #tpu.memory_space<hbm>>
    %dma_start3A_91 = arith.constant 0 : i32
    %dma_start3A_92 = tpu.memref_slice %arg5[%add3A_88, %dma_start3A_91] : memref<204800x128xf32, #tpu.memory_space<hbm>> -> memref<128x128xf32, #tpu.memory_space<hbm>>
    tpu.enqueue_dma source(%arg10 : memref<128x128xf32, #tpu.memory_space<vmem>>) target(%dma_start3A_92 : memref<128x128xf32, #tpu.memory_space<hbm>>) target_semaphore(%arg20 : memref<!tpu.dma_semaphore, #tpu.memory_space<semaphore_mem>>)
    %dma_wait3A_93 = arith.constant 6144 : i32
    %dma_wait3A_94 = tpu.memref_slice %arg6[%dma_wait3A_93] : memref<6400xi32, #tpu.memory_space<vmem>> -> memref<128xi32, #tpu.memory_space<vmem>>
    %dma_wait3A_95 = arith.constant 0 : i32
    %dma_wait3A_96 = arith.constant 0 : i32
    %dma_wait3A_97 = tpu.memref_slice %arg2[%dma_wait3A_95, %dma_wait3A_96] : memref<100000x128xf32, #tpu.memory_space<hbm>> -> memref<100000x128xf32, #tpu.memory_space<hbm>>
    tpu.wait_indirect_dma semaphore(%arg16 : memref<!tpu.dma_semaphore, #tpu.memory_space<semaphore_mem>>) src(%dma_wait3A_97 : memref<100000x128xf32, #tpu.memory_space<hbm>>) dst(%arg11 : memref<128x128xf32, #tpu.memory_space<vmem>>)
    %rem3A_98 = arith.constant 6144 : i32
    %rem3A_99 = arith.constant 200 : i32
    %rem3A_100 = arith.remsi %rem3A_98, %rem3A_99 : i32
    %parallel_loop3A_101 = arith.constant 0 : i32
    %parallel_loop3A_102 = arith.constant 128 : i32
    %parallel_loop3A_103 = arith.constant 1 : i32
    scf.for %parallel_loop3A_157 = %parallel_loop3A_101 to %parallel_loop3A_102 step %parallel_loop3A_103  : i32 {
      %parallel_loop3A_158 = arith.addi %rem3A_100, %parallel_loop3A_157 : i32
      %parallel_loop3A_159 = arith.index_cast %parallel_loop3A_158 : i32 to index
      %parallel_loop3A_160 = arith.constant 0 : index
      %parallel_loop3A_161 = tpu.vector_load %arg7[%parallel_loop3A_159, %parallel_loop3A_160] {strides = array<i32>} : memref<320x128xf32, #tpu.memory_space<vmem>>, vector<1x16xf32>,
      %parallel_loop3A_162 = vector.shape_cast %parallel_loop3A_161 : vector<1x16xf32> to vector<16xf32>
      %parallel_loop3A_163 = arith.index_cast %parallel_loop3A_157 : i32 to index
      %parallel_loop3A_164 = arith.constant 0 : index
      %parallel_loop3A_165 = tpu.vector_load %arg11[%parallel_loop3A_163, %parallel_loop3A_164] {strides = array<i32>} : memref<128x128xf32, #tpu.memory_space<vmem>>, vector<1x16xf32>,
      %parallel_loop3A_166 = vector.shape_cast %parallel_loop3A_165 : vector<1x16xf32> to vector<16xf32>
      %parallel_loop3A_167 = vector.shape_cast %parallel_loop3A_162 : vector<16xf32> to vector<1x16xf32>
      tpu.vector_store %arg11[%parallel_loop3A_163, %parallel_loop3A_164], %parallel_loop3A_167 {add = true, strides = array<i32>} : memref<128x128xf32, #tpu.memory_space<vmem>>, vector<1x16xf32>,
      %parallel_loop3A_168 = arith.index_cast %parallel_loop3A_158 : i32 to index
      %parallel_loop3A_169 = arith.constant 16 : index
      %parallel_loop3A_170 = tpu.vector_load %arg7[%parallel_loop3A_168, %parallel_loop3A_169] {strides = array<i32>} : memref<320x128xf32, #tpu.memory_space<vmem>>, vector<1x16xf32>,
      %parallel_loop3A_171 = vector.shape_cast %parallel_loop3A_170 : vector<1x16xf32> to vector<16xf32>
      %parallel_loop3A_172 = arith.index_cast %parallel_loop3A_157 : i32 to index
      %parallel_loop3A_173 = arith.constant 16 : index
      %parallel_loop3A_174 = tpu.vector_load %arg11[%parallel_loop3A_172, %parallel_loop3A_173] {strides = array<i32>} : memref<128x128xf32, #tpu.memory_space<vmem>>, vector<1x16xf32>,
      %parallel_loop3A_175 = vector.shape_cast %parallel_loop3A_174 : vector<1x16xf32> to vector<16xf32>
      %parallel_loop3A_176 = vector.shape_cast %parallel_loop3A_171 : vector<16xf32> to vector<1x16xf32>
      tpu.vector_store %arg11[%parallel_loop3A_172, %parallel_loop3A_173], %parallel_loop3A_176 {add = true, strides = array<i32>} : memref<128x128xf32, #tpu.memory_space<vmem>>, vector<1x16xf32>,
      %parallel_loop3A_177 = arith.index_cast %parallel_loop3A_158 : i32 to index
      %parallel_loop3A_178 = arith.constant 32 : index
      %parallel_loop3A_179 = tpu.vector_load %arg7[%parallel_loop3A_177, %parallel_loop3A_178] {strides = array<i32>} : memref<320x128xf32, #tpu.memory_space<vmem>>, vector<1x16xf32>,
      %parallel_loop3A_180 = vector.shape_cast %parallel_loop3A_179 : vector<1x16xf32> to vector<16xf32>
      %parallel_loop3A_181 = arith.index_cast %parallel_loop3A_157 : i32 to index
      %parallel_loop3A_182 = arith.constant 32 : index
      %parallel_loop3A_183 = tpu.vector_load %arg11[%parallel_loop3A_181, %parallel_loop3A_182] {strides = array<i32>} : memref<128x128xf32, #tpu.memory_space<vmem>>, vector<1x16xf32>,
      %parallel_loop3A_184 = vector.shape_cast %parallel_loop3A_183 : vector<1x16xf32> to vector<16xf32>
      %parallel_loop3A_185 = vector.shape_cast %parallel_loop3A_180 : vector<16xf32> to vector<1x16xf32>
      tpu.vector_store %arg11[%parallel_loop3A_181, %parallel_loop3A_182], %parallel_loop3A_185 {add = true, strides = array<i32>} : memref<128x128xf32, #tpu.memory_space<vmem>>, vector<1x16xf32>,
      %parallel_loop3A_186 = arith.index_cast %parallel_loop3A_158 : i32 to index
      %parallel_loop3A_187 = arith.constant 48 : index
      %parallel_loop3A_188 = tpu.vector_load %arg7[%parallel_loop3A_186, %parallel_loop3A_187] {strides = array<i32>} : memref<320x128xf32, #tpu.memory_space<vmem>>, vector<1x16xf32>,
      %parallel_loop3A_189 = vector.shape_cast %parallel_loop3A_188 : vector<1x16xf32> to vector<16xf32>
      %parallel_loop3A_190 = arith.index_cast %parallel_loop3A_157 : i32 to index
      %parallel_loop3A_191 = arith.constant 48 : index
      %parallel_loop3A_192 = tpu.vector_load %arg11[%parallel_loop3A_190, %parallel_loop3A_191] {strides = array<i32>} : memref<128x128xf32, #tpu.memory_space<vmem>>, vector<1x16xf32>,
      %parallel_loop3A_193 = vector.shape_cast %parallel_loop3A_192 : vector<1x16xf32> to vector<16xf32>
      %parallel_loop3A_194 = vector.shape_cast %parallel_loop3A_189 : vector<16xf32> to vector<1x16xf32>
      tpu.vector_store %arg11[%parallel_loop3A_190, %parallel_loop3A_191], %parallel_loop3A_194 {add = true, strides = array<i32>} : memref<128x128xf32, #tpu.memory_space<vmem>>, vector<1x16xf32>,
      %parallel_loop3A_195 = arith.index_cast %parallel_loop3A_158 : i32 to index
      %parallel_loop3A_196 = arith.constant 64 : index
      %parallel_loop3A_197 = tpu.vector_load %arg7[%parallel_loop3A_195, %parallel_loop3A_196] {strides = array<i32>} : memref<320x128xf32, #tpu.memory_space<vmem>>, vector<1x16xf32>,
      %parallel_loop3A_198 = vector.shape_cast %parallel_loop3A_197 : vector<1x16xf32> to vector<16xf32>
      %parallel_loop3A_199 = arith.index_cast %parallel_loop3A_157 : i32 to index
      %parallel_loop3A_200 = arith.constant 64 : index
      %parallel_loop3A_201 = tpu.vector_load %arg11[%parallel_loop3A_199, %parallel_loop3A_200] {strides = array<i32>} : memref<128x128xf32, #tpu.memory_space<vmem>>, vector<1x16xf32>,
      %parallel_loop3A_202 = vector.shape_cast %parallel_loop3A_201 : vector<1x16xf32> to vector<16xf32>
      %parallel_loop3A_203 = vector.shape_cast %parallel_loop3A_198 : vector<16xf32> to vector<1x16xf32>
      tpu.vector_store %arg11[%parallel_loop3A_199, %parallel_loop3A_200], %parallel_loop3A_203 {add = true, strides = array<i32>} : memref<128x128xf32, #tpu.memory_space<vmem>>, vector<1x16xf32>,
      %parallel_loop3A_204 = arith.index_cast %parallel_loop3A_158 : i32 to index
      %parallel_loop3A_205 = arith.constant 80 : index
      %parallel_loop3A_206 = tpu.vector_load %arg7[%parallel_loop3A_204, %parallel_loop3A_205] {strides = array<i32>} : memref<320x128xf32, #tpu.memory_space<vmem>>, vector<1x16xf32>,
      %parallel_loop3A_207 = vector.shape_cast %parallel_loop3A_206 : vector<1x16xf32> to vector<16xf32>
      %parallel_loop3A_208 = arith.index_cast %parallel_loop3A_157 : i32 to index
      %parallel_loop3A_209 = arith.constant 80 : index
      %parallel_loop3A_210 = tpu.vector_load %arg11[%parallel_loop3A_208, %parallel_loop3A_209] {strides = array<i32>} : memref<128x128xf32, #tpu.memory_space<vmem>>, vector<1x16xf32>,
      %parallel_loop3A_211 = vector.shape_cast %parallel_loop3A_210 : vector<1x16xf32> to vector<16xf32>
      %parallel_loop3A_212 = vector.shape_cast %parallel_loop3A_207 : vector<16xf32> to vector<1x16xf32>
      tpu.vector_store %arg11[%parallel_loop3A_208, %parallel_loop3A_209], %parallel_loop3A_212 {add = true, strides = array<i32>} : memref<128x128xf32, #tpu.memory_space<vmem>>, vector<1x16xf32>,
      %parallel_loop3A_213 = arith.index_cast %parallel_loop3A_158 : i32 to index
      %parallel_loop3A_214 = arith.constant 96 : index
      %parallel_loop3A_215 = tpu.vector_load %arg7[%parallel_loop3A_213, %parallel_loop3A_214] {strides = array<i32>} : memref<320x128xf32, #tpu.memory_space<vmem>>, vector<1x16xf32>,
      %parallel_loop3A_216 = vector.shape_cast %parallel_loop3A_215 : vector<1x16xf32> to vector<16xf32>
      %parallel_loop3A_217 = arith.index_cast %parallel_loop3A_157 : i32 to index
      %parallel_loop3A_218 = arith.constant 96 : index
      %parallel_loop3A_219 = tpu.vector_load %arg11[%parallel_loop3A_217, %parallel_loop3A_218] {strides = array<i32>} : memref<128x128xf32, #tpu.memory_space<vmem>>, vector<1x16xf32>,
      %parallel_loop3A_220 = vector.shape_cast %parallel_loop3A_219 : vector<1x16xf32> to vector<16xf32>
      %parallel_loop3A_221 = vector.shape_cast %parallel_loop3A_216 : vector<16xf32> to vector<1x16xf32>
      tpu.vector_store %arg11[%parallel_loop3A_217, %parallel_loop3A_218], %parallel_loop3A_221 {add = true, strides = array<i32>} : memref<128x128xf32, #tpu.memory_space<vmem>>, vector<1x16xf32>,
      %parallel_loop3A_222 = arith.index_cast %parallel_loop3A_158 : i32 to index
      %parallel_loop3A_223 = arith.constant 112 : index
      %parallel_loop3A_224 = tpu.vector_load %arg7[%parallel_loop3A_222, %parallel_loop3A_223] {strides = array<i32>} : memref<320x128xf32, #tpu.memory_space<vmem>>, vector<1x16xf32>,
      %parallel_loop3A_225 = vector.shape_cast %parallel_loop3A_224 : vector<1x16xf32> to vector<16xf32>
      %parallel_loop3A_226 = arith.index_cast %parallel_loop3A_157 : i32 to index
      %parallel_loop3A_227 = arith.constant 112 : index
      %parallel_loop3A_228 = tpu.vector_load %arg11[%parallel_loop3A_226, %parallel_loop3A_227] {strides = array<i32>} : memref<128x128xf32, #tpu.memory_space<vmem>>, vector<1x16xf32>,
      %parallel_loop3A_229 = vector.shape_cast %parallel_loop3A_228 : vector<1x16xf32> to vector<16xf32>
      %parallel_loop3A_230 = vector.shape_cast %parallel_loop3A_225 : vector<16xf32> to vector<1x16xf32>
      tpu.vector_store %arg11[%parallel_loop3A_226, %parallel_loop3A_227], %parallel_loop3A_230 {add = true, strides = array<i32>} : memref<128x128xf32, #tpu.memory_space<vmem>>, vector<1x16xf32>,
    } {sc.loop_unroll_factor = 4 : i64, sc.parallel_access}
    %add3A_104 = arith.constant 6144 : i32
    %add3A_105 = arith.addi %mul3A_2, %add3A_104 : i32
    %dma_start3A_106 = arith.constant 0 : i32
    %dma_start3A_107 = tpu.memref_slice %arg5[%add3A_105, %dma_start3A_106] : memref<204800x128xf32, #tpu.memory_space<hbm>> -> memref<128x128xf32, #tpu.memory_space<hbm>>
    %dma_start3A_108 = arith.constant 0 : i32
    %dma_start3A_109 = tpu.memref_slice %arg5[%add3A_105, %dma_start3A_108] : memref<204800x128xf32, #tpu.memory_space<hbm>> -> memref<128x128xf32, #tpu.memory_space<hbm>>
    tpu.enqueue_dma source(%arg11 : memref<128x128xf32, #tpu.memory_space<vmem>>) target(%dma_start3A_109 : memref<128x128xf32, #tpu.memory_space<hbm>>) target_semaphore(%arg21 : memref<!tpu.dma_semaphore, #tpu.memory_space<semaphore_mem>>)
    %dma_wait3A_110 = arith.constant 6272 : i32
    %dma_wait3A_111 = tpu.memref_slice %arg6[%dma_wait3A_110] : memref<6400xi32, #tpu.memory_space<vmem>> -> memref<128xi32, #tpu.memory_space<vmem>>
    %dma_wait3A_112 = arith.constant 0 : i32
    %dma_wait3A_113 = arith.constant 0 : i32
    %dma_wait3A_114 = tpu.memref_slice %arg2[%dma_wait3A_112, %dma_wait3A_113] : memref<100000x128xf32, #tpu.memory_space<hbm>> -> memref<100000x128xf32, #tpu.memory_space<hbm>>
    tpu.wait_indirect_dma semaphore(%arg17 : memref<!tpu.dma_semaphore, #tpu.memory_space<semaphore_mem>>) src(%dma_wait3A_114 : memref<100000x128xf32, #tpu.memory_space<hbm>>) dst(%arg12 : memref<128x128xf32, #tpu.memory_space<vmem>>)
    %rem3A_115 = arith.constant 6272 : i32
    %rem3A_116 = arith.constant 200 : i32
    %rem3A_117 = arith.remsi %rem3A_115, %rem3A_116 : i32
    %parallel_loop3A_118 = arith.constant 0 : i32
    %parallel_loop3A_119 = arith.constant 128 : i32
    %parallel_loop3A_120 = arith.constant 1 : i32
    scf.for %parallel_loop3A_157 = %parallel_loop3A_118 to %parallel_loop3A_119 step %parallel_loop3A_120  : i32 {
      %parallel_loop3A_158 = arith.addi %rem3A_117, %parallel_loop3A_157 : i32
      %parallel_loop3A_159 = arith.index_cast %parallel_loop3A_158 : i32 to index
      %parallel_loop3A_160 = arith.constant 0 : index
      %parallel_loop3A_161 = tpu.vector_load %arg7[%parallel_loop3A_159, %parallel_loop3A_160] {strides = array<i32>} : memref<320x128xf32, #tpu.memory_space<vmem>>, vector<1x16xf32>,
      %parallel_loop3A_162 = vector.shape_cast %parallel_loop3A_161 : vector<1x16xf32> to vector<16xf32>
      %parallel_loop3A_163 = arith.index_cast %parallel_loop3A_157 : i32 to index
      %parallel_loop3A_164 = arith.constant 0 : index
      %parallel_loop3A_165 = tpu.vector_load %arg12[%parallel_loop3A_163, %parallel_loop3A_164] {strides = array<i32>} : memref<128x128xf32, #tpu.memory_space<vmem>>, vector<1x16xf32>,
      %parallel_loop3A_166 = vector.shape_cast %parallel_loop3A_165 : vector<1x16xf32> to vector<16xf32>
      %parallel_loop3A_167 = vector.shape_cast %parallel_loop3A_162 : vector<16xf32> to vector<1x16xf32>
      tpu.vector_store %arg12[%parallel_loop3A_163, %parallel_loop3A_164], %parallel_loop3A_167 {add = true, strides = array<i32>} : memref<128x128xf32, #tpu.memory_space<vmem>>, vector<1x16xf32>,
      %parallel_loop3A_168 = arith.index_cast %parallel_loop3A_158 : i32 to index
      %parallel_loop3A_169 = arith.constant 16 : index
      %parallel_loop3A_170 = tpu.vector_load %arg7[%parallel_loop3A_168, %parallel_loop3A_169] {strides = array<i32>} : memref<320x128xf32, #tpu.memory_space<vmem>>, vector<1x16xf32>,
      %parallel_loop3A_171 = vector.shape_cast %parallel_loop3A_170 : vector<1x16xf32> to vector<16xf32>
      %parallel_loop3A_172 = arith.index_cast %parallel_loop3A_157 : i32 to index
      %parallel_loop3A_173 = arith.constant 16 : index
      %parallel_loop3A_174 = tpu.vector_load %arg12[%parallel_loop3A_172, %parallel_loop3A_173] {strides = array<i32>} : memref<128x128xf32, #tpu.memory_space<vmem>>, vector<1x16xf32>,
      %parallel_loop3A_175 = vector.shape_cast %parallel_loop3A_174 : vector<1x16xf32> to vector<16xf32>
      %parallel_loop3A_176 = vector.shape_cast %parallel_loop3A_171 : vector<16xf32> to vector<1x16xf32>
      tpu.vector_store %arg12[%parallel_loop3A_172, %parallel_loop3A_173], %parallel_loop3A_176 {add = true, strides = array<i32>} : memref<128x128xf32, #tpu.memory_space<vmem>>, vector<1x16xf32>,
      %parallel_loop3A_177 = arith.index_cast %parallel_loop3A_158 : i32 to index
      %parallel_loop3A_178 = arith.constant 32 : index
      %parallel_loop3A_179 = tpu.vector_load %arg7[%parallel_loop3A_177, %parallel_loop3A_178] {strides = array<i32>} : memref<320x128xf32, #tpu.memory_space<vmem>>, vector<1x16xf32>,
      %parallel_loop3A_180 = vector.shape_cast %parallel_loop3A_179 : vector<1x16xf32> to vector<16xf32>
      %parallel_loop3A_181 = arith.index_cast %parallel_loop3A_157 : i32 to index
      %parallel_loop3A_182 = arith.constant 32 : index
      %parallel_loop3A_183 = tpu.vector_load %arg12[%parallel_loop3A_181, %parallel_loop3A_182] {strides = array<i32>} : memref<128x128xf32, #tpu.memory_space<vmem>>, vector<1x16xf32>,
      %parallel_loop3A_184 = vector.shape_cast %parallel_loop3A_183 : vector<1x16xf32> to vector<16xf32>
      %parallel_loop3A_185 = vector.shape_cast %parallel_loop3A_180 : vector<16xf32> to vector<1x16xf32>
      tpu.vector_store %arg12[%parallel_loop3A_181, %parallel_loop3A_182], %parallel_loop3A_185 {add = true, strides = array<i32>} : memref<128x128xf32, #tpu.memory_space<vmem>>, vector<1x16xf32>,
      %parallel_loop3A_186 = arith.index_cast %parallel_loop3A_158 : i32 to index
      %parallel_loop3A_187 = arith.constant 48 : index
      %parallel_loop3A_188 = tpu.vector_load %arg7[%parallel_loop3A_186, %parallel_loop3A_187] {strides = array<i32>} : memref<320x128xf32, #tpu.memory_space<vmem>>, vector<1x16xf32>,
      %parallel_loop3A_189 = vector.shape_cast %parallel_loop3A_188 : vector<1x16xf32> to vector<16xf32>
      %parallel_loop3A_190 = arith.index_cast %parallel_loop3A_157 : i32 to index
      %parallel_loop3A_191 = arith.constant 48 : index
      %parallel_loop3A_192 = tpu.vector_load %arg12[%parallel_loop3A_190, %parallel_loop3A_191] {strides = array<i32>} : memref<128x128xf32, #tpu.memory_space<vmem>>, vector<1x16xf32>,
      %parallel_loop3A_193 = vector.shape_cast %parallel_loop3A_192 : vector<1x16xf32> to vector<16xf32>
      %parallel_loop3A_194 = vector.shape_cast %parallel_loop3A_189 : vector<16xf32> to vector<1x16xf32>
      tpu.vector_store %arg12[%parallel_loop3A_190, %parallel_loop3A_191], %parallel_loop3A_194 {add = true, strides = array<i32>} : memref<128x128xf32, #tpu.memory_space<vmem>>, vector<1x16xf32>,
      %parallel_loop3A_195 = arith.index_cast %parallel_loop3A_158 : i32 to index
      %parallel_loop3A_196 = arith.constant 64 : index
      %parallel_loop3A_197 = tpu.vector_load %arg7[%parallel_loop3A_195, %parallel_loop3A_196] {strides = array<i32>} : memref<320x128xf32, #tpu.memory_space<vmem>>, vector<1x16xf32>,
      %parallel_loop3A_198 = vector.shape_cast %parallel_loop3A_197 : vector<1x16xf32> to vector<16xf32>
      %parallel_loop3A_199 = arith.index_cast %parallel_loop3A_157 : i32 to index
      %parallel_loop3A_200 = arith.constant 64 : index
      %parallel_loop3A_201 = tpu.vector_load %arg12[%parallel_loop3A_199, %parallel_loop3A_200] {strides = array<i32>} : memref<128x128xf32, #tpu.memory_space<vmem>>, vector<1x16xf32>,
      %parallel_loop3A_202 = vector.shape_cast %parallel_loop3A_201 : vector<1x16xf32> to vector<16xf32>
      %parallel_loop3A_203 = vector.shape_cast %parallel_loop3A_198 : vector<16xf32> to vector<1x16xf32>
      tpu.vector_store %arg12[%parallel_loop3A_199, %parallel_loop3A_200], %parallel_loop3A_203 {add = true, strides = array<i32>} : memref<128x128xf32, #tpu.memory_space<vmem>>, vector<1x16xf32>,
      %parallel_loop3A_204 = arith.index_cast %parallel_loop3A_158 : i32 to index
      %parallel_loop3A_205 = arith.constant 80 : index
      %parallel_loop3A_206 = tpu.vector_load %arg7[%parallel_loop3A_204, %parallel_loop3A_205] {strides = array<i32>} : memref<320x128xf32, #tpu.memory_space<vmem>>, vector<1x16xf32>,
      %parallel_loop3A_207 = vector.shape_cast %parallel_loop3A_206 : vector<1x16xf32> to vector<16xf32>
      %parallel_loop3A_208 = arith.index_cast %parallel_loop3A_157 : i32 to index
      %parallel_loop3A_209 = arith.constant 80 : index
      %parallel_loop3A_210 = tpu.vector_load %arg12[%parallel_loop3A_208, %parallel_loop3A_209] {strides = array<i32>} : memref<128x128xf32, #tpu.memory_space<vmem>>, vector<1x16xf32>,
      %parallel_loop3A_211 = vector.shape_cast %parallel_loop3A_210 : vector<1x16xf32> to vector<16xf32>
      %parallel_loop3A_212 = vector.shape_cast %parallel_loop3A_207 : vector<16xf32> to vector<1x16xf32>
      tpu.vector_store %arg12[%parallel_loop3A_208, %parallel_loop3A_209], %parallel_loop3A_212 {add = true, strides = array<i32>} : memref<128x128xf32, #tpu.memory_space<vmem>>, vector<1x16xf32>,
      %parallel_loop3A_213 = arith.index_cast %parallel_loop3A_158 : i32 to index
      %parallel_loop3A_214 = arith.constant 96 : index
      %parallel_loop3A_215 = tpu.vector_load %arg7[%parallel_loop3A_213, %parallel_loop3A_214] {strides = array<i32>} : memref<320x128xf32, #tpu.memory_space<vmem>>, vector<1x16xf32>,
      %parallel_loop3A_216 = vector.shape_cast %parallel_loop3A_215 : vector<1x16xf32> to vector<16xf32>
      %parallel_loop3A_217 = arith.index_cast %parallel_loop3A_157 : i32 to index
      %parallel_loop3A_218 = arith.constant 96 : index
      %parallel_loop3A_219 = tpu.vector_load %arg12[%parallel_loop3A_217, %parallel_loop3A_218] {strides = array<i32>} : memref<128x128xf32, #tpu.memory_space<vmem>>, vector<1x16xf32>,
      %parallel_loop3A_220 = vector.shape_cast %parallel_loop3A_219 : vector<1x16xf32> to vector<16xf32>
      %parallel_loop3A_221 = vector.shape_cast %parallel_loop3A_216 : vector<16xf32> to vector<1x16xf32>
      tpu.vector_store %arg12[%parallel_loop3A_217, %parallel_loop3A_218], %parallel_loop3A_221 {add = true, strides = array<i32>} : memref<128x128xf32, #tpu.memory_space<vmem>>, vector<1x16xf32>,
      %parallel_loop3A_222 = arith.index_cast %parallel_loop3A_158 : i32 to index
      %parallel_loop3A_223 = arith.constant 112 : index
      %parallel_loop3A_224 = tpu.vector_load %arg7[%parallel_loop3A_222, %parallel_loop3A_223] {strides = array<i32>} : memref<320x128xf32, #tpu.memory_space<vmem>>, vector<1x16xf32>,
      %parallel_loop3A_225 = vector.shape_cast %parallel_loop3A_224 : vector<1x16xf32> to vector<16xf32>
      %parallel_loop3A_226 = arith.index_cast %parallel_loop3A_157 : i32 to index
      %parallel_loop3A_227 = arith.constant 112 : index
      %parallel_loop3A_228 = tpu.vector_load %arg12[%parallel_loop3A_226, %parallel_loop3A_227] {strides = array<i32>} : memref<128x128xf32, #tpu.memory_space<vmem>>, vector<1x16xf32>,
      %parallel_loop3A_229 = vector.shape_cast %parallel_loop3A_228 : vector<1x16xf32> to vector<16xf32>
      %parallel_loop3A_230 = vector.shape_cast %parallel_loop3A_225 : vector<16xf32> to vector<1x16xf32>
      tpu.vector_store %arg12[%parallel_loop3A_226, %parallel_loop3A_227], %parallel_loop3A_230 {add = true, strides = array<i32>} : memref<128x128xf32, #tpu.memory_space<vmem>>, vector<1x16xf32>,
    } {sc.loop_unroll_factor = 4 : i64, sc.parallel_access}
    %add3A_121 = arith.constant 6272 : i32
    %add3A_122 = arith.addi %mul3A_2, %add3A_121 : i32
    %dma_start3A_123 = arith.constant 0 : i32
    %dma_start3A_124 = tpu.memref_slice %arg5[%add3A_122, %dma_start3A_123] : memref<204800x128xf32, #tpu.memory_space<hbm>> -> memref<128x128xf32, #tpu.memory_space<hbm>>
    %dma_start3A_125 = arith.constant 0 : i32
    %dma_start3A_126 = tpu.memref_slice %arg5[%add3A_122, %dma_start3A_125] : memref<204800x128xf32, #tpu.memory_space<hbm>> -> memref<128x128xf32, #tpu.memory_space<hbm>>
    tpu.enqueue_dma source(%arg12 : memref<128x128xf32, #tpu.memory_space<vmem>>) target(%dma_start3A_126 : memref<128x128xf32, #tpu.memory_space<hbm>>) target_semaphore(%arg22 : memref<!tpu.dma_semaphore, #tpu.memory_space<semaphore_mem>>)
    %add3A_127 = arith.constant 5760 : i32
    %add3A_128 = arith.addi %mul3A_2, %add3A_127 : i32
    %dma_wait3A_129 = arith.constant 0 : i32
    %dma_wait3A_130 = tpu.memref_slice %arg5[%add3A_128, %dma_wait3A_129] : memref<204800x128xf32, #tpu.memory_space<hbm>> -> memref<128x128xf32, #tpu.memory_space<hbm>>
    %dma_wait3A_131 = arith.constant 0 : i32
    %dma_wait3A_132 = tpu.memref_slice %arg5[%add3A_128, %dma_wait3A_131] : memref<204800x128xf32, #tpu.memory_space<hbm>> -> memref<128x128xf32, #tpu.memory_space<hbm>>
    tpu.wait_dma2 semaphore(%arg18 : memref<!tpu.dma_semaphore, #tpu.memory_space<semaphore_mem>>) src(%arg8 : memref<128x128xf32, #tpu.memory_space<vmem>>) dst(%dma_wait3A_132 : memref<128x128xf32, #tpu.memory_space<hbm>>)
    %add3A_133 = arith.constant 5888 : i32
    %add3A_134 = arith.addi %mul3A_2, %add3A_133 : i32
    %dma_wait3A_135 = arith.constant 0 : i32
    %dma_wait3A_136 = tpu.memref_slice %arg5[%add3A_134, %dma_wait3A_135] : memref<204800x128xf32, #tpu.memory_space<hbm>> -> memref<128x128xf32, #tpu.memory_space<hbm>>
    %dma_wait3A_137 = arith.constant 0 : i32
    %dma_wait3A_138 = tpu.memref_slice %arg5[%add3A_134, %dma_wait3A_137] : memref<204800x128xf32, #tpu.memory_space<hbm>> -> memref<128x128xf32, #tpu.memory_space<hbm>>
    tpu.wait_dma2 semaphore(%arg19 : memref<!tpu.dma_semaphore, #tpu.memory_space<semaphore_mem>>) src(%arg9 : memref<128x128xf32, #tpu.memory_space<vmem>>) dst(%dma_wait3A_138 : memref<128x128xf32, #tpu.memory_space<hbm>>)
    %add3A_139 = arith.constant 6016 : i32
    %add3A_140 = arith.addi %mul3A_2, %add3A_139 : i32
    %dma_wait3A_141 = arith.constant 0 : i32
    %dma_wait3A_142 = tpu.memref_slice %arg5[%add3A_140, %dma_wait3A_141] : memref<204800x128xf32, #tpu.memory_space<hbm>> -> memref<128x128xf32, #tpu.memory_space<hbm>>
    %dma_wait3A_143 = arith.constant 0 : i32
    %dma_wait3A_144 = tpu.memref_slice %arg5[%add3A_140, %dma_wait3A_143] : memref<204800x128xf32, #tpu.memory_space<hbm>> -> memref<128x128xf32, #tpu.memory_space<hbm>>
    tpu.wait_dma2 semaphore(%arg20 : memref<!tpu.dma_semaphore, #tpu.memory_space<semaphore_mem>>) src(%arg10 : memref<128x128xf32, #tpu.memory_space<vmem>>) dst(%dma_wait3A_144 : memref<128x128xf32, #tpu.memory_space<hbm>>)
    %add3A_145 = arith.constant 6144 : i32
    %add3A_146 = arith.addi %mul3A_2, %add3A_145 : i32
    %dma_wait3A_147 = arith.constant 0 : i32
    %dma_wait3A_148 = tpu.memref_slice %arg5[%add3A_146, %dma_wait3A_147] : memref<204800x128xf32, #tpu.memory_space<hbm>> -> memref<128x128xf32, #tpu.memory_space<hbm>>
    %dma_wait3A_149 = arith.constant 0 : i32
    %dma_wait3A_150 = tpu.memref_slice %arg5[%add3A_146, %dma_wait3A_149] : memref<204800x128xf32, #tpu.memory_space<hbm>> -> memref<128x128xf32, #tpu.memory_space<hbm>>
    tpu.wait_dma2 semaphore(%arg21 : memref<!tpu.dma_semaphore, #tpu.memory_space<semaphore_mem>>) src(%arg11 : memref<128x128xf32, #tpu.memory_space<vmem>>) dst(%dma_wait3A_150 : memref<128x128xf32, #tpu.memory_space<hbm>>)
    %add3A_151 = arith.constant 6272 : i32
    %add3A_152 = arith.addi %mul3A_2, %add3A_151 : i32
    %dma_wait3A_153 = arith.constant 0 : i32
    %dma_wait3A_154 = tpu.memref_slice %arg5[%add3A_152, %dma_wait3A_153] : memref<204800x128xf32, #tpu.memory_space<hbm>> -> memref<128x128xf32, #tpu.memory_space<hbm>>
    %dma_wait3A_155 = arith.constant 0 : i32
    %dma_wait3A_156 = tpu.memref_slice %arg5[%add3A_152, %dma_wait3A_155] : memref<204800x128xf32, #tpu.memory_space<hbm>> -> memref<128x128xf32, #tpu.memory_space<hbm>>
    tpu.wait_dma2 semaphore(%arg22 : memref<!tpu.dma_semaphore, #tpu.memory_space<semaphore_mem>>) src(%arg12 : memref<128x128xf32, #tpu.memory_space<vmem>>) dst(%dma_wait3A_156 : memref<128x128xf32, #tpu.memory_space<hbm>>)
    return
  }
}

module attributes {stable_mosaic.version = 14 : i64} {
  func.func @_transform_body(%arg0: i32, %arg1: memref<2000x128xf32, #tpu.memory_space<vmem>>, %arg2: memref<200x128xf32, #tpu.memory_space<vmem>>, %arg3: memref<128x128xf32, #tpu.memory_space<vmem>>, %arg4: memref<1x128xf32, #tpu.memory_space<vmem>>, %arg5: memref<1x128xf32, #tpu.memory_space<vmem>>, %arg6: memref<1x128xf32, #tpu.memory_space<vmem>>, %arg7: memref<1x128xf32, #tpu.memory_space<vmem>>, %arg8: memref<1x128xf32, #tpu.memory_space<vmem>>, %arg9: memref<2000x128xf32, #tpu.memory_space<vmem>>, %arg10: memref<200x128xf32, #tpu.memory_space<vmem>>) attributes {dimension_semantics = [#tpu.dimension_semantics<arbitrary>], iteration_bounds = array<i64: 50>, scalar_prefetch = 0 : i64, scratch_operands = 0 : i64, tpu.core_type = #tpu.core_type<tc>, window_params = [{transform_indices = @transform_0, window_bounds = array<i64: 2000, 128>}, {transform_indices = @transform_1, window_bounds = array<i64: 200, 128>}, {pipeline_mode = #tpu.pipeline_mode<synchronous>, transform_indices = @transform_2, window_bounds = array<i64: 128, 128>}, {pipeline_mode = #tpu.pipeline_mode<synchronous>, transform_indices = @transform_3, window_bounds = array<i64: 1, 128>}, {pipeline_mode = #tpu.pipeline_mode<synchronous>, transform_indices = @transform_4, window_bounds = array<i64: 1, 128>}, {pipeline_mode = #tpu.pipeline_mode<synchronous>, transform_indices = @transform_5, window_bounds = array<i64: 1, 128>}, {pipeline_mode = #tpu.pipeline_mode<synchronous>, transform_indices = @transform_6, window_bounds = array<i64: 1, 128>}, {pipeline_mode = #tpu.pipeline_mode<synchronous>, transform_indices = @transform_7, window_bounds = array<i64: 1, 128>}, {transform_indices = @transform_8, window_bounds = array<i64: 2000, 128>}, {pipeline_mode = #tpu.pipeline_mode<synchronous>, transform_indices = @transform_9, window_bounds = array<i64: 200, 128>}]} {
    %get3A = arith.constant 0 : index
    %get3A_0 = arith.constant 0 : index
    %get3A_1 = vector.load %arg4[%get3A, %get3A_0] : memref<1x128xf32, #tpu.memory_space<vmem>>, vector<1x128xf32>
    %get3A_2 = arith.constant 0 : index
    %get3A_3 = arith.constant 0 : index
    %get3A_4 = vector.load %arg5[%get3A_2, %get3A_3] : memref<1x128xf32, #tpu.memory_space<vmem>>, vector<1x128xf32>
    %add3A = arith.constant 1.000000e-03 : f32
    %add3A_5 = vector.broadcast %add3A : f32 to vector<1x128xf32>
    %add3A_6 = arith.addf %get3A_4, %add3A_5 : vector<1x128xf32>
    %rsqrt3A = math.rsqrt %add3A_6 : vector<1x128xf32>
    %mul3A = arith.mulf %get3A_1, %rsqrt3A : vector<1x128xf32>
    %get3A_7 = arith.constant 0 : index
    %get3A_8 = arith.constant 0 : index
    %get3A_9 = vector.load %arg3[%get3A_7, %get3A_8] : memref<128x128xf32, #tpu.memory_space<vmem>>, vector<128x128xf32>
    %mul3A_10 = vector.broadcast %mul3A : vector<1x128xf32> to vector<128x128xf32>
    %mul3A_11 = arith.mulf %get3A_9, %mul3A_10 : vector<128x128xf32>
    %get3A_12 = arith.constant 0 : index
    %get3A_13 = arith.constant 0 : index
    %get3A_14 = vector.load %arg1[%get3A_12, %get3A_13] : memref<2000x128xf32, #tpu.memory_space<vmem>>, vector<2000x128xf32>
    %dot_general3A = arith.constant dense<0.000000e+00> : vector<2000x128xf32>
    %dot_general3A_15 = tpu.matmul %get3A_14, %mul3A_11, %dot_general3A {dimension_numbers = #tpu.dot_dimension_numbers<[1], [0], [0], [1], [0, 0, 1, 1], [], []>, transpose_lhs_hint = false} : vector<2000x128xf32>, vector<128x128xf32>, vector<2000x128xf32> -> vector<2000x128xf32>
    %swap3A = arith.constant 0 : index
    %swap3A_16 = arith.constant 0 : index
    %swap3A_17 = vector.load %arg9[%swap3A, %swap3A_16] : memref<2000x128xf32, #tpu.memory_space<vmem>>, vector<2000x128xf32>
    tpu.vector_store %arg9[%swap3A, %swap3A_16], %dot_general3A_15 {strides = array<i32>} : memref<2000x128xf32, #tpu.memory_space<vmem>>, vector<2000x128xf32>,
    %get3A_18 = arith.constant 0 : index
    %get3A_19 = arith.constant 0 : index
    %get3A_20 = vector.load %arg6[%get3A_18, %get3A_19] : memref<1x128xf32, #tpu.memory_space<vmem>>, vector<1x128xf32>
    %get3A_21 = arith.constant 0 : index
    %get3A_22 = arith.constant 0 : index
    %get3A_23 = vector.load %arg7[%get3A_21, %get3A_22] : memref<1x128xf32, #tpu.memory_space<vmem>>, vector<1x128xf32>
    %sub3A = arith.subf %get3A_20, %get3A_23 : vector<1x128xf32>
    %mul3A_24 = arith.mulf %mul3A, %sub3A : vector<1x128xf32>
    %get3A_25 = arith.constant 0 : index
    %get3A_26 = arith.constant 0 : index
    %get3A_27 = vector.load %arg8[%get3A_25, %get3A_26] : memref<1x128xf32, #tpu.memory_space<vmem>>, vector<1x128xf32>
    %add3A_28 = arith.addf %mul3A_24, %get3A_27 : vector<1x128xf32>
    %get3A_29 = arith.constant 0 : index
    %get3A_30 = arith.constant 0 : index
    %get3A_31 = vector.load %arg2[%get3A_29, %get3A_30] : memref<200x128xf32, #tpu.memory_space<vmem>>, vector<200x128xf32>
    %dot_general3A_32 = arith.constant dense<0.000000e+00> : vector<200x128xf32>
    %dot_general3A_33 = tpu.matmul %get3A_31, %mul3A_11, %dot_general3A_32 {dimension_numbers = #tpu.dot_dimension_numbers<[1], [0], [0], [1], [0, 0, 1, 1], [], []>, transpose_lhs_hint = false} : vector<200x128xf32>, vector<128x128xf32>, vector<200x128xf32> -> vector<200x128xf32>
    %add3A_34 = vector.broadcast %add3A_28 : vector<1x128xf32> to vector<200x128xf32>
    %add3A_35 = arith.addf %dot_general3A_33, %add3A_34 : vector<200x128xf32>
    %swap3A_36 = arith.constant 0 : index
    %swap3A_37 = arith.constant 0 : index
    %swap3A_38 = vector.load %arg10[%swap3A_36, %swap3A_37] : memref<200x128xf32, #tpu.memory_space<vmem>>, vector<200x128xf32>
    tpu.vector_store %arg10[%swap3A_36, %swap3A_37], %add3A_35 {strides = array<i32>} : memref<200x128xf32, #tpu.memory_space<vmem>>, vector<200x128xf32>,
    return
  }
  func.func @transform_0(%arg0: i32) -> (i32, i32) {
    %c0_i32 = arith.constant 0 : i32
    %c0_i32_0 = arith.constant 0 : i32
    return %arg0, %c0_i32 : i32, i32
  }
  func.func @transform_1(%arg0: i32) -> (i32, i32) {
    %c0_i32 = arith.constant 0 : i32
    %c0_i32_0 = arith.constant 0 : i32
    %c0_i32_1 = arith.constant 0 : i32
    return %c0_i32, %c0_i32_0 : i32, i32
  }
  func.func @transform_2(%arg0: i32) -> (i32, i32) {
    %c0_i32 = arith.constant 0 : i32
    %c0_i32_0 = arith.constant 0 : i32
    %c0_i32_1 = arith.constant 0 : i32
    return %c0_i32, %c0_i32_0 : i32, i32
  }
  func.func @transform_3(%arg0: i32) -> (i32, i32) {
    %c0_i32 = arith.constant 0 : i32
    %c0_i32_0 = arith.constant 0 : i32
    %c0_i32_1 = arith.constant 0 : i32
    return %c0_i32, %c0_i32_0 : i32, i32
  }
  func.func @transform_4(%arg0: i32) -> (i32, i32) {
    %c0_i32 = arith.constant 0 : i32
    %c0_i32_0 = arith.constant 0 : i32
    %c0_i32_1 = arith.constant 0 : i32
    return %c0_i32, %c0_i32_0 : i32, i32
  }
  func.func @transform_5(%arg0: i32) -> (i32, i32) {
    %c0_i32 = arith.constant 0 : i32
    %c0_i32_0 = arith.constant 0 : i32
    %c0_i32_1 = arith.constant 0 : i32
    return %c0_i32, %c0_i32_0 : i32, i32
  }
  func.func @transform_6(%arg0: i32) -> (i32, i32) {
    %c0_i32 = arith.constant 0 : i32
    %c0_i32_0 = arith.constant 0 : i32
    %c0_i32_1 = arith.constant 0 : i32
    return %c0_i32, %c0_i32_0 : i32, i32
  }
  func.func @transform_7(%arg0: i32) -> (i32, i32) {
    %c0_i32 = arith.constant 0 : i32
    %c0_i32_0 = arith.constant 0 : i32
    %c0_i32_1 = arith.constant 0 : i32
    return %c0_i32, %c0_i32_0 : i32, i32
  }
  func.func @transform_8(%arg0: i32) -> (i32, i32) {
    %c0_i32 = arith.constant 0 : i32
    %c0_i32_0 = arith.constant 0 : i32
    return %arg0, %c0_i32 : i32, i32
  }
  func.func @transform_9(%arg0: i32) -> (i32, i32) {
    %c0_i32 = arith.constant 0 : i32
    %c0_i32_0 = arith.constant 0 : i32
    %c0_i32_1 = arith.constant 0 : i32
    return %c0_i32, %c0_i32_0 : i32, i32
  }
}

</mosaic_0001>

<sc_bundles>
// kernel: kernel.4.cloned.1.call-start
scs
__scs_entry_jumppad:
0x0: {  	(pc) =	sbr.rel $0x88, $3  }
0x1: {  	(tag) =	ssettag $0x0;
	lr =	simm.s32 $0x1  }
0x2: {  	[smem:$0x3F98] =	sst lr;
	_ =	strace $0xD0000000  }
0x3: {  	_ = 	snop  }
0x4: {  	_ = 	snop  }
0x5: {  	_ = 	snop  }
0x6: {  	_ = 	snop  }
0x7: {  	_ = 	snop  }
__scs_overlays_trampoline_lowered:
0x8: {  	[smem:$0x3FA7] =	sst s0  }
0x9: {  	[smem:$0x3FA8] =	sst s1  }
0xa: {  	[smem:$0x3FA9] =	sst s2  }
0xb: {  	[smem:$0x3FAA] =	sst s3  }
0xc: {  	[smem:$0x3FAB] =	sst s4  }
0xd: {  	[smem:$0x3FAC] =	sst s5  }
0xe: {  	[smem:$0x3FAD] =	sst s6  }
0xf: {  	[smem:$0x3FAE] =	sst s7  }
0x10: {  	[smem:$0x3FAF] =	sst s8  }
0x11: {  	[smem:$0x3FB0] =	sst s9;
	s0 =	simm.s32 @!p0 $0x0  }
0x12: {  	s1 =	sld [smem:$0x3F96];
	s0 =	simm.s32 @p0 $0x1  }
0x13: {  	[smem:$0x3FB1] =	sst s0;
	s0 =	simm.s32 @!p1 $0x0  }
0x14: {  	s2 =	sld [smem:$0x3F95];
	s0 =	simm.s32 @p1 $0x1  }
0x15: {  	[smem:$0x3FB2] =	sst s0;
	s0 =	simm.s32 @!p2 $0x0  }
0x16: {  	s3 =	sld [smem:$0x3FDB];
	s0 =	simm.s32 @p2 $0x1  }
0x17: {  	s4 =	simm.s32 $0x1BF5;
	[smem:$0x3FB4] =	sst s0  }
0x18: {  	s0 =	sld [smem:$0x3F97];
	_ =	swait.ge [sflag:s4], $0x0  }
0x19: {  	s7 =	sld [smem:$0x3F98]  }
0x1a: {  	s8 =	sadd.s32 $0xFFFFE003, lr  }
0x1b: {  	s9 =	sadd.s32 $0xFFFFFEF7, lr;
	s5 =	simm.s32 $0xFFFFFFFF;
	p2 =	slt.u32 s8, $0xFFFFF086  }
0x1c: {  	p1 =	slt.u32 s9, $0xF7A;
	s5 =	simm.s32 @!p2 $0x0  }
0x1d: {  	s5 =	simm.s32 @p1 $0x1;
	p0 =	seq.s32 s7, s2  }
0x1e: {  	s7 =	smul.u32 @!p0 $0xF7A, s2;
	p2 =	seq.s32 @!p0 s5, $0x0  }
0x1f: {  	s9 =	smul.u32 $0xF7A, s1;
	s8 =	simm.s32 @!p0 $0x1BF5;
	p2 =	por !p2, p0  }
0x20: {  	[sflag:s8] =	ssyncset.s32 @!p0 $0xFFFFF086;
	s6 =	sadd.s32 @!p0 s3, s7;
	s7 =	simm.s32 @!p0 $0x108  }
0x21: {  	s3 =	sadd.s32 s3, s9;
	s6 =	sadd.s32 @!p0 $0x88, s6;
	s7 =	simm.s32 @p2 $0x1082  }
0x22: {  	[simem:s7], [sflag:s8] =	dma.local @!p0 [hbm:s6], $0xF7A  }
0x23: {  	s9 =	sor.u32 $0xD0000000, s2;
	s6 =	simm.s32 $0x108;
	_ =	swait.ge @!p0 [sflag:s8], $0x0  }
0x24: {  	s3 =	sadd.s32 $0x88, s3;
	s6 =	simm.s32 @!p1 $0x1082;
	[sflag:s4] =	ssyncset.s32 $0xFFFFF086  }
0x25: {  	[simem:s6], [sflag:s4] =	dma.local [hbm:s3], $0xF7A  }
0x26: {  	[smem:$0x3F98] =	sst s1;
	(tag) =	ssettag s2;
	_ =	strace s9  }
0x27: {  	s1 =	sld [smem:$0x3FA8]  }
0x28: {  	s2 =	sld [smem:$0x3FA9]  }
0x29: {  	s4 =	sld [smem:$0x3FAB]  }
0x2a: {  	p0 =	seq.s32 s5, $0x0;
	s5 =	sld [smem:$0x3FAC]  }
0x2b: {  	s6 =	sld [smem:$0x3FAD]  }
0x2c: {  	s7 =	sld [smem:$0x3FAE]  }
0x2d: {  	s3 =	simm.s32 $0x108;
	s8 =	sld [smem:$0x3FAF]  }
0x2e: {  	s3 =	simm.s32 @!p0 $0x1082;
	s9 =	sld [smem:$0x3FB0]  }
0x2f: {  	lr =	sadd.s32 s0, s3;
	s0 =	sld [smem:$0x3FA7]  }
0x30: {  	s3 =	sld [smem:$0x3FAA]  }
0x31: {  	[smem:$0x3FB3] =	sst s10  }
0x32: {  	s10 =	sld [smem:$0x3FB1];
	_ =	sdelay $0x3  }
0x33: {  	p0 =	seq.s32 s10, $0x1;
	s10 =	sld [smem:$0x3FB3];
	_ =	sdelay $0x3  }
0x34: {  	[smem:$0x3FB3] =	sst s10  }
0x35: {  	s10 =	sld [smem:$0x3FB2];
	_ =	sdelay $0x3  }
0x36: {  	p1 =	seq.s32 s10, $0x1;
	s10 =	sld [smem:$0x3FB3];
	_ =	sdelay $0x3  }
0x37: {  	[smem:$0x3FB3] =	sst s10  }
0x38: {  	s10 =	sld [smem:$0x3FB4]  }
0x39: {  	_ = 	snop;
	(pc) =	sbr.ind lr, $3  }
0x3a: {  	_ = 	snop  }
0x3b: {  	_ = 	snop  }
0x3c: {  	p2 =	seq.s32 s10, $0x1;
	s10 =	sld [smem:$0x3FB3]  }
0x3d: {  	_ =	shalt  }
0x3e: {  	_ =	shalt  }
0x3f: {  	_ =	shalt  }
0x40: {  	_ =	shalt  }
0x41: {  	_ =	shalt  }
0x42: {  	_ =	shalt  }
0x43: {  	_ =	shalt  }
0x44: {  	_ =	shalt  }
0x45: {  	_ =	shalt  }
0x46: {  	_ =	shalt  }
0x47: {  	_ =	shalt  }
0x48: {  	_ =	shalt  }
0x49: {  	_ =	shalt  }
0x4a: {  	_ =	shalt  }
0x4b: {  	_ =	shalt  }
0x4c: {  	_ =	shalt  }
0x4d: {  	_ =	shalt  }
0x4e: {  	_ =	shalt  }
0x4f: {  	_ =	shalt  }
0x50: {  	_ =	shalt  }
0x51: {  	_ =	shalt  }
0x52: {  	_ =	shalt  }
0x53: {  	_ =	shalt  }
0x54: {  	_ =	shalt  }
0x55: {  	_ =	shalt  }
0x56: {  	_ =	shalt  }
0x57: {  	_ =	shalt  }
0x58: {  	_ =	shalt  }
0x59: {  	_ =	shalt  }
0x5a: {  	_ =	shalt  }
0x5b: {  	_ =	shalt  }
0x5c: {  	_ =	shalt  }
0x5d: {  	_ =	shalt  }
0x5e: {  	_ =	shalt  }
0x5f: {  	_ =	shalt  }
0x60: {  	_ =	shalt  }
0x61: {  	_ =	shalt  }
0x62: {  	_ =	shalt  }
0x63: {  	_ =	shalt  }
0x64: {  	_ =	shalt  }
0x65: {  	_ =	shalt  }
0x66: {  	_ =	shalt  }
0x67: {  	_ =	shalt  }
0x68: {  	_ =	shalt  }
0x69: {  	_ =	shalt  }
0x6a: {  	_ =	shalt  }
0x6b: {  	_ =	shalt  }
0x6c: {  	_ =	shalt  }
0x6d: {  	_ =	shalt  }
0x6e: {  	_ =	shalt  }
0x6f: {  	_ =	shalt  }
0x70: {  	_ =	shalt  }
0x71: {  	_ =	shalt  }
0x72: {  	_ =	shalt  }
0x73: {  	_ =	shalt  }
0x74: {  	_ =	shalt  }
0x75: {  	_ =	shalt  }
0x76: {  	_ =	shalt  }
0x77: {  	_ =	shalt  }
0x78: {  	_ =	shalt  }
0x79: {  	_ =	shalt  }
0x7a: {  	_ =	shalt  }
0x7b: {  	_ =	shalt  }
0x7c: {  	_ =	shalt  }
0x7d: {  	_ =	shalt  }
0x7e: {  	_ =	shalt  }
0x7f: {  	_ =	shalt  }
0x80: {  	_ =	shalt  }
0x81: {  	_ =	shalt  }
0x82: {  	_ =	shalt  }
0x83: {  	_ =	shalt  }
0x84: {  	_ =	shalt  }
0x85: {  	_ =	shalt  }
0x86: {  	_ =	shalt  }
0x87: {  	_ =	shalt  }
.Lfunc_end0:
.L_simem_size_0:
called_computation_lowered:
.L_overlay_start_0:
0x88: {  	s2 =	sld [smem:$0x3FD9]  }
0x89: {  	s3 =	sld [smem:$0x3FFE];
	_ =	sdelay $0x1  }
0x8a: {  	s1 =	srdreg.scid  }
0x8b: {  	s0 =	sand.u32 $0x1, s1  }
0x8c: {  	s17 =	sshll.u32 s0, $0xA;
	s2 =	sadd.s32 s3, s2  }
0x8d: {  	s2 =	sadd.s32 s2, s17  }
0x8e: {  	[smem:$0x3FBF] =	sst s2  }
0x8f: {  	_ = 	snop  }
0x90: {  	s2 =	sld [smem:$0x3FD0];
	(tm) =	ssettm $0x1  }
0x91: {  	s18 =	sld [smem:$0x3FFB];
	_ =	sdelay $0x3  }
0x92: {  	_ =	strace s18  }
0x93: {  	s3 =	sld [smem:$0x3FFC];
	_ =	sdelay $0x3  }
0x94: {  	_ =	strace s3  }
0x95: {  	s3 =	sld [smem:$0x3FFD];
	_ =	sdelay $0x3  }
0x96: {  	_ =	strace s3  }
0x97: {  	_ =	strace $0x8FFFFFFF  }
0x98: {  	s19 =	sld [smem:$0x3FDB];
	_ =	sdelay $0x1  }
0x99: {  	s4 =	simm.s32 $_scs_section_size  }
0x9a: {  	s5 =	simm.s32 $_size__tile_overlayer_lowered;
	s6 =	simm.s32 $_tile_overlayer_lowered  }
0x9b: {  	s22 =	simm.s32 $0x1BFF;
	s21 =	sshll.u32 s6, $0x1;
	s3 =	sadd.s32 s4, s19  }
0x9c: {  	s7 =	simm.s32 $0x0;
	s20 =	sshll.u32 s5, $0x1;
	s5 =	sadd.s32 s21, s3  }
0x9d: {  	[timem:s7], [sflag:s22] =	dma.local [hbm:s5], s20  }
0x9e: {  	_ =	swait.ge [sflag:s22], s20  }
0x9f: {  	s4 =	ssub.s32 $0x0, s20;
	[sflag:s22] =	ssyncset.done $0x0  }
0xa0: {  	[sflag:s22] =	ssyncadd.s32 s4;
	_ =	sdelay $0x1  }
0xa1: {  	s23 =	simm.s32 $0x1B8B  }
0xa2: {  	_ =	swait.ge [sflag:s23], $0x1  }
0xa3: {  	[sflag:s23] =	ssyncset.done $0x0  }
0xa4: {  	s25 =	simm.s32 $0x1B8E;
	s24 =	sld [smem:$0x3FFE];
	[sflag:s23] =	ssyncadd.s32 $0xFFFFFFFF  }
0xa5: {  	s26 =	simm.s32 $execute0_lowered;
	[smem:$0x3FD2] =	sst s25  }
0xa6: {  	s5 =	sshll.u32 s26, $0x1;
	_ =	strace $0x80000046;
	[dreg:$0x1] =	wrdreg $0xFFFFFFFF  }
0xa7: {  	s28 =	simm.s32 $_size_execute0_lowered;
	s3 =	sadd.s32 s3, s5;
	[dreg:$0x0] =	wrdreg $0x0  }
0xa8: {  	s5 =	sshll.u32 s28, $0x1;
	[dreg:$0x2] =	wrdreg s3  }
0xa9: {  	[dreg:$0x3] =	wrdreg s5  }
0xaa: {  	[dreg:$0x4] =	wrdreg $0xC0  }
0xab: {  	_ =	task [dreg:s7], $0x5FFFF  }
0xac: {  	[dreg:$0x1] =	wrdreg $0xFFFFFFFF  }
0xad: {  	[dreg:$0x0] =	wrdreg $0x60  }
0xae: {  	[dreg:$0x2] =	wrdreg s24  }
0xaf: {  	[dreg:$0x3] =	wrdreg s2  }
0xb0: {  	[dreg:$0x4] =	wrdreg $0x9  }
0xb1: {  	_ =	task.clear_ibuf [dreg:s7], $0x5FFFF;
	_ =	strace $0x90000046  }
0xb2: {  	s29 =	simm.s32 $0x9;
	_ =	strace $0x80000048  }
0xb3: {  	_ =	swait.ge [sflag:s29], $0x1  }
0xb4: {  	[sflag:s29] =	ssyncadd.s32 $0xFFFFFFFF  }
0xb5: {  	_ =	strace $0x90000048  }
0xb6: {  	_ =	sfence  }
0xb7: {  	s30 =	sld [smem:$0x0];
	_ =	sdelay $0x2  }
0xb8: {  	s31 =	sshll.u32 s1, $0xD;
	s1 =	sshrl.u32 s1, $0x2  }
0xb9: {  	s3 =	sand.u32 $0x4000, s31;
	s1 =	sadd.s32 s1, s30  }
0xba: {  	s0 =	sor.u32 s3, s0;
	s1 =	sshll.u32 s1, $0x11  }
0xbb: {  	s0 =	sor.u32 s1, s0  }
0xbc: {  	s0 =	sadd.s32 $0x8F2B, s0  }
0xbd: {  	[sflag:s0] =	ssyncadd.remote.s32 $0x1  }
0xbe: {  	_ =	sfence.sel $0xFFFF  }
0xbf: {  	[dreg:$0x0] =	wrdreg $0xFFFFFFFF;
	(pc) =	sbr.abs _section_cstart, $3  }
0xc0: {  	[dreg:$0x1] =	wrdreg $0xFFFFFFFF  }
0xc1: {  	_ =	task.clear_ibuf [dreg:s7], $0x2FFFF;
	_ =	strace $0x9FFFFFFF  }
0xc2: {  	(tm) =	ssettm $0x7FFFFFFF  }
0xc3: {  	_ =	shalt  }
tec
execute0_lowered:
.L_overlay_start_1:
0x0: {  	(tag) =	ssettag $0x1  }
0x1: {  	s0 =	srdreg.scid;
	s2 =	stileid.u32  }
0x2: {  	s0 =	sand.u32 $0x1, s0;
	s3 =	sshll.u32 s2, $0x1  }
0x3: {  	s1 =	rddreg [dreg:$0x0];
	s14 =	simm.s32 $0x0;
	s3 =	sor.u32 s0, s3  }
0x4: {  	s2 =	rddreg [dreg:$0x1];
	s0 =	ssub.s32 $0x2, s0;
	s4 =	smul.u32 $0x1900, s3  }
0x5: {  	[smem:$0x7FF] =	sst s14;
	s3 =	smul.u32 $0xC8000, s3;
	s22 =	sshrl.u32 s0, $0x1  }
0x6: {  	s5 =	sadd.s32 $0x7800, s1;
	_ =	strace $0x80000047;
	s0 =	ssub.s32 s0, s22  }
0x7: {  	s6 =	sshrl.u32 s4, $0x3;
	s3 =	sshrl.u32 s3, $0x3;
	s0 =	smax.u32 s0, $0x1  }
0x8: {  	s6 =	sadd.s32 s6, s1;
	s1 =	sadd.s32 $0x18E200, s1;
	[dreg:$0xa] =	wrdreg s0  }
0x9: {  	s24 =	sadd.s32 s2, s3;
	[dreg:$0x3] =	wrdreg s1;
	s23 =	sadd.s32 $0x1400, s6  }
0xa: {  	s19 =	simm.s32 $0x80;
	s3 =	sadd.s32 $0x16800, s24;
	[dreg:$0x4] =	wrdreg s23  }
0xb: {  	s18 =	simm.s32 $0x17900;
	s25 =	sadd.s32 $0x17000, s24;
	[dreg:$0x5] =	wrdreg s3  }
0xc: {  	s28 =	simm.s32 $0x4;
	s26 =	sadd.s32 $0x17800, s24;
	[dreg:$0x6] =	wrdreg s25  }
0xd: {  	s29 =	simm.s32 $0x8;
	s31 =	sadd.s32 $0x18000, s24;
	[dreg:$0x7] =	wrdreg s26  }
0xe: {  	s30 =	simm.s32 $0x5;
	s1 =	sadd.s32 $0x18800, s24;
	[dreg:$0x8] =	wrdreg s31  }
0xf: {  	s22 =	simm.s32 $0x13900;
	s24 =	simm.s32 $0xF900;
	[dreg:$0x9] =	wrdreg s1  }
0x10: {  	s25 =	simm.s32 $0xB900;
	s26 =	simm.s32 $0x7;
	s1 =	simm.s32 $0x0  }
.LBB2_1:
0x11: {  	[dreg:$0xb] =	wrdreg s1  }
0x12: {  	s0 =	rddreg [dreg:$0x4];
	s21 =	simm.s32 $0xB  }
0x13: {  	[tilespmem:s14], [sflag:$0xB] =	stream.linear.gather [hbm4b:s0+s14], $0x1900, $0x38;
	[tilespmem:$0x1F900] =	vst v63  }
0x14: {  	_ =	swait.ge [sflag:s21], $0x1900  }
0x15: {  	[sflag:s21] =	ssyncset.done $0x0  }
0x16: {  	s15 =	simm.s32 $0x1900;
	s23 =	rddreg [dreg:$0x3];
	[sflag:s21] =	ssyncadd.s32 $0xFFFFE700  }
0x17: {  	[tilespmem:s15], [sflag:$0xB] =	stream.linear.gather [hbm4b:s23+s14], $0x6400, $0x38;
	[tilespmem:$0x1F900] =	vst v63  }
0x18: {  	_ =	swait.ge [sflag:s21], $0x6400  }
0x19: {  	[sflag:s21] =	ssyncset.done $0x0  }
0x1a: {  	s3 =	simm.s32 $0x7D00;
	[sflag:s21] =	ssyncadd.s32 $0xFFFF9C00  }
0x1b: {  	[tilespmem:s3], [sflag:$0xB] =	stream.linear.gather [hbm4b:s23+s14], $0x3C00, $0x38;
	[tilespmem:$0x1F900] =	vst v63  }
0x1c: {  	_ =	swait.ge [sflag:s21], $0x3C00  }
0x1d: {  	s7 =	simm.s32 $0x100;
	s8 =	simm.s32 $0x5900;
	[sflag:s21] =	ssyncset.done $0x0  }
0x1e: {  	s9 =	simm.s32 $0x9900;
	s10 =	simm.s32 $0xD900;
	[sflag:s21] =	ssyncadd.s32 $0xFFFFC400  }
0x1f: {  	[tilespmem:s25], [sflag:$0x1] =	stream.indirect.gather [hbm4b:s5+s19], $0x80, s14, s19, $0xb8;
	[tilespmem:$0x1F900] =	vst v63  }
0x20: {  	s11 =	simm.s32 $0x180;
	s12 =	simm.s32 $0x11900;
	s13 =	simm.s32 $0x200  }
0x21: {  	[tilespmem:s24], [sflag:$0x2] =	stream.indirect.gather [hbm4b:s5+s19], $0x80, s19, s19, $0xb8;
	[tilespmem:$0x1F900] =	vst v63  }
0x22: {  	s6 =	simm.s32 $0x80;
	s31 =	simm.s32 $0x0;
	s0 =	simm.s32 $0x0  }
0x23: {  	[tilespmem:s22], [sflag:$0x3] =	stream.indirect.gather [hbm4b:s5+s19], $0x80, s7, s19, $0xb8;
	[tilespmem:$0x1F900] =	vst v63  }
.LBB2_2:
0x24: {  	s1 =	smulhi.u32 $0x51EB851F, s31;
	_ =	sdelay $0x1  }
0x25: {  	s1 =	sshrl.u32 s1, $0x6  }
0x26: {  	s3 =	smul.u32 $0xFFFE7000, s1  }
0x27: {  	p0 =	seq.s32 s0, $0x0;
	s1 =	smul.u32 $0x5, s0  }
0x28: {  	s16 =	simm.s32 @!p0 $0x9  }
0x29: {  	_ =	swait.ge @!p0 [sflag:s16], $0x4000;
	s3 =	sshra.s32 s3, $0x2;
	s14 =	sadd.s32 $0x3, s1  }
0x2a: {  	[sflag:s16] =	ssyncset.done @!p0 $0x0;
	s3 =	sadd.s32 s3, s15;
	s14 =	sshll.u32 s14, $0x7  }
0x2b: {  	s21 =	simm.s32 $0x1;
	[sflag:s16] =	ssyncadd.s32 @!p0 $0xFFFFC000;
	s20 =	sand.u32 $0x3FFFFF80, s14;
	v0 =	vmov s3  }
0x2c: {  	[tilespmem:s18], [sflag:$0x4] =	stream.indirect.gather [hbm4b:s5+s19], $0x80, s20, s19, $0xb8;
	[tilespmem:$0x1F900] =	vst v63  }
0x2d: {  	_ =	swait.ge [sflag:s21], $0x4000  }
0x2e: {  	[sflag:s21] =	ssyncset.done $0x0  }
0x2f: {  	s20 =	simm.s32 $0x0;
	[sflag:s21] =	ssyncadd.s32 $0xFFFFC000  }
0x30: {  	v1 =	vld.idx.msk [tilespmem:v0+s20+$0x180 ss:$0x1], $0xffff  }
0x31: {  	v2 =	vld.idx.msk [tilespmem:v0+s20+$0x0 ss:$0x1], $0xffff  }
0x32: {  	v3 =	vld.idx.msk [tilespmem:v0+s20+$0x80 ss:$0x1], $0xffff;
	_ =	sdelay $0x1  }
0x33: {  	v4 =	vld.idx.msk [tilespmem:v0+s20+$0x100 ss:$0x1], $0xffff  }
0x34: {  	[tilespmem:s20+$0xBA80] =	vst.add.f32.msk $0xffff, v1  }
0x35: {  	[tilespmem:s20+$0xB900] =	vst.add.f32.msk $0xffff, v2  }
0x36: {  	[tilespmem:s20+$0xB980] =	vst.add.f32.msk $0xffff, v3  }
0x37: {  	v1 =	vld.idx.msk [tilespmem:v0+s20+$0x190 ss:$0x1], $0xffff  }
0x38: {  	v2 =	vld.idx.msk [tilespmem:v0+s20+$0x10 ss:$0x1], $0xffff  }
0x39: {  	v3 =	vld.idx.msk [tilespmem:v0+s20+$0x90 ss:$0x1], $0xffff  }
0x3a: {  	[tilespmem:s20+$0xBA00] =	vst.add.f32.msk $0xffff, v4  }
0x3b: {  	v4 =	vld.idx.msk [tilespmem:v0+s20+$0x110 ss:$0x1], $0xffff  }
0x3c: {  	[tilespmem:s20+$0xBA90] =	vst.add.f32.msk $0xffff, v1  }
0x3d: {  	[tilespmem:s20+$0xB910] =	vst.add.f32.msk $0xffff, v2  }
0x3e: {  	[tilespmem:s20+$0xB990] =	vst.add.f32.msk $0xffff, v3  }
0x3f: {  	v1 =	vld.idx.msk [tilespmem:v0+s20+$0x1A0 ss:$0x1], $0xffff  }
0x40: {  	v2 =	vld.idx.msk [tilespmem:v0+s20+$0x20 ss:$0x1], $0xffff  }
0x41: {  	v3 =	vld.idx.msk [tilespmem:v0+s20+$0xA0 ss:$0x1], $0xffff  }
0x42: {  	[tilespmem:s20+$0xBA10] =	vst.add.f32.msk $0xffff, v4  }
0x43: {  	v4 =	vld.idx.msk [tilespmem:v0+s20+$0x120 ss:$0x1], $0xffff  }
0x44: {  	[tilespmem:s20+$0xBAA0] =	vst.add.f32.msk $0xffff, v1  }
0x45: {  	[tilespmem:s20+$0xB920] =	vst.add.f32.msk $0xffff, v2  }
0x46: {  	[tilespmem:s20+$0xB9A0] =	vst.add.f32.msk $0xffff, v3  }
0x47: {  	v1 =	vld.idx.msk [tilespmem:v0+s20+$0x1B0 ss:$0x1], $0xffff  }
0x48: {  	v2 =	vld.idx.msk [tilespmem:v0+s20+$0x30 ss:$0x1], $0xffff  }
0x49: {  	v3 =	vld.idx.msk [tilespmem:v0+s20+$0xB0 ss:$0x1], $0xffff  }
0x4a: {  	[tilespmem:s20+$0xBA20] =	vst.add.f32.msk $0xffff, v4  }
0x4b: {  	v4 =	vld.idx.msk [tilespmem:v0+s20+$0x130 ss:$0x1], $0xffff  }
0x4c: {  	[tilespmem:s20+$0xBAB0] =	vst.add.f32.msk $0xffff, v1  }
0x4d: {  	[tilespmem:s20+$0xB930] =	vst.add.f32.msk $0xffff, v2  }
0x4e: {  	[tilespmem:s20+$0xB9B0] =	vst.add.f32.msk $0xffff, v3  }
0x4f: {  	v1 =	vld.idx.msk [tilespmem:v0+s20+$0x1C0 ss:$0x1], $0xffff  }
0x50: {  	v2 =	vld.idx.msk [tilespmem:v0+s20+$0x40 ss:$0x1], $0xffff  }
0x51: {  	v3 =	vld.idx.msk [tilespmem:v0+s20+$0xC0 ss:$0x1], $0xffff  }
0x52: {  	[tilespmem:s20+$0xBA30] =	vst.add.f32.msk $0xffff, v4  }
0x53: {  	v4 =	vld.idx.msk [tilespmem:v0+s20+$0x140 ss:$0x1], $0xffff  }
0x54: {  	[tilespmem:s20+$0xBAC0] =	vst.add.f32.msk $0xffff, v1  }
0x55: {  	[tilespmem:s20+$0xB940] =	vst.add.f32.msk $0xffff, v2  }
0x56: {  	[tilespmem:s20+$0xB9C0] =	vst.add.f32.msk $0xffff, v3  }
0x57: {  	v1 =	vld.idx.msk [tilespmem:v0+s20+$0x1D0 ss:$0x1], $0xffff  }
0x58: {  	v2 =	vld.idx.msk [tilespmem:v0+s20+$0x50 ss:$0x1], $0xffff  }
0x59: {  	[tilespmem:s20+$0xBA40] =	vst.add.f32.msk $0xffff, v4  }
0x5a: {  	v3 =	vld.idx.msk [tilespmem:v0+s20+$0xD0 ss:$0x1], $0xffff  }
0x5b: {  	v4 =	vld.idx.msk [tilespmem:v0+s20+$0x150 ss:$0x1], $0xffff  }
0x5c: {  	[tilespmem:s20+$0xBAD0] =	vst.add.f32.msk $0xffff, v1  }
0x5d: {  	[tilespmem:s20+$0xB950] =	vst.add.f32.msk $0xffff, v2  }
0x5e: {  	v1 =	vld.idx.msk [tilespmem:v0+s20+$0x1E0 ss:$0x1], $0xffff  }
0x5f: {  	[tilespmem:s20+$0xB9D0] =	vst.add.f32.msk $0xffff, v3  }
0x60: {  	s22 =	smulhi.u32 $0x51EB851F, s13;
	[tilespmem:s20+$0xBA50] =	vst.add.f32.msk $0xffff, v4  }
0x61: {  	s17 =	smulhi.u32 $0x51EB851F, s7;
	v2 =	vld.idx.msk [tilespmem:v0+s20+$0x60 ss:$0x1], $0xffff  }
0x62: {  	s23 =	smulhi.u32 $0x51EB851F, s11;
	v5 =	vld.idx.msk [tilespmem:v0+s20+$0xE0 ss:$0x1], $0xffff  }
0x63: {  	s24 =	smulhi.u32 $0x51EB851F, s6;
	s17 =	sshrl.u32 s17, $0x6;
	[tilespmem:s20+$0xBAE0] =	vst.add.f32.msk $0xffff, v1  }
0x64: {  	s17 =	smul.u32 $0xFFFE7000, s17;
	s3 =	sshrl.u32 s22, $0x6;
	v1 =	vld.idx.msk [tilespmem:v0+s20+$0x1F0 ss:$0x1], $0xffff  }
0x65: {  	s22 =	sshrl.u32 s24, $0x6;
	s3 =	smul.u32 $0xFFFE7000, s3;
	v3 =	vld.idx.msk [tilespmem:v0+s20+$0x160 ss:$0x1], $0xffff  }
0x66: {  	s25 =	simm.s32 $0x0;
	s16 =	sshrl.u32 s23, $0x6;
	s18 =	smul.u32 $0xFFFE7000, s22;
	[tilespmem:s20+$0xB960] =	vst.add.f32.msk $0xffff, v2  }
0x67: {  	s24 =	sshra.s32 s17, $0x2;
	s3 =	sshra.s32 s3, $0x2;
	s21 =	smul.u32 $0xFFFE7000, s16;
	[tilespmem:s20+$0xB9E0] =	vst.add.f32.msk $0xffff, v5  }
0x68: {  	s22 =	sadd.s32 s24, s9;
	s18 =	sshra.s32 s18, $0x2;
	s16 =	sadd.s32 s3, s12;
	v2 =	vld.idx.msk [tilespmem:v0+s20+$0x70 ss:$0x1], $0xffff  }
0x69: {  	s3 =	sadd.s32 s18, s8;
	s18 =	smul.u32 $0x280, s0;
	s23 =	sshra.s32 s21, $0x2;
	[tilespmem:s20+$0xBAF0] =	vst.add.f32.msk $0xffff, v1  }
0x6a: {  	s21 =	simm.s32 $0x0;
	s17 =	sadd.s32 s23, s10;
	s23 =	simm.s32 $0x800;
	v1 =	vld.idx.msk [tilespmem:v0+s20+$0xF0 ss:$0x1], $0xffff  }
.LBB2_3:
0x6b: {  	s24 =	sshra.s32 s23, $0x2;
	s21 =	sadd.s32 $0x4, s21;
	[tilespmem:s20+$0xBA60] =	vst.add.f32.msk $0xffff, v3  }
0x6c: {  	v3 =	vld.idx.msk [tilespmem:v0+s24+$0x180 ss:$0x1], $0xffff;
	p1 =	slt.u32 s21, $0x7C  }
0x6d: {  	v4 =	vld.idx.msk [tilespmem:v0+s24+$0x0 ss:$0x1], $0xffff  }
0x6e: {  	v5 =	vld.idx.msk [tilespmem:v0+s24+$0x80 ss:$0x1], $0xffff  }
0x6f: {  	v6 =	vld.idx.msk [tilespmem:v0+s24+$0x100 ss:$0x1], $0xffff  }
0x70: {  	v7 =	vld.idx.msk [tilespmem:v0+s20+$0x170 ss:$0x1], $0xffff  }
0x71: {  	[tilespmem:s20+$0xB970] =	vst.add.f32.msk $0xffff, v2  }
0x72: {  	[tilespmem:s24+$0xBA80] =	vst.add.f32.msk $0xffff, v3  }
0x73: {  	v2 =	vld.idx.msk [tilespmem:v0+s24+$0x190 ss:$0x1], $0xffff  }
0x74: {  	[tilespmem:s24+$0xB900] =	vst.add.f32.msk $0xffff, v4  }
0x75: {  	[tilespmem:s24+$0xB980] =	vst.add.f32.msk $0xffff, v5  }
0x76: {  	[tilespmem:s24+$0xBA00] =	vst.add.f32.msk $0xffff, v6  }
0x77: {  	v3 =	vld.idx.msk [tilespmem:v0+s24+$0x10 ss:$0x1], $0xffff  }
0x78: {  	v4 =	vld.idx.msk [tilespmem:v0+s24+$0x90 ss:$0x1], $0xffff  }
0x79: {  	[tilespmem:s24+$0xBA90] =	vst.add.f32.msk $0xffff, v2  }
0x7a: {  	v2 =	vld.idx.msk [tilespmem:v0+s24+$0x1A0 ss:$0x1], $0xffff  }
0x7b: {  	v5 =	vld.idx.msk [tilespmem:v0+s24+$0x110 ss:$0x1], $0xffff  }
0x7c: {  	[tilespmem:s20+$0xB9F0] =	vst.add.f32.msk $0xffff, v1  }
0x7d: {  	[tilespmem:s24+$0xB910] =	vst.add.f32.msk $0xffff, v3  }
0x7e: {  	[tilespmem:s24+$0xB990] =	vst.add.f32.msk $0xffff, v4  }
0x7f: {  	v1 =	vld.idx.msk [tilespmem:v0+s24+$0x20 ss:$0x1], $0xffff  }
0x80: {  	[tilespmem:s24+$0xBAA0] =	vst.add.f32.msk $0xffff, v2  }
0x81: {  	v2 =	vld.idx.msk [tilespmem:v0+s24+$0x1B0 ss:$0x1], $0xffff  }
0x82: {  	[tilespmem:s24+$0xBA10] =	vst.add.f32.msk $0xffff, v5  }
0x83: {  	v3 =	vld.idx.msk [tilespmem:v0+s24+$0xA0 ss:$0x1], $0xffff  }
0x84: {  	v4 =	vld.idx.msk [tilespmem:v0+s24+$0x120 ss:$0x1], $0xffff  }
0x85: {  	[tilespmem:s24+$0xB920] =	vst.add.f32.msk $0xffff, v1  }
0x86: {  	v1 =	vld.idx.msk [tilespmem:v0+s24+$0x30 ss:$0x1], $0xffff  }
0x87: {  	[tilespmem:s24+$0xBAB0] =	vst.add.f32.msk $0xffff, v2  }
0x88: {  	v2 =	vld.idx.msk [tilespmem:v0+s24+$0x1C0 ss:$0x1], $0xffff  }
0x89: {  	[tilespmem:s24+$0xB9A0] =	vst.add.f32.msk $0xffff, v3  }
0x8a: {  	[tilespmem:s24+$0xBA20] =	vst.add.f32.msk $0xffff, v4  }
0x8b: {  	v3 =	vld.idx.msk [tilespmem:v0+s24+$0xB0 ss:$0x1], $0xffff  }
0x8c: {  	v4 =	vld.idx.msk [tilespmem:v0+s24+$0x130 ss:$0x1], $0xffff  }
0x8d: {  	[tilespmem:s24+$0xB930] =	vst.add.f32.msk $0xffff, v1  }
0x8e: {  	[tilespmem:s24+$0xBAC0] =	vst.add.f32.msk $0xffff, v2  }
0x8f: {  	v1 =	vld.idx.msk [tilespmem:v0+s24+$0x1D0 ss:$0x1], $0xffff  }
0x90: {  	v2 =	vld.idx.msk [tilespmem:v0+s24+$0x40 ss:$0x1], $0xffff  }
0x91: {  	[tilespmem:s24+$0xB9B0] =	vst.add.f32.msk $0xffff, v3  }
0x92: {  	[tilespmem:s24+$0xBA30] =	vst.add.f32.msk $0xffff, v4  }
0x93: {  	v3 =	vld.idx.msk [tilespmem:v0+s24+$0xC0 ss:$0x1], $0xffff  }
0x94: {  	v4 =	vld.idx.msk [tilespmem:v0+s24+$0x140 ss:$0x1], $0xffff  }
0x95: {  	[tilespmem:s24+$0xBAD0] =	vst.add.f32.msk $0xffff, v1  }
0x96: {  	v1 =	vld.idx.msk [tilespmem:v0+s24+$0x1E0 ss:$0x1], $0xffff  }
0x97: {  	[tilespmem:s24+$0xB940] =	vst.add.f32.msk $0xffff, v2  }
0x98: {  	v2 =	vld.idx.msk [tilespmem:v0+s24+$0x50 ss:$0x1], $0xffff  }
0x99: {  	[tilespmem:s24+$0xB9C0] =	vst.add.f32.msk $0xffff, v3  }
0x9a: {  	[tilespmem:s24+$0xBA40] =	vst.add.f32.msk $0xffff, v4  }
0x9b: {  	v3 =	vld.idx.msk [tilespmem:v0+s24+$0xD0 ss:$0x1], $0xffff  }
0x9c: {  	[tilespmem:s24+$0xBAE0] =	vst.add.f32.msk $0xffff, v1  }
0x9d: {  	v1 =	vld.idx.msk [tilespmem:v0+s24+$0x1F0 ss:$0x1], $0xffff  }
0x9e: {  	v4 =	vld.idx.msk [tilespmem:v0+s24+$0x150 ss:$0x1], $0xffff  }
0x9f: {  	[tilespmem:s24+$0xB950] =	vst.add.f32.msk $0xffff, v2  }
0xa0: {  	v2 =	vld.idx.msk [tilespmem:v0+s24+$0x60 ss:$0x1], $0xffff  }
0xa1: {  	[tilespmem:s24+$0xB9D0] =	vst.add.f32.msk $0xffff, v3  }
0xa2: {  	v5 =	vld.idx.msk [tilespmem:v0+s24+$0xE0 ss:$0x1], $0xffff  }
0xa3: {  	[tilespmem:s24+$0xBAF0] =	vst.add.f32.msk $0xffff, v1  }
0xa4: {  	[tilespmem:s24+$0xBA50] =	vst.add.f32.msk $0xffff, v4  }
0xa5: {  	v3 =	vld.idx.msk [tilespmem:v0+s24+$0x160 ss:$0x1], $0xffff  }
.Ltmp0:
0xa6: {  	[tilespmem:s24+$0xB960] =	vst.add.f32.msk $0xffff, v2;
	(pc) =	sbr.rel @p1 .LBB2_3-.Ltmp0, $4  }
0xa7: {  	v2 =	vld.idx.msk [tilespmem:v0+s24+$0x70 ss:$0x1], $0xffff  }
0xa8: {  	[tilespmem:s24+$0xB9E0] =	vst.add.f32.msk $0xffff, v5  }
0xa9: {  	v1 =	vld.idx.msk [tilespmem:v0+s24+$0xF0 ss:$0x1], $0xffff  }
0xaa: {  	s23 =	sadd.s32 $0x800, s23;
	[tilespmem:s20+$0xBA70] =	vst.add.f32.msk $0xffff, v7;
	s20 =	smov.u32 s24  }
0xab: {  	_ =	sdelay $0x2  }
0xac: {  	[tilespmem:s20+$0xBA60] =	vst.add.f32.msk $0xffff, v3  }
0xad: {  	v0 =	vld.idx.msk [tilespmem:v0+s20+$0x170 ss:$0x1], $0xffff;
	_ =	sdelay $0x2  }
0xae: {  	s21 =	sadd.s32 s4, s18;
	[tilespmem:s20+$0xB970] =	vst.add.f32.msk $0xffff, v2  }
0xaf: {  	s24 =	simm.s32 $0xB900;
	s21 =	sshll.u32 s21, $0x4;
	[tilespmem:s20+$0xB9F0] =	vst.add.f32.msk $0xffff, v1  }
0xb0: {  	s1 =	sadd.s32 $0x4, s1;
	s23 =	sadd.s32 s2, s21;
	[tilespmem:s20+$0xBA70] =	vst.add.f32.msk $0xffff, v0;
	s20 =	simm.s32 @!p0 $0xA  }
0xb1: {  	[hbm4b:s23+s25] =	stream.linear.scatter [tilespmem:s24], [sflag:$0x6], $0x4000, $0x38;
	[tilespmem:$0x1F900] =	vst v63  }
0xb2: {  	s1 =	sshll.u32 s1, $0x7;
	_ =	swait.ge @!p0 [sflag:s20], $0x4000  }
0xb3: {  	s21 =	sand.u32 $0x3FFFFF80, s1;
	[sflag:s20] =	ssyncset.done @!p0 $0x0  }
0xb4: {  	v0 =	vmov s3;
	s23 =	simm.s32 $0x1B900;
	s24 =	simm.s32 $0x2;
	[sflag:s20] =	ssyncadd.s32 @!p0 $0xFFFFC000  }
0xb5: {  	[tilespmem:s23], [sflag:$0x5] =	stream.indirect.gather [hbm4b:s5+s19], $0x80, s21, s19, $0xb8;
	[tilespmem:$0x1F900] =	vst v63  }
0xb6: {  	_ =	swait.ge [sflag:s24], $0x4000  }
0xb7: {  	[sflag:s24] =	ssyncset.done $0x0  }
0xb8: {  	s20 =	simm.s32 $0x0;
	[sflag:s24] =	ssyncadd.s32 $0xFFFFC000  }
0xb9: {  	v1 =	vld.idx.msk [tilespmem:v0+s20+$0x180 ss:$0x1], $0xffff  }
0xba: {  	v2 =	vld.idx.msk [tilespmem:v0+s20+$0x0 ss:$0x1], $0xffff  }
0xbb: {  	v3 =	vld.idx.msk [tilespmem:v0+s20+$0x80 ss:$0x1], $0xffff;
	_ =	sdelay $0x1  }
0xbc: {  	v4 =	vld.idx.msk [tilespmem:v0+s20+$0x100 ss:$0x1], $0xffff  }
0xbd: {  	[tilespmem:s20+$0xFA80] =	vst.add.f32.msk $0xffff, v1  }
0xbe: {  	[tilespmem:s20+$0xF900] =	vst.add.f32.msk $0xffff, v2  }
0xbf: {  	[tilespmem:s20+$0xF980] =	vst.add.f32.msk $0xffff, v3  }
0xc0: {  	v1 =	vld.idx.msk [tilespmem:v0+s20+$0x190 ss:$0x1], $0xffff  }
0xc1: {  	v2 =	vld.idx.msk [tilespmem:v0+s20+$0x10 ss:$0x1], $0xffff  }
0xc2: {  	v3 =	vld.idx.msk [tilespmem:v0+s20+$0x90 ss:$0x1], $0xffff  }
0xc3: {  	[tilespmem:s20+$0xFA00] =	vst.add.f32.msk $0xffff, v4  }
0xc4: {  	v4 =	vld.idx.msk [tilespmem:v0+s20+$0x110 ss:$0x1], $0xffff  }
0xc5: {  	[tilespmem:s20+$0xFA90] =	vst.add.f32.msk $0xffff, v1  }
0xc6: {  	[tilespmem:s20+$0xF910] =	vst.add.f32.msk $0xffff, v2  }
0xc7: {  	[tilespmem:s20+$0xF990] =	vst.add.f32.msk $0xffff, v3  }
0xc8: {  	v1 =	vld.idx.msk [tilespmem:v0+s20+$0x1A0 ss:$0x1], $0xffff  }
0xc9: {  	v2 =	vld.idx.msk [tilespmem:v0+s20+$0x20 ss:$0x1], $0xffff  }
0xca: {  	v3 =	vld.idx.msk [tilespmem:v0+s20+$0xA0 ss:$0x1], $0xffff  }
0xcb: {  	[tilespmem:s20+$0xFA10] =	vst.add.f32.msk $0xffff, v4  }
0xcc: {  	v4 =	vld.idx.msk [tilespmem:v0+s20+$0x120 ss:$0x1], $0xffff  }
0xcd: {  	[tilespmem:s20+$0xFAA0] =	vst.add.f32.msk $0xffff, v1  }
0xce: {  	[tilespmem:s20+$0xF920] =	vst.add.f32.msk $0xffff, v2  }
0xcf: {  	[tilespmem:s20+$0xF9A0] =	vst.add.f32.msk $0xffff, v3  }
0xd0: {  	v1 =	vld.idx.msk [tilespmem:v0+s20+$0x1B0 ss:$0x1], $0xffff  }
0xd1: {  	v2 =	vld.idx.msk [tilespmem:v0+s20+$0x30 ss:$0x1], $0xffff  }
0xd2: {  	v3 =	vld.idx.msk [tilespmem:v0+s20+$0xB0 ss:$0x1], $0xffff  }
0xd3: {  	[tilespmem:s20+$0xFA20] =	vst.add.f32.msk $0xffff, v4  }
0xd4: {  	v4 =	vld.idx.msk [tilespmem:v0+s20+$0x130 ss:$0x1], $0xffff  }
0xd5: {  	[tilespmem:s20+$0xFAB0] =	vst.add.f32.msk $0xffff, v1  }
0xd6: {  	[tilespmem:s20+$0xF930] =	vst.add.f32.msk $0xffff, v2  }
0xd7: {  	[tilespmem:s20+$0xF9B0] =	vst.add.f32.msk $0xffff, v3  }
0xd8: {  	v1 =	vld.idx.msk [tilespmem:v0+s20+$0x1C0 ss:$0x1], $0xffff  }
0xd9: {  	v2 =	vld.idx.msk [tilespmem:v0+s20+$0x40 ss:$0x1], $0xffff  }
0xda: {  	v3 =	vld.idx.msk [tilespmem:v0+s20+$0xC0 ss:$0x1], $0xffff  }
0xdb: {  	[tilespmem:s20+$0xFA30] =	vst.add.f32.msk $0xffff, v4  }
0xdc: {  	v4 =	vld.idx.msk [tilespmem:v0+s20+$0x140 ss:$0x1], $0xffff  }
0xdd: {  	[tilespmem:s20+$0xFAC0] =	vst.add.f32.msk $0xffff, v1  }
0xde: {  	[tilespmem:s20+$0xF940] =	vst.add.f32.msk $0xffff, v2  }
0xdf: {  	[tilespmem:s20+$0xF9C0] =	vst.add.f32.msk $0xffff, v3  }
0xe0: {  	v1 =	vld.idx.msk [tilespmem:v0+s20+$0x1D0 ss:$0x1], $0xffff  }
0xe1: {  	v2 =	vld.idx.msk [tilespmem:v0+s20+$0x50 ss:$0x1], $0xffff  }
0xe2: {  	[tilespmem:s20+$0xFA40] =	vst.add.f32.msk $0xffff, v4  }
0xe3: {  	v3 =	vld.idx.msk [tilespmem:v0+s20+$0xD0 ss:$0x1], $0xffff  }
0xe4: {  	v4 =	vld.idx.msk [tilespmem:v0+s20+$0x150 ss:$0x1], $0xffff  }
0xe5: {  	[tilespmem:s20+$0xFAD0] =	vst.add.f32.msk $0xffff, v1  }
0xe6: {  	[tilespmem:s20+$0xF950] =	vst.add.f32.msk $0xffff, v2  }
0xe7: {  	v1 =	vld.idx.msk [tilespmem:v0+s20+$0x1E0 ss:$0x1], $0xffff  }
0xe8: {  	[tilespmem:s20+$0xF9D0] =	vst.add.f32.msk $0xffff, v3  }
0xe9: {  	[tilespmem:s20+$0xFA50] =	vst.add.f32.msk $0xffff, v4  }
0xea: {  	v2 =	vld.idx.msk [tilespmem:v0+s20+$0x60 ss:$0x1], $0xffff  }
0xeb: {  	v5 =	vld.idx.msk [tilespmem:v0+s20+$0xE0 ss:$0x1], $0xffff  }
0xec: {  	[tilespmem:s20+$0xFAE0] =	vst.add.f32.msk $0xffff, v1  }
0xed: {  	v1 =	vld.idx.msk [tilespmem:v0+s20+$0x1F0 ss:$0x1], $0xffff  }
0xee: {  	v3 =	vld.idx.msk [tilespmem:v0+s20+$0x160 ss:$0x1], $0xffff  }
0xef: {  	[tilespmem:s20+$0xF960] =	vst.add.f32.msk $0xffff, v2  }
0xf0: {  	[tilespmem:s20+$0xF9E0] =	vst.add.f32.msk $0xffff, v5  }
0xf1: {  	v2 =	vld.idx.msk [tilespmem:v0+s20+$0x70 ss:$0x1], $0xffff  }
0xf2: {  	s3 =	sadd.s32 $0x80, s18;
	[tilespmem:s20+$0xFAF0] =	vst.add.f32.msk $0xffff, v1  }
0xf3: {  	s25 =	simm.s32 $0xB900;
	s21 =	simm.s32 $0x0;
	s23 =	simm.s32 $0x800;
	v1 =	vld.idx.msk [tilespmem:v0+s20+$0xF0 ss:$0x1], $0xffff  }
.LBB2_5:
0xf4: {  	s24 =	sshra.s32 s23, $0x2;
	s21 =	sadd.s32 $0x4, s21;
	[tilespmem:s20+$0xFA60] =	vst.add.f32.msk $0xffff, v3  }
0xf5: {  	v3 =	vld.idx.msk [tilespmem:v0+s24+$0x180 ss:$0x1], $0xffff;
	p0 =	slt.u32 s21, $0x7C  }
0xf6: {  	v4 =	vld.idx.msk [tilespmem:v0+s24+$0x0 ss:$0x1], $0xffff  }
0xf7: {  	v5 =	vld.idx.msk [tilespmem:v0+s24+$0x80 ss:$0x1], $0xffff  }
0xf8: {  	v6 =	vld.idx.msk [tilespmem:v0+s24+$0x100 ss:$0x1], $0xffff  }
0xf9: {  	v7 =	vld.idx.msk [tilespmem:v0+s20+$0x170 ss:$0x1], $0xffff  }
0xfa: {  	[tilespmem:s20+$0xF970] =	vst.add.f32.msk $0xffff, v2  }
0xfb: {  	[tilespmem:s24+$0xFA80] =	vst.add.f32.msk $0xffff, v3  }
0xfc: {  	v2 =	vld.idx.msk [tilespmem:v0+s24+$0x190 ss:$0x1], $0xffff  }
0xfd: {  	[tilespmem:s24+$0xF900] =	vst.add.f32.msk $0xffff, v4  }
0xfe: {  	[tilespmem:s24+$0xF980] =	vst.add.f32.msk $0xffff, v5  }
0xff: {  	[tilespmem:s24+$0xFA00] =	vst.add.f32.msk $0xffff, v6  }
0x100: {  	v3 =	vld.idx.msk [tilespmem:v0+s24+$0x10 ss:$0x1], $0xffff  }
0x101: {  	v4 =	vld.idx.msk [tilespmem:v0+s24+$0x90 ss:$0x1], $0xffff  }
0x102: {  	[tilespmem:s24+$0xFA90] =	vst.add.f32.msk $0xffff, v2  }
0x103: {  	v2 =	vld.idx.msk [tilespmem:v0+s24+$0x1A0 ss:$0x1], $0xffff  }
0x104: {  	v5 =	vld.idx.msk [tilespmem:v0+s24+$0x110 ss:$0x1], $0xffff  }
0x105: {  	[tilespmem:s20+$0xF9F0] =	vst.add.f32.msk $0xffff, v1  }
0x106: {  	[tilespmem:s24+$0xF910] =	vst.add.f32.msk $0xffff, v3  }
0x107: {  	[tilespmem:s24+$0xF990] =	vst.add.f32.msk $0xffff, v4  }
0x108: {  	v1 =	vld.idx.msk [tilespmem:v0+s24+$0x20 ss:$0x1], $0xffff  }
0x109: {  	[tilespmem:s24+$0xFAA0] =	vst.add.f32.msk $0xffff, v2  }
0x10a: {  	v2 =	vld.idx.msk [tilespmem:v0+s24+$0x1B0 ss:$0x1], $0xffff  }
0x10b: {  	[tilespmem:s24+$0xFA10] =	vst.add.f32.msk $0xffff, v5  }
0x10c: {  	v3 =	vld.idx.msk [tilespmem:v0+s24+$0xA0 ss:$0x1], $0xffff  }
0x10d: {  	v4 =	vld.idx.msk [tilespmem:v0+s24+$0x120 ss:$0x1], $0xffff  }
0x10e: {  	[tilespmem:s24+$0xF920] =	vst.add.f32.msk $0xffff, v1  }
0x10f: {  	v1 =	vld.idx.msk [tilespmem:v0+s24+$0x30 ss:$0x1], $0xffff  }
0x110: {  	[tilespmem:s24+$0xFAB0] =	vst.add.f32.msk $0xffff, v2  }
0x111: {  	v2 =	vld.idx.msk [tilespmem:v0+s24+$0x1C0 ss:$0x1], $0xffff  }
0x112: {  	[tilespmem:s24+$0xF9A0] =	vst.add.f32.msk $0xffff, v3  }
0x113: {  	[tilespmem:s24+$0xFA20] =	vst.add.f32.msk $0xffff, v4  }
0x114: {  	v3 =	vld.idx.msk [tilespmem:v0+s24+$0xB0 ss:$0x1], $0xffff  }
0x115: {  	v4 =	vld.idx.msk [tilespmem:v0+s24+$0x130 ss:$0x1], $0xffff  }
0x116: {  	[tilespmem:s24+$0xF930] =	vst.add.f32.msk $0xffff, v1  }
0x117: {  	[tilespmem:s24+$0xFAC0] =	vst.add.f32.msk $0xffff, v2  }
0x118: {  	v1 =	vld.idx.msk [tilespmem:v0+s24+$0x1D0 ss:$0x1], $0xffff  }
0x119: {  	v2 =	vld.idx.msk [tilespmem:v0+s24+$0x40 ss:$0x1], $0xffff  }
0x11a: {  	[tilespmem:s24+$0xF9B0] =	vst.add.f32.msk $0xffff, v3  }
0x11b: {  	[tilespmem:s24+$0xFA30] =	vst.add.f32.msk $0xffff, v4  }
0x11c: {  	v3 =	vld.idx.msk [tilespmem:v0+s24+$0xC0 ss:$0x1], $0xffff  }
0x11d: {  	v4 =	vld.idx.msk [tilespmem:v0+s24+$0x140 ss:$0x1], $0xffff  }
0x11e: {  	[tilespmem:s24+$0xFAD0] =	vst.add.f32.msk $0xffff, v1  }
0x11f: {  	v1 =	vld.idx.msk [tilespmem:v0+s24+$0x1E0 ss:$0x1], $0xffff  }
0x120: {  	[tilespmem:s24+$0xF940] =	vst.add.f32.msk $0xffff, v2  }
0x121: {  	v2 =	vld.idx.msk [tilespmem:v0+s24+$0x50 ss:$0x1], $0xffff  }
0x122: {  	[tilespmem:s24+$0xF9C0] =	vst.add.f32.msk $0xffff, v3  }
0x123: {  	[tilespmem:s24+$0xFA40] =	vst.add.f32.msk $0xffff, v4  }
0x124: {  	v3 =	vld.idx.msk [tilespmem:v0+s24+$0xD0 ss:$0x1], $0xffff  }
0x125: {  	[tilespmem:s24+$0xFAE0] =	vst.add.f32.msk $0xffff, v1  }
0x126: {  	v1 =	vld.idx.msk [tilespmem:v0+s24+$0x1F0 ss:$0x1], $0xffff  }
0x127: {  	v4 =	vld.idx.msk [tilespmem:v0+s24+$0x150 ss:$0x1], $0xffff  }
0x128: {  	[tilespmem:s24+$0xF950] =	vst.add.f32.msk $0xffff, v2  }
0x129: {  	v2 =	vld.idx.msk [tilespmem:v0+s24+$0x60 ss:$0x1], $0xffff  }
0x12a: {  	[tilespmem:s24+$0xF9D0] =	vst.add.f32.msk $0xffff, v3  }
0x12b: {  	v5 =	vld.idx.msk [tilespmem:v0+s24+$0xE0 ss:$0x1], $0xffff  }
0x12c: {  	[tilespmem:s24+$0xFAF0] =	vst.add.f32.msk $0xffff, v1  }
0x12d: {  	[tilespmem:s24+$0xFA50] =	vst.add.f32.msk $0xffff, v4  }
0x12e: {  	v3 =	vld.idx.msk [tilespmem:v0+s24+$0x160 ss:$0x1], $0xffff  }
.Ltmp1:
0x12f: {  	[tilespmem:s24+$0xF960] =	vst.add.f32.msk $0xffff, v2;
	(pc) =	sbr.rel @p0 .LBB2_5-.Ltmp1, $4  }
0x130: {  	v2 =	vld.idx.msk [tilespmem:v0+s24+$0x70 ss:$0x1], $0xffff  }
0x131: {  	[tilespmem:s24+$0xF9E0] =	vst.add.f32.msk $0xffff, v5  }
0x132: {  	v1 =	vld.idx.msk [tilespmem:v0+s24+$0xF0 ss:$0x1], $0xffff  }
0x133: {  	s23 =	sadd.s32 $0x800, s23;
	[tilespmem:s20+$0xFA70] =	vst.add.f32.msk $0xffff, v7;
	s20 =	smov.u32 s24  }
0x134: {  	_ =	sdelay $0x2  }
0x135: {  	[tilespmem:s20+$0xFA60] =	vst.add.f32.msk $0xffff, v3  }
0x136: {  	v0 =	vld.idx.msk [tilespmem:v0+s20+$0x170 ss:$0x1], $0xffff;
	_ =	sdelay $0x2  }
0x137: {  	s3 =	sadd.s32 s4, s3;
	[tilespmem:s20+$0xF970] =	vst.add.f32.msk $0xffff, v2  }
0x138: {  	s23 =	simm.s32 $0x0;
	s24 =	simm.s32 $0xF900;
	s3 =	sshll.u32 s3, $0x4;
	[tilespmem:s20+$0xF9F0] =	vst.add.f32.msk $0xffff, v1  }
0x139: {  	s21 =	simm.s32 $0x6;
	s3 =	sadd.s32 s2, s3;
	[tilespmem:s20+$0xFA70] =	vst.add.f32.msk $0xffff, v0;
	s20 =	smul.u32 $0xA00, s0  }
0x13a: {  	[hbm4b:s3+s23] =	stream.linear.scatter [tilespmem:s24], [sflag:$0x7], $0x4000, $0x38;
	[tilespmem:$0x1F900] =	vst v63  }
0x13b: {  	_ =	swait.ge [sflag:s21], $0x4000  }
0x13c: {  	s20 =	sshra.s32 s20, $0x2;
	[sflag:s21] =	ssyncset.done $0x0  }
0x13d: {  	v0 =	vmov s22;
	s23 =	simm.s32 $0x3;
	s3 =	sadd.s32 $0x280, s20;
	[sflag:s21] =	ssyncadd.s32 $0xFFFFC000  }
0x13e: {  	[tilespmem:s25], [sflag:$0x1] =	stream.indirect.gather [hbm4b:s5+s19], $0x80, s3, s19, $0xb8;
	[tilespmem:$0x1F900] =	vst v63  }
0x13f: {  	_ =	swait.ge [sflag:s23], $0x4000  }
0x140: {  	[sflag:s23] =	ssyncset.done $0x0  }
0x141: {  	s22 =	simm.s32 $0x0;
	[sflag:s23] =	ssyncadd.s32 $0xFFFFC000  }
0x142: {  	v1 =	vld.idx.msk [tilespmem:v0+s22+$0x180 ss:$0x1], $0xffff  }
0x143: {  	v2 =	vld.idx.msk [tilespmem:v0+s22+$0x0 ss:$0x1], $0xffff  }
0x144: {  	v3 =	vld.idx.msk [tilespmem:v0+s22+$0x80 ss:$0x1], $0xffff;
	_ =	sdelay $0x1  }
0x145: {  	v4 =	vld.idx.msk [tilespmem:v0+s22+$0x100 ss:$0x1], $0xffff  }
0x146: {  	[tilespmem:s22+$0x13A80] =	vst.add.f32.msk $0xffff, v1  }
0x147: {  	[tilespmem:s22+$0x13900] =	vst.add.f32.msk $0xffff, v2  }
0x148: {  	[tilespmem:s22+$0x13980] =	vst.add.f32.msk $0xffff, v3  }
0x149: {  	v1 =	vld.idx.msk [tilespmem:v0+s22+$0x190 ss:$0x1], $0xffff  }
0x14a: {  	v2 =	vld.idx.msk [tilespmem:v0+s22+$0x10 ss:$0x1], $0xffff  }
0x14b: {  	v3 =	vld.idx.msk [tilespmem:v0+s22+$0x90 ss:$0x1], $0xffff  }
0x14c: {  	[tilespmem:s22+$0x13A00] =	vst.add.f32.msk $0xffff, v4  }
0x14d: {  	v4 =	vld.idx.msk [tilespmem:v0+s22+$0x110 ss:$0x1], $0xffff  }
0x14e: {  	[tilespmem:s22+$0x13A90] =	vst.add.f32.msk $0xffff, v1  }
0x14f: {  	[tilespmem:s22+$0x13910] =	vst.add.f32.msk $0xffff, v2  }
0x150: {  	[tilespmem:s22+$0x13990] =	vst.add.f32.msk $0xffff, v3  }
0x151: {  	v1 =	vld.idx.msk [tilespmem:v0+s22+$0x1A0 ss:$0x1], $0xffff  }
0x152: {  	v2 =	vld.idx.msk [tilespmem:v0+s22+$0x20 ss:$0x1], $0xffff  }
0x153: {  	v3 =	vld.idx.msk [tilespmem:v0+s22+$0xA0 ss:$0x1], $0xffff  }
0x154: {  	[tilespmem:s22+$0x13A10] =	vst.add.f32.msk $0xffff, v4  }
0x155: {  	v4 =	vld.idx.msk [tilespmem:v0+s22+$0x120 ss:$0x1], $0xffff  }
0x156: {  	[tilespmem:s22+$0x13AA0] =	vst.add.f32.msk $0xffff, v1  }
0x157: {  	[tilespmem:s22+$0x13920] =	vst.add.f32.msk $0xffff, v2  }
0x158: {  	[tilespmem:s22+$0x139A0] =	vst.add.f32.msk $0xffff, v3  }
0x159: {  	v1 =	vld.idx.msk [tilespmem:v0+s22+$0x1B0 ss:$0x1], $0xffff  }
0x15a: {  	v2 =	vld.idx.msk [tilespmem:v0+s22+$0x30 ss:$0x1], $0xffff  }
0x15b: {  	v3 =	vld.idx.msk [tilespmem:v0+s22+$0xB0 ss:$0x1], $0xffff  }
0x15c: {  	[tilespmem:s22+$0x13A20] =	vst.add.f32.msk $0xffff, v4  }
0x15d: {  	v4 =	vld.idx.msk [tilespmem:v0+s22+$0x130 ss:$0x1], $0xffff  }
0x15e: {  	[tilespmem:s22+$0x13AB0] =	vst.add.f32.msk $0xffff, v1  }
0x15f: {  	[tilespmem:s22+$0x13930] =	vst.add.f32.msk $0xffff, v2  }
0x160: {  	[tilespmem:s22+$0x139B0] =	vst.add.f32.msk $0xffff, v3  }
0x161: {  	v1 =	vld.idx.msk [tilespmem:v0+s22+$0x1C0 ss:$0x1], $0xffff  }
0x162: {  	v2 =	vld.idx.msk [tilespmem:v0+s22+$0x40 ss:$0x1], $0xffff  }
0x163: {  	v3 =	vld.idx.msk [tilespmem:v0+s22+$0xC0 ss:$0x1], $0xffff  }
0x164: {  	[tilespmem:s22+$0x13A30] =	vst.add.f32.msk $0xffff, v4  }
0x165: {  	v4 =	vld.idx.msk [tilespmem:v0+s22+$0x140 ss:$0x1], $0xffff  }
0x166: {  	[tilespmem:s22+$0x13AC0] =	vst.add.f32.msk $0xffff, v1  }
0x167: {  	[tilespmem:s22+$0x13940] =	vst.add.f32.msk $0xffff, v2  }
0x168: {  	[tilespmem:s22+$0x139C0] =	vst.add.f32.msk $0xffff, v3  }
0x169: {  	v1 =	vld.idx.msk [tilespmem:v0+s22+$0x1D0 ss:$0x1], $0xffff  }
0x16a: {  	v2 =	vld.idx.msk [tilespmem:v0+s22+$0x50 ss:$0x1], $0xffff  }
0x16b: {  	[tilespmem:s22+$0x13A40] =	vst.add.f32.msk $0xffff, v4  }
0x16c: {  	v3 =	vld.idx.msk [tilespmem:v0+s22+$0xD0 ss:$0x1], $0xffff  }
0x16d: {  	v4 =	vld.idx.msk [tilespmem:v0+s22+$0x150 ss:$0x1], $0xffff  }
0x16e: {  	[tilespmem:s22+$0x13AD0] =	vst.add.f32.msk $0xffff, v1  }
0x16f: {  	[tilespmem:s22+$0x13950] =	vst.add.f32.msk $0xffff, v2  }
0x170: {  	v1 =	vld.idx.msk [tilespmem:v0+s22+$0x1E0 ss:$0x1], $0xffff  }
0x171: {  	[tilespmem:s22+$0x139D0] =	vst.add.f32.msk $0xffff, v3  }
0x172: {  	[tilespmem:s22+$0x13A50] =	vst.add.f32.msk $0xffff, v4  }
0x173: {  	v2 =	vld.idx.msk [tilespmem:v0+s22+$0x60 ss:$0x1], $0xffff  }
0x174: {  	v5 =	vld.idx.msk [tilespmem:v0+s22+$0xE0 ss:$0x1], $0xffff  }
0x175: {  	[tilespmem:s22+$0x13AE0] =	vst.add.f32.msk $0xffff, v1  }
0x176: {  	v1 =	vld.idx.msk [tilespmem:v0+s22+$0x1F0 ss:$0x1], $0xffff  }
0x177: {  	v3 =	vld.idx.msk [tilespmem:v0+s22+$0x160 ss:$0x1], $0xffff  }
0x178: {  	[tilespmem:s22+$0x13960] =	vst.add.f32.msk $0xffff, v2  }
0x179: {  	[tilespmem:s22+$0x139E0] =	vst.add.f32.msk $0xffff, v5  }
0x17a: {  	v2 =	vld.idx.msk [tilespmem:v0+s22+$0x70 ss:$0x1], $0xffff  }
0x17b: {  	[tilespmem:s22+$0x13AF0] =	vst.add.f32.msk $0xffff, v1  }
0x17c: {  	s21 =	simm.s32 $0x800;
	s3 =	sadd.s32 $0x100, s18;
	s18 =	simm.s32 $0x0;
	v1 =	vld.idx.msk [tilespmem:v0+s22+$0xF0 ss:$0x1], $0xffff  }
.LBB2_7:
0x17d: {  	s23 =	sshra.s32 s21, $0x2;
	s18 =	sadd.s32 $0x4, s18;
	[tilespmem:s22+$0x13A60] =	vst.add.f32.msk $0xffff, v3  }
0x17e: {  	v3 =	vld.idx.msk [tilespmem:v0+s23+$0x180 ss:$0x1], $0xffff;
	p0 =	slt.u32 s18, $0x7C  }
0x17f: {  	v4 =	vld.idx.msk [tilespmem:v0+s23+$0x0 ss:$0x1], $0xffff  }
0x180: {  	v5 =	vld.idx.msk [tilespmem:v0+s23+$0x80 ss:$0x1], $0xffff  }
0x181: {  	v6 =	vld.idx.msk [tilespmem:v0+s23+$0x100 ss:$0x1], $0xffff  }
0x182: {  	v7 =	vld.idx.msk [tilespmem:v0+s22+$0x170 ss:$0x1], $0xffff  }
0x183: {  	[tilespmem:s22+$0x13970] =	vst.add.f32.msk $0xffff, v2  }
0x184: {  	[tilespmem:s23+$0x13A80] =	vst.add.f32.msk $0xffff, v3  }
0x185: {  	v2 =	vld.idx.msk [tilespmem:v0+s23+$0x190 ss:$0x1], $0xffff  }
0x186: {  	[tilespmem:s23+$0x13900] =	vst.add.f32.msk $0xffff, v4  }
0x187: {  	[tilespmem:s23+$0x13980] =	vst.add.f32.msk $0xffff, v5  }
0x188: {  	[tilespmem:s23+$0x13A00] =	vst.add.f32.msk $0xffff, v6  }
0x189: {  	v3 =	vld.idx.msk [tilespmem:v0+s23+$0x10 ss:$0x1], $0xffff  }
0x18a: {  	v4 =	vld.idx.msk [tilespmem:v0+s23+$0x90 ss:$0x1], $0xffff  }
0x18b: {  	[tilespmem:s23+$0x13A90] =	vst.add.f32.msk $0xffff, v2  }
0x18c: {  	v2 =	vld.idx.msk [tilespmem:v0+s23+$0x1A0 ss:$0x1], $0xffff  }
0x18d: {  	v5 =	vld.idx.msk [tilespmem:v0+s23+$0x110 ss:$0x1], $0xffff  }
0x18e: {  	[tilespmem:s22+$0x139F0] =	vst.add.f32.msk $0xffff, v1  }
0x18f: {  	[tilespmem:s23+$0x13910] =	vst.add.f32.msk $0xffff, v3  }
0x190: {  	[tilespmem:s23+$0x13990] =	vst.add.f32.msk $0xffff, v4  }
0x191: {  	v1 =	vld.idx.msk [tilespmem:v0+s23+$0x20 ss:$0x1], $0xffff  }
0x192: {  	[tilespmem:s23+$0x13AA0] =	vst.add.f32.msk $0xffff, v2  }
0x193: {  	v2 =	vld.idx.msk [tilespmem:v0+s23+$0x1B0 ss:$0x1], $0xffff  }
0x194: {  	[tilespmem:s23+$0x13A10] =	vst.add.f32.msk $0xffff, v5  }
0x195: {  	v3 =	vld.idx.msk [tilespmem:v0+s23+$0xA0 ss:$0x1], $0xffff  }
0x196: {  	v4 =	vld.idx.msk [tilespmem:v0+s23+$0x120 ss:$0x1], $0xffff  }
0x197: {  	[tilespmem:s23+$0x13920] =	vst.add.f32.msk $0xffff, v1  }
0x198: {  	v1 =	vld.idx.msk [tilespmem:v0+s23+$0x30 ss:$0x1], $0xffff  }
0x199: {  	[tilespmem:s23+$0x13AB0] =	vst.add.f32.msk $0xffff, v2  }
0x19a: {  	v2 =	vld.idx.msk [tilespmem:v0+s23+$0x1C0 ss:$0x1], $0xffff  }
0x19b: {  	[tilespmem:s23+$0x139A0] =	vst.add.f32.msk $0xffff, v3  }
0x19c: {  	[tilespmem:s23+$0x13A20] =	vst.add.f32.msk $0xffff, v4  }
0x19d: {  	v3 =	vld.idx.msk [tilespmem:v0+s23+$0xB0 ss:$0x1], $0xffff  }
0x19e: {  	v4 =	vld.idx.msk [tilespmem:v0+s23+$0x130 ss:$0x1], $0xffff  }
0x19f: {  	[tilespmem:s23+$0x13930] =	vst.add.f32.msk $0xffff, v1  }
0x1a0: {  	[tilespmem:s23+$0x13AC0] =	vst.add.f32.msk $0xffff, v2  }
0x1a1: {  	v1 =	vld.idx.msk [tilespmem:v0+s23+$0x1D0 ss:$0x1], $0xffff  }
0x1a2: {  	v2 =	vld.idx.msk [tilespmem:v0+s23+$0x40 ss:$0x1], $0xffff  }
0x1a3: {  	[tilespmem:s23+$0x139B0] =	vst.add.f32.msk $0xffff, v3  }
0x1a4: {  	[tilespmem:s23+$0x13A30] =	vst.add.f32.msk $0xffff, v4  }
0x1a5: {  	v3 =	vld.idx.msk [tilespmem:v0+s23+$0xC0 ss:$0x1], $0xffff  }
0x1a6: {  	v4 =	vld.idx.msk [tilespmem:v0+s23+$0x140 ss:$0x1], $0xffff  }
0x1a7: {  	[tilespmem:s23+$0x13AD0] =	vst.add.f32.msk $0xffff, v1  }
0x1a8: {  	v1 =	vld.idx.msk [tilespmem:v0+s23+$0x1E0 ss:$0x1], $0xffff  }
0x1a9: {  	[tilespmem:s23+$0x13940] =	vst.add.f32.msk $0xffff, v2  }
0x1aa: {  	v2 =	vld.idx.msk [tilespmem:v0+s23+$0x50 ss:$0x1], $0xffff  }
0x1ab: {  	[tilespmem:s23+$0x139C0] =	vst.add.f32.msk $0xffff, v3  }
0x1ac: {  	[tilespmem:s23+$0x13A40] =	vst.add.f32.msk $0xffff, v4  }
0x1ad: {  	v3 =	vld.idx.msk [tilespmem:v0+s23+$0xD0 ss:$0x1], $0xffff  }
0x1ae: {  	[tilespmem:s23+$0x13AE0] =	vst.add.f32.msk $0xffff, v1  }
0x1af: {  	v1 =	vld.idx.msk [tilespmem:v0+s23+$0x1F0 ss:$0x1], $0xffff  }
0x1b0: {  	v4 =	vld.idx.msk [tilespmem:v0+s23+$0x150 ss:$0x1], $0xffff  }
0x1b1: {  	[tilespmem:s23+$0x13950] =	vst.add.f32.msk $0xffff, v2  }
0x1b2: {  	v2 =	vld.idx.msk [tilespmem:v0+s23+$0x60 ss:$0x1], $0xffff  }
0x1b3: {  	[tilespmem:s23+$0x139D0] =	vst.add.f32.msk $0xffff, v3  }
0x1b4: {  	v5 =	vld.idx.msk [tilespmem:v0+s23+$0xE0 ss:$0x1], $0xffff  }
0x1b5: {  	[tilespmem:s23+$0x13AF0] =	vst.add.f32.msk $0xffff, v1  }
0x1b6: {  	[tilespmem:s23+$0x13A50] =	vst.add.f32.msk $0xffff, v4  }
0x1b7: {  	v3 =	vld.idx.msk [tilespmem:v0+s23+$0x160 ss:$0x1], $0xffff  }
.Ltmp2:
0x1b8: {  	[tilespmem:s23+$0x13960] =	vst.add.f32.msk $0xffff, v2;
	(pc) =	sbr.rel @p0 .LBB2_7-.Ltmp2, $4  }
0x1b9: {  	v2 =	vld.idx.msk [tilespmem:v0+s23+$0x70 ss:$0x1], $0xffff  }
0x1ba: {  	[tilespmem:s23+$0x139E0] =	vst.add.f32.msk $0xffff, v5  }
0x1bb: {  	v1 =	vld.idx.msk [tilespmem:v0+s23+$0xF0 ss:$0x1], $0xffff  }
0x1bc: {  	s21 =	sadd.s32 $0x800, s21;
	[tilespmem:s22+$0x13A70] =	vst.add.f32.msk $0xffff, v7;
	s22 =	smov.u32 s23  }
0x1bd: {  	_ =	sdelay $0x2  }
0x1be: {  	[tilespmem:s22+$0x13A60] =	vst.add.f32.msk $0xffff, v3  }
0x1bf: {  	v0 =	vld.idx.msk [tilespmem:v0+s22+$0x170 ss:$0x1], $0xffff;
	_ =	sdelay $0x2  }
0x1c0: {  	s3 =	sadd.s32 s4, s3;
	[tilespmem:s22+$0x13970] =	vst.add.f32.msk $0xffff, v2  }
0x1c1: {  	s3 =	sshll.u32 s3, $0x4;
	[tilespmem:s22+$0x139F0] =	vst.add.f32.msk $0xffff, v1  }
0x1c2: {  	s18 =	simm.s32 $0x0;
	s3 =	sadd.s32 s2, s3;
	[tilespmem:s22+$0x13A70] =	vst.add.f32.msk $0xffff, v0;
	s22 =	simm.s32 $0x13900  }
0x1c3: {  	[hbm4b:s3+s18] =	stream.linear.scatter [tilespmem:s22], [sflag:$0x8], $0x4000, $0x38;
	[tilespmem:$0x1F900] =	vst v63  }
0x1c4: {  	_ =	swait.ge [sflag:s26], $0x4000  }
0x1c5: {  	[sflag:s26] =	ssyncset.done $0x0  }
0x1c6: {  	s23 =	sadd.s32 $0x300, s20;
	v0 =	vmov s17;
	[sflag:s26] =	ssyncadd.s32 $0xFFFFC000  }
0x1c7: {  	[tilespmem:s24], [sflag:$0x2] =	stream.indirect.gather [hbm4b:s5+s19], $0x80, s23, s19, $0xb8;
	[tilespmem:$0x1F900] =	vst v63  }
0x1c8: {  	_ =	swait.ge [sflag:s28], $0x4000  }
0x1c9: {  	[sflag:s28] =	ssyncset.done $0x0  }
0x1ca: {  	s17 =	simm.s32 $0x0;
	[sflag:s28] =	ssyncadd.s32 $0xFFFFC000  }
0x1cb: {  	v1 =	vld.idx.msk [tilespmem:v0+s17+$0x180 ss:$0x1], $0xffff  }
0x1cc: {  	v2 =	vld.idx.msk [tilespmem:v0+s17+$0x0 ss:$0x1], $0xffff  }
0x1cd: {  	v3 =	vld.idx.msk [tilespmem:v0+s17+$0x80 ss:$0x1], $0xffff;
	_ =	sdelay $0x1  }
0x1ce: {  	v4 =	vld.idx.msk [tilespmem:v0+s17+$0x100 ss:$0x1], $0xffff  }
0x1cf: {  	[tilespmem:s17+$0x17A80] =	vst.add.f32.msk $0xffff, v1  }
0x1d0: {  	[tilespmem:s17+$0x17900] =	vst.add.f32.msk $0xffff, v2  }
0x1d1: {  	[tilespmem:s17+$0x17980] =	vst.add.f32.msk $0xffff, v3  }
0x1d2: {  	v1 =	vld.idx.msk [tilespmem:v0+s17+$0x190 ss:$0x1], $0xffff  }
0x1d3: {  	v2 =	vld.idx.msk [tilespmem:v0+s17+$0x10 ss:$0x1], $0xffff  }
0x1d4: {  	v3 =	vld.idx.msk [tilespmem:v0+s17+$0x90 ss:$0x1], $0xffff  }
0x1d5: {  	[tilespmem:s17+$0x17A00] =	vst.add.f32.msk $0xffff, v4  }
0x1d6: {  	v4 =	vld.idx.msk [tilespmem:v0+s17+$0x110 ss:$0x1], $0xffff  }
0x1d7: {  	[tilespmem:s17+$0x17A90] =	vst.add.f32.msk $0xffff, v1  }
0x1d8: {  	[tilespmem:s17+$0x17910] =	vst.add.f32.msk $0xffff, v2  }
0x1d9: {  	[tilespmem:s17+$0x17990] =	vst.add.f32.msk $0xffff, v3  }
0x1da: {  	v1 =	vld.idx.msk [tilespmem:v0+s17+$0x1A0 ss:$0x1], $0xffff  }
0x1db: {  	v2 =	vld.idx.msk [tilespmem:v0+s17+$0x20 ss:$0x1], $0xffff  }
0x1dc: {  	v3 =	vld.idx.msk [tilespmem:v0+s17+$0xA0 ss:$0x1], $0xffff  }
0x1dd: {  	[tilespmem:s17+$0x17A10] =	vst.add.f32.msk $0xffff, v4  }
0x1de: {  	v4 =	vld.idx.msk [tilespmem:v0+s17+$0x120 ss:$0x1], $0xffff  }
0x1df: {  	[tilespmem:s17+$0x17AA0] =	vst.add.f32.msk $0xffff, v1  }
0x1e0: {  	[tilespmem:s17+$0x17920] =	vst.add.f32.msk $0xffff, v2  }
0x1e1: {  	[tilespmem:s17+$0x179A0] =	vst.add.f32.msk $0xffff, v3  }
0x1e2: {  	v1 =	vld.idx.msk [tilespmem:v0+s17+$0x1B0 ss:$0x1], $0xffff  }
0x1e3: {  	v2 =	vld.idx.msk [tilespmem:v0+s17+$0x30 ss:$0x1], $0xffff  }
0x1e4: {  	v3 =	vld.idx.msk [tilespmem:v0+s17+$0xB0 ss:$0x1], $0xffff  }
0x1e5: {  	[tilespmem:s17+$0x17A20] =	vst.add.f32.msk $0xffff, v4  }
0x1e6: {  	v4 =	vld.idx.msk [tilespmem:v0+s17+$0x130 ss:$0x1], $0xffff  }
0x1e7: {  	[tilespmem:s17+$0x17AB0] =	vst.add.f32.msk $0xffff, v1  }
0x1e8: {  	[tilespmem:s17+$0x17930] =	vst.add.f32.msk $0xffff, v2  }
0x1e9: {  	[tilespmem:s17+$0x179B0] =	vst.add.f32.msk $0xffff, v3  }
0x1ea: {  	v1 =	vld.idx.msk [tilespmem:v0+s17+$0x1C0 ss:$0x1], $0xffff  }
0x1eb: {  	v2 =	vld.idx.msk [tilespmem:v0+s17+$0x40 ss:$0x1], $0xffff  }
0x1ec: {  	v3 =	vld.idx.msk [tilespmem:v0+s17+$0xC0 ss:$0x1], $0xffff  }
0x1ed: {  	[tilespmem:s17+$0x17A30] =	vst.add.f32.msk $0xffff, v4  }
0x1ee: {  	v4 =	vld.idx.msk [tilespmem:v0+s17+$0x140 ss:$0x1], $0xffff  }
0x1ef: {  	[tilespmem:s17+$0x17AC0] =	vst.add.f32.msk $0xffff, v1  }
0x1f0: {  	[tilespmem:s17+$0x17940] =	vst.add.f32.msk $0xffff, v2  }
0x1f1: {  	[tilespmem:s17+$0x179C0] =	vst.add.f32.msk $0xffff, v3  }
0x1f2: {  	v1 =	vld.idx.msk [tilespmem:v0+s17+$0x1D0 ss:$0x1], $0xffff  }
0x1f3: {  	v2 =	vld.idx.msk [tilespmem:v0+s17+$0x50 ss:$0x1], $0xffff  }
0x1f4: {  	[tilespmem:s17+$0x17A40] =	vst.add.f32.msk $0xffff, v4  }
0x1f5: {  	v3 =	vld.idx.msk [tilespmem:v0+s17+$0xD0 ss:$0x1], $0xffff  }
0x1f6: {  	v4 =	vld.idx.msk [tilespmem:v0+s17+$0x150 ss:$0x1], $0xffff  }
0x1f7: {  	[tilespmem:s17+$0x17AD0] =	vst.add.f32.msk $0xffff, v1  }
0x1f8: {  	[tilespmem:s17+$0x17950] =	vst.add.f32.msk $0xffff, v2  }
0x1f9: {  	v1 =	vld.idx.msk [tilespmem:v0+s17+$0x1E0 ss:$0x1], $0xffff  }
0x1fa: {  	[tilespmem:s17+$0x179D0] =	vst.add.f32.msk $0xffff, v3  }
0x1fb: {  	[tilespmem:s17+$0x17A50] =	vst.add.f32.msk $0xffff, v4  }
0x1fc: {  	v2 =	vld.idx.msk [tilespmem:v0+s17+$0x60 ss:$0x1], $0xffff  }
0x1fd: {  	v5 =	vld.idx.msk [tilespmem:v0+s17+$0xE0 ss:$0x1], $0xffff  }
0x1fe: {  	[tilespmem:s17+$0x17AE0] =	vst.add.f32.msk $0xffff, v1  }
0x1ff: {  	v1 =	vld.idx.msk [tilespmem:v0+s17+$0x1F0 ss:$0x1], $0xffff  }
0x200: {  	v3 =	vld.idx.msk [tilespmem:v0+s17+$0x160 ss:$0x1], $0xffff  }
0x201: {  	[tilespmem:s17+$0x17960] =	vst.add.f32.msk $0xffff, v2  }
0x202: {  	[tilespmem:s17+$0x179E0] =	vst.add.f32.msk $0xffff, v5  }
0x203: {  	v2 =	vld.idx.msk [tilespmem:v0+s17+$0x70 ss:$0x1], $0xffff  }
0x204: {  	[tilespmem:s17+$0x17AF0] =	vst.add.f32.msk $0xffff, v1  }
0x205: {  	s3 =	simm.s32 $0x0;
	s18 =	simm.s32 $0x800;
	v1 =	vld.idx.msk [tilespmem:v0+s17+$0xF0 ss:$0x1], $0xffff  }
.LBB2_9:
0x206: {  	s21 =	sshra.s32 s18, $0x2;
	s3 =	sadd.s32 $0x4, s3;
	[tilespmem:s17+$0x17A60] =	vst.add.f32.msk $0xffff, v3  }
0x207: {  	v3 =	vld.idx.msk [tilespmem:v0+s21+$0x180 ss:$0x1], $0xffff;
	p0 =	slt.u32 s3, $0x7C  }
0x208: {  	v4 =	vld.idx.msk [tilespmem:v0+s21+$0x0 ss:$0x1], $0xffff  }
0x209: {  	v5 =	vld.idx.msk [tilespmem:v0+s21+$0x80 ss:$0x1], $0xffff  }
0x20a: {  	v6 =	vld.idx.msk [tilespmem:v0+s21+$0x100 ss:$0x1], $0xffff  }
0x20b: {  	v7 =	vld.idx.msk [tilespmem:v0+s17+$0x170 ss:$0x1], $0xffff  }
0x20c: {  	[tilespmem:s17+$0x17970] =	vst.add.f32.msk $0xffff, v2  }
0x20d: {  	[tilespmem:s21+$0x17A80] =	vst.add.f32.msk $0xffff, v3  }
0x20e: {  	v2 =	vld.idx.msk [tilespmem:v0+s21+$0x190 ss:$0x1], $0xffff  }
0x20f: {  	[tilespmem:s21+$0x17900] =	vst.add.f32.msk $0xffff, v4  }
0x210: {  	[tilespmem:s21+$0x17980] =	vst.add.f32.msk $0xffff, v5  }
0x211: {  	[tilespmem:s21+$0x17A00] =	vst.add.f32.msk $0xffff, v6  }
0x212: {  	v3 =	vld.idx.msk [tilespmem:v0+s21+$0x10 ss:$0x1], $0xffff  }
0x213: {  	v4 =	vld.idx.msk [tilespmem:v0+s21+$0x90 ss:$0x1], $0xffff  }
0x214: {  	[tilespmem:s21+$0x17A90] =	vst.add.f32.msk $0xffff, v2  }
0x215: {  	v2 =	vld.idx.msk [tilespmem:v0+s21+$0x1A0 ss:$0x1], $0xffff  }
0x216: {  	v5 =	vld.idx.msk [tilespmem:v0+s21+$0x110 ss:$0x1], $0xffff  }
0x217: {  	[tilespmem:s17+$0x179F0] =	vst.add.f32.msk $0xffff, v1  }
0x218: {  	[tilespmem:s21+$0x17910] =	vst.add.f32.msk $0xffff, v3  }
0x219: {  	[tilespmem:s21+$0x17990] =	vst.add.f32.msk $0xffff, v4  }
0x21a: {  	v1 =	vld.idx.msk [tilespmem:v0+s21+$0x20 ss:$0x1], $0xffff  }
0x21b: {  	[tilespmem:s21+$0x17AA0] =	vst.add.f32.msk $0xffff, v2  }
0x21c: {  	v2 =	vld.idx.msk [tilespmem:v0+s21+$0x1B0 ss:$0x1], $0xffff  }
0x21d: {  	[tilespmem:s21+$0x17A10] =	vst.add.f32.msk $0xffff, v5  }
0x21e: {  	v3 =	vld.idx.msk [tilespmem:v0+s21+$0xA0 ss:$0x1], $0xffff  }
0x21f: {  	v4 =	vld.idx.msk [tilespmem:v0+s21+$0x120 ss:$0x1], $0xffff  }
0x220: {  	[tilespmem:s21+$0x17920] =	vst.add.f32.msk $0xffff, v1  }
0x221: {  	v1 =	vld.idx.msk [tilespmem:v0+s21+$0x30 ss:$0x1], $0xffff  }
0x222: {  	[tilespmem:s21+$0x17AB0] =	vst.add.f32.msk $0xffff, v2  }
0x223: {  	v2 =	vld.idx.msk [tilespmem:v0+s21+$0x1C0 ss:$0x1], $0xffff  }
0x224: {  	[tilespmem:s21+$0x179A0] =	vst.add.f32.msk $0xffff, v3  }
0x225: {  	[tilespmem:s21+$0x17A20] =	vst.add.f32.msk $0xffff, v4  }
0x226: {  	v3 =	vld.idx.msk [tilespmem:v0+s21+$0xB0 ss:$0x1], $0xffff  }
0x227: {  	v4 =	vld.idx.msk [tilespmem:v0+s21+$0x130 ss:$0x1], $0xffff  }
0x228: {  	[tilespmem:s21+$0x17930] =	vst.add.f32.msk $0xffff, v1  }
0x229: {  	[tilespmem:s21+$0x17AC0] =	vst.add.f32.msk $0xffff, v2  }
0x22a: {  	v1 =	vld.idx.msk [tilespmem:v0+s21+$0x1D0 ss:$0x1], $0xffff  }
0x22b: {  	v2 =	vld.idx.msk [tilespmem:v0+s21+$0x40 ss:$0x1], $0xffff  }
0x22c: {  	[tilespmem:s21+$0x179B0] =	vst.add.f32.msk $0xffff, v3  }
0x22d: {  	[tilespmem:s21+$0x17A30] =	vst.add.f32.msk $0xffff, v4  }
0x22e: {  	v3 =	vld.idx.msk [tilespmem:v0+s21+$0xC0 ss:$0x1], $0xffff  }
0x22f: {  	v4 =	vld.idx.msk [tilespmem:v0+s21+$0x140 ss:$0x1], $0xffff  }
0x230: {  	[tilespmem:s21+$0x17AD0] =	vst.add.f32.msk $0xffff, v1  }
0x231: {  	v1 =	vld.idx.msk [tilespmem:v0+s21+$0x1E0 ss:$0x1], $0xffff  }
0x232: {  	[tilespmem:s21+$0x17940] =	vst.add.f32.msk $0xffff, v2  }
0x233: {  	v2 =	vld.idx.msk [tilespmem:v0+s21+$0x50 ss:$0x1], $0xffff  }
0x234: {  	[tilespmem:s21+$0x179C0] =	vst.add.f32.msk $0xffff, v3  }
0x235: {  	[tilespmem:s21+$0x17A40] =	vst.add.f32.msk $0xffff, v4  }
0x236: {  	v3 =	vld.idx.msk [tilespmem:v0+s21+$0xD0 ss:$0x1], $0xffff  }
0x237: {  	[tilespmem:s21+$0x17AE0] =	vst.add.f32.msk $0xffff, v1  }
0x238: {  	v1 =	vld.idx.msk [tilespmem:v0+s21+$0x1F0 ss:$0x1], $0xffff  }
0x239: {  	v4 =	vld.idx.msk [tilespmem:v0+s21+$0x150 ss:$0x1], $0xffff  }
0x23a: {  	[tilespmem:s21+$0x17950] =	vst.add.f32.msk $0xffff, v2  }
0x23b: {  	v2 =	vld.idx.msk [tilespmem:v0+s21+$0x60 ss:$0x1], $0xffff  }
0x23c: {  	[tilespmem:s21+$0x179D0] =	vst.add.f32.msk $0xffff, v3  }
0x23d: {  	v5 =	vld.idx.msk [tilespmem:v0+s21+$0xE0 ss:$0x1], $0xffff  }
0x23e: {  	[tilespmem:s21+$0x17AF0] =	vst.add.f32.msk $0xffff, v1  }
0x23f: {  	[tilespmem:s21+$0x17A50] =	vst.add.f32.msk $0xffff, v4  }
0x240: {  	v3 =	vld.idx.msk [tilespmem:v0+s21+$0x160 ss:$0x1], $0xffff  }
.Ltmp3:
0x241: {  	[tilespmem:s21+$0x17960] =	vst.add.f32.msk $0xffff, v2;
	(pc) =	sbr.rel @p0 .LBB2_9-.Ltmp3, $4  }
0x242: {  	v2 =	vld.idx.msk [tilespmem:v0+s21+$0x70 ss:$0x1], $0xffff  }
0x243: {  	[tilespmem:s21+$0x179E0] =	vst.add.f32.msk $0xffff, v5  }
0x244: {  	v1 =	vld.idx.msk [tilespmem:v0+s21+$0xF0 ss:$0x1], $0xffff  }
0x245: {  	s18 =	sadd.s32 $0x800, s18;
	[tilespmem:s17+$0x17A70] =	vst.add.f32.msk $0xffff, v7;
	s17 =	smov.u32 s21  }
0x246: {  	_ =	sdelay $0x2  }
0x247: {  	[tilespmem:s17+$0x17A60] =	vst.add.f32.msk $0xffff, v3  }
0x248: {  	v0 =	vld.idx.msk [tilespmem:v0+s17+$0x170 ss:$0x1], $0xffff;
	_ =	sdelay $0x2  }
0x249: {  	s3 =	sadd.s32 s4, s14;
	[tilespmem:s17+$0x17970] =	vst.add.f32.msk $0xffff, v2  }
0x24a: {  	s3 =	sshll.u32 s3, $0x4;
	[tilespmem:s17+$0x179F0] =	vst.add.f32.msk $0xffff, v1  }
0x24b: {  	s21 =	simm.s32 $0x0;
	s18 =	simm.s32 $0x17900;
	s3 =	sadd.s32 s2, s3;
	[tilespmem:s17+$0x17A70] =	vst.add.f32.msk $0xffff, v0  }
0x24c: {  	[hbm4b:s3+s21] =	stream.linear.scatter [tilespmem:s18], [sflag:$0x9], $0x4000, $0x38;
	[tilespmem:$0x1F900] =	vst v63  }
0x24d: {  	_ =	swait.ge [sflag:s29], $0x4000  }
0x24e: {  	[sflag:s29] =	ssyncset.done $0x0  }
0x24f: {  	s23 =	sadd.s32 $0x380, s20;
	v0 =	vmov s16;
	[sflag:s29] =	ssyncadd.s32 $0xFFFFC000  }
0x250: {  	[tilespmem:s22], [sflag:$0x3] =	stream.indirect.gather [hbm4b:s5+s19], $0x80, s23, s19, $0xb8;
	[tilespmem:$0x1F900] =	vst v63  }
0x251: {  	_ =	swait.ge [sflag:s30], $0x4000  }
0x252: {  	[sflag:s30] =	ssyncset.done $0x0  }
0x253: {  	s14 =	simm.s32 $0x0;
	[sflag:s30] =	ssyncadd.s32 $0xFFFFC000  }
0x254: {  	v1 =	vld.idx.msk [tilespmem:v0+s14+$0x180 ss:$0x1], $0xffff  }
0x255: {  	v2 =	vld.idx.msk [tilespmem:v0+s14+$0x0 ss:$0x1], $0xffff  }
0x256: {  	v3 =	vld.idx.msk [tilespmem:v0+s14+$0x80 ss:$0x1], $0xffff;
	_ =	sdelay $0x1  }
0x257: {  	v4 =	vld.idx.msk [tilespmem:v0+s14+$0x100 ss:$0x1], $0xffff  }
0x258: {  	[tilespmem:s14+$0x1BA80] =	vst.add.f32.msk $0xffff, v1  }
0x259: {  	[tilespmem:s14+$0x1B900] =	vst.add.f32.msk $0xffff, v2  }
0x25a: {  	[tilespmem:s14+$0x1B980] =	vst.add.f32.msk $0xffff, v3  }
0x25b: {  	v1 =	vld.idx.msk [tilespmem:v0+s14+$0x190 ss:$0x1], $0xffff  }
0x25c: {  	v2 =	vld.idx.msk [tilespmem:v0+s14+$0x10 ss:$0x1], $0xffff  }
0x25d: {  	v3 =	vld.idx.msk [tilespmem:v0+s14+$0x90 ss:$0x1], $0xffff  }
0x25e: {  	[tilespmem:s14+$0x1BA00] =	vst.add.f32.msk $0xffff, v4  }
0x25f: {  	v4 =	vld.idx.msk [tilespmem:v0+s14+$0x110 ss:$0x1], $0xffff  }
0x260: {  	[tilespmem:s14+$0x1BA90] =	vst.add.f32.msk $0xffff, v1  }
0x261: {  	[tilespmem:s14+$0x1B910] =	vst.add.f32.msk $0xffff, v2  }
0x262: {  	[tilespmem:s14+$0x1B990] =	vst.add.f32.msk $0xffff, v3  }
0x263: {  	v1 =	vld.idx.msk [tilespmem:v0+s14+$0x1A0 ss:$0x1], $0xffff  }
0x264: {  	v2 =	vld.idx.msk [tilespmem:v0+s14+$0x20 ss:$0x1], $0xffff  }
0x265: {  	v3 =	vld.idx.msk [tilespmem:v0+s14+$0xA0 ss:$0x1], $0xffff  }
0x266: {  	[tilespmem:s14+$0x1BA10] =	vst.add.f32.msk $0xffff, v4  }
0x267: {  	v4 =	vld.idx.msk [tilespmem:v0+s14+$0x120 ss:$0x1], $0xffff  }
0x268: {  	[tilespmem:s14+$0x1BAA0] =	vst.add.f32.msk $0xffff, v1  }
0x269: {  	[tilespmem:s14+$0x1B920] =	vst.add.f32.msk $0xffff, v2  }
0x26a: {  	[tilespmem:s14+$0x1B9A0] =	vst.add.f32.msk $0xffff, v3  }
0x26b: {  	v1 =	vld.idx.msk [tilespmem:v0+s14+$0x1B0 ss:$0x1], $0xffff  }
0x26c: {  	v2 =	vld.idx.msk [tilespmem:v0+s14+$0x30 ss:$0x1], $0xffff  }
0x26d: {  	v3 =	vld.idx.msk [tilespmem:v0+s14+$0xB0 ss:$0x1], $0xffff  }
0x26e: {  	[tilespmem:s14+$0x1BA20] =	vst.add.f32.msk $0xffff, v4  }
0x26f: {  	v4 =	vld.idx.msk [tilespmem:v0+s14+$0x130 ss:$0x1], $0xffff  }
0x270: {  	[tilespmem:s14+$0x1BAB0] =	vst.add.f32.msk $0xffff, v1  }
0x271: {  	[tilespmem:s14+$0x1B930] =	vst.add.f32.msk $0xffff, v2  }
0x272: {  	[tilespmem:s14+$0x1B9B0] =	vst.add.f32.msk $0xffff, v3  }
0x273: {  	v1 =	vld.idx.msk [tilespmem:v0+s14+$0x1C0 ss:$0x1], $0xffff  }
0x274: {  	v2 =	vld.idx.msk [tilespmem:v0+s14+$0x40 ss:$0x1], $0xffff  }
0x275: {  	v3 =	vld.idx.msk [tilespmem:v0+s14+$0xC0 ss:$0x1], $0xffff  }
0x276: {  	[tilespmem:s14+$0x1BA30] =	vst.add.f32.msk $0xffff, v4  }
0x277: {  	v4 =	vld.idx.msk [tilespmem:v0+s14+$0x140 ss:$0x1], $0xffff  }
0x278: {  	[tilespmem:s14+$0x1BAC0] =	vst.add.f32.msk $0xffff, v1  }
0x279: {  	[tilespmem:s14+$0x1B940] =	vst.add.f32.msk $0xffff, v2  }
0x27a: {  	[tilespmem:s14+$0x1B9C0] =	vst.add.f32.msk $0xffff, v3  }
0x27b: {  	v1 =	vld.idx.msk [tilespmem:v0+s14+$0x1D0 ss:$0x1], $0xffff  }
0x27c: {  	v2 =	vld.idx.msk [tilespmem:v0+s14+$0x50 ss:$0x1], $0xffff  }
0x27d: {  	[tilespmem:s14+$0x1BA40] =	vst.add.f32.msk $0xffff, v4  }
0x27e: {  	v3 =	vld.idx.msk [tilespmem:v0+s14+$0xD0 ss:$0x1], $0xffff  }
0x27f: {  	v4 =	vld.idx.msk [tilespmem:v0+s14+$0x150 ss:$0x1], $0xffff  }
0x280: {  	[tilespmem:s14+$0x1BAD0] =	vst.add.f32.msk $0xffff, v1  }
0x281: {  	[tilespmem:s14+$0x1B950] =	vst.add.f32.msk $0xffff, v2  }
0x282: {  	v1 =	vld.idx.msk [tilespmem:v0+s14+$0x1E0 ss:$0x1], $0xffff  }
0x283: {  	[tilespmem:s14+$0x1B9D0] =	vst.add.f32.msk $0xffff, v3  }
0x284: {  	[tilespmem:s14+$0x1BA50] =	vst.add.f32.msk $0xffff, v4  }
0x285: {  	v2 =	vld.idx.msk [tilespmem:v0+s14+$0x60 ss:$0x1], $0xffff  }
0x286: {  	v5 =	vld.idx.msk [tilespmem:v0+s14+$0xE0 ss:$0x1], $0xffff  }
0x287: {  	[tilespmem:s14+$0x1BAE0] =	vst.add.f32.msk $0xffff, v1  }
0x288: {  	v1 =	vld.idx.msk [tilespmem:v0+s14+$0x1F0 ss:$0x1], $0xffff  }
0x289: {  	v3 =	vld.idx.msk [tilespmem:v0+s14+$0x160 ss:$0x1], $0xffff  }
0x28a: {  	[tilespmem:s14+$0x1B960] =	vst.add.f32.msk $0xffff, v2  }
0x28b: {  	[tilespmem:s14+$0x1B9E0] =	vst.add.f32.msk $0xffff, v5  }
0x28c: {  	v2 =	vld.idx.msk [tilespmem:v0+s14+$0x70 ss:$0x1], $0xffff  }
0x28d: {  	[tilespmem:s14+$0x1BAF0] =	vst.add.f32.msk $0xffff, v1  }
0x28e: {  	s16 =	simm.s32 $0x800;
	s3 =	simm.s32 $0x0;
	v1 =	vld.idx.msk [tilespmem:v0+s14+$0xF0 ss:$0x1], $0xffff  }
.LBB2_11:
0x28f: {  	s17 =	sshra.s32 s16, $0x2;
	s3 =	sadd.s32 $0x4, s3;
	[tilespmem:s14+$0x1BA60] =	vst.add.f32.msk $0xffff, v3  }
0x290: {  	v3 =	vld.idx.msk [tilespmem:v0+s17+$0x180 ss:$0x1], $0xffff;
	p0 =	slt.u32 s3, $0x7C  }
0x291: {  	v4 =	vld.idx.msk [tilespmem:v0+s17+$0x0 ss:$0x1], $0xffff  }
0x292: {  	v5 =	vld.idx.msk [tilespmem:v0+s17+$0x80 ss:$0x1], $0xffff  }
0x293: {  	v6 =	vld.idx.msk [tilespmem:v0+s17+$0x100 ss:$0x1], $0xffff  }
0x294: {  	v7 =	vld.idx.msk [tilespmem:v0+s14+$0x170 ss:$0x1], $0xffff  }
0x295: {  	[tilespmem:s14+$0x1B970] =	vst.add.f32.msk $0xffff, v2  }
0x296: {  	[tilespmem:s17+$0x1BA80] =	vst.add.f32.msk $0xffff, v3  }
0x297: {  	v2 =	vld.idx.msk [tilespmem:v0+s17+$0x190 ss:$0x1], $0xffff  }
0x298: {  	[tilespmem:s17+$0x1B900] =	vst.add.f32.msk $0xffff, v4  }
0x299: {  	[tilespmem:s17+$0x1B980] =	vst.add.f32.msk $0xffff, v5  }
0x29a: {  	[tilespmem:s17+$0x1BA00] =	vst.add.f32.msk $0xffff, v6  }
0x29b: {  	v3 =	vld.idx.msk [tilespmem:v0+s17+$0x10 ss:$0x1], $0xffff  }
0x29c: {  	v4 =	vld.idx.msk [tilespmem:v0+s17+$0x90 ss:$0x1], $0xffff  }
0x29d: {  	[tilespmem:s17+$0x1BA90] =	vst.add.f32.msk $0xffff, v2  }
0x29e: {  	v2 =	vld.idx.msk [tilespmem:v0+s17+$0x1A0 ss:$0x1], $0xffff  }
0x29f: {  	v5 =	vld.idx.msk [tilespmem:v0+s17+$0x110 ss:$0x1], $0xffff  }
0x2a0: {  	[tilespmem:s14+$0x1B9F0] =	vst.add.f32.msk $0xffff, v1  }
0x2a1: {  	[tilespmem:s17+$0x1B910] =	vst.add.f32.msk $0xffff, v3  }
0x2a2: {  	[tilespmem:s17+$0x1B990] =	vst.add.f32.msk $0xffff, v4  }
0x2a3: {  	v1 =	vld.idx.msk [tilespmem:v0+s17+$0x20 ss:$0x1], $0xffff  }
0x2a4: {  	[tilespmem:s17+$0x1BAA0] =	vst.add.f32.msk $0xffff, v2  }
0x2a5: {  	v2 =	vld.idx.msk [tilespmem:v0+s17+$0x1B0 ss:$0x1], $0xffff  }
0x2a6: {  	[tilespmem:s17+$0x1BA10] =	vst.add.f32.msk $0xffff, v5  }
0x2a7: {  	v3 =	vld.idx.msk [tilespmem:v0+s17+$0xA0 ss:$0x1], $0xffff  }
0x2a8: {  	v4 =	vld.idx.msk [tilespmem:v0+s17+$0x120 ss:$0x1], $0xffff  }
0x2a9: {  	[tilespmem:s17+$0x1B920] =	vst.add.f32.msk $0xffff, v1  }
0x2aa: {  	v1 =	vld.idx.msk [tilespmem:v0+s17+$0x30 ss:$0x1], $0xffff  }
0x2ab: {  	[tilespmem:s17+$0x1BAB0] =	vst.add.f32.msk $0xffff, v2  }
0x2ac: {  	v2 =	vld.idx.msk [tilespmem:v0+s17+$0x1C0 ss:$0x1], $0xffff  }
0x2ad: {  	[tilespmem:s17+$0x1B9A0] =	vst.add.f32.msk $0xffff, v3  }
0x2ae: {  	[tilespmem:s17+$0x1BA20] =	vst.add.f32.msk $0xffff, v4  }
0x2af: {  	v3 =	vld.idx.msk [tilespmem:v0+s17+$0xB0 ss:$0x1], $0xffff  }
0x2b0: {  	v4 =	vld.idx.msk [tilespmem:v0+s17+$0x130 ss:$0x1], $0xffff  }
0x2b1: {  	[tilespmem:s17+$0x1B930] =	vst.add.f32.msk $0xffff, v1  }
0x2b2: {  	[tilespmem:s17+$0x1BAC0] =	vst.add.f32.msk $0xffff, v2  }
0x2b3: {  	v1 =	vld.idx.msk [tilespmem:v0+s17+$0x1D0 ss:$0x1], $0xffff  }
0x2b4: {  	v2 =	vld.idx.msk [tilespmem:v0+s17+$0x40 ss:$0x1], $0xffff  }
0x2b5: {  	[tilespmem:s17+$0x1B9B0] =	vst.add.f32.msk $0xffff, v3  }
0x2b6: {  	[tilespmem:s17+$0x1BA30] =	vst.add.f32.msk $0xffff, v4  }
0x2b7: {  	v3 =	vld.idx.msk [tilespmem:v0+s17+$0xC0 ss:$0x1], $0xffff  }
0x2b8: {  	v4 =	vld.idx.msk [tilespmem:v0+s17+$0x140 ss:$0x1], $0xffff  }
0x2b9: {  	[tilespmem:s17+$0x1BAD0] =	vst.add.f32.msk $0xffff, v1  }
0x2ba: {  	v1 =	vld.idx.msk [tilespmem:v0+s17+$0x1E0 ss:$0x1], $0xffff  }
0x2bb: {  	[tilespmem:s17+$0x1B940] =	vst.add.f32.msk $0xffff, v2  }
0x2bc: {  	v2 =	vld.idx.msk [tilespmem:v0+s17+$0x50 ss:$0x1], $0xffff  }
0x2bd: {  	[tilespmem:s17+$0x1B9C0] =	vst.add.f32.msk $0xffff, v3  }
0x2be: {  	[tilespmem:s17+$0x1BA40] =	vst.add.f32.msk $0xffff, v4  }
0x2bf: {  	v3 =	vld.idx.msk [tilespmem:v0+s17+$0xD0 ss:$0x1], $0xffff  }
0x2c0: {  	[tilespmem:s17+$0x1BAE0] =	vst.add.f32.msk $0xffff, v1  }
0x2c1: {  	v1 =	vld.idx.msk [tilespmem:v0+s17+$0x1F0 ss:$0x1], $0xffff  }
0x2c2: {  	v4 =	vld.idx.msk [tilespmem:v0+s17+$0x150 ss:$0x1], $0xffff  }
0x2c3: {  	[tilespmem:s17+$0x1B950] =	vst.add.f32.msk $0xffff, v2  }
0x2c4: {  	v2 =	vld.idx.msk [tilespmem:v0+s17+$0x60 ss:$0x1], $0xffff  }
0x2c5: {  	[tilespmem:s17+$0x1B9D0] =	vst.add.f32.msk $0xffff, v3  }
0x2c6: {  	v5 =	vld.idx.msk [tilespmem:v0+s17+$0xE0 ss:$0x1], $0xffff  }
0x2c7: {  	[tilespmem:s17+$0x1BAF0] =	vst.add.f32.msk $0xffff, v1  }
0x2c8: {  	[tilespmem:s17+$0x1BA50] =	vst.add.f32.msk $0xffff, v4  }
0x2c9: {  	v3 =	vld.idx.msk [tilespmem:v0+s17+$0x160 ss:$0x1], $0xffff  }
.Ltmp4:
0x2ca: {  	[tilespmem:s17+$0x1B960] =	vst.add.f32.msk $0xffff, v2;
	(pc) =	sbr.rel @p0 .LBB2_11-.Ltmp4, $4  }
0x2cb: {  	v2 =	vld.idx.msk [tilespmem:v0+s17+$0x70 ss:$0x1], $0xffff  }
0x2cc: {  	[tilespmem:s17+$0x1B9E0] =	vst.add.f32.msk $0xffff, v5  }
0x2cd: {  	v1 =	vld.idx.msk [tilespmem:v0+s17+$0xF0 ss:$0x1], $0xffff  }
0x2ce: {  	s16 =	sadd.s32 $0x800, s16;
	[tilespmem:s14+$0x1BA70] =	vst.add.f32.msk $0xffff, v7;
	s14 =	smov.u32 s17  }
0x2cf: {  	_ =	sdelay $0x2  }
0x2d0: {  	[tilespmem:s14+$0x1BA60] =	vst.add.f32.msk $0xffff, v3  }
0x2d1: {  	s1 =	sadd.s32 s4, s1;
	s3 =	simm.s32 $0x1B900;
	s0 =	sadd.s32 $0x1, s0;
	v0 =	vld.idx.msk [tilespmem:v0+s14+$0x170 ss:$0x1], $0xffff  }
0x2d2: {  	s15 =	sadd.s32 $0x14000, s15;
	s31 =	sadd.s32 $0x280, s31;
	p0 =	sne.s32 s0, $0x9  }
.Ltmp5:
0x2d3: {  	s8 =	sadd.s32 $0x14000, s8;
	s6 =	sadd.s32 $0x280, s6;
	(pc) =	sbr.rel @p0 .LBB2_2-.Ltmp5, $4  }
0x2d4: {  	s9 =	sadd.s32 $0x14000, s9;
	s7 =	sadd.s32 $0x280, s7;
	s10 =	sadd.s32 $0x14000, s10;
	[tilespmem:s14+$0x1B970] =	vst.add.f32.msk $0xffff, v2  }
0x2d5: {  	s11 =	sadd.s32 $0x280, s11;
	s12 =	sadd.s32 $0x14000, s12;
	s1 =	sshll.u32 s1, $0x4;
	[tilespmem:s14+$0x1B9F0] =	vst.add.f32.msk $0xffff, v1  }
0x2d6: {  	s13 =	sadd.s32 $0x280, s13;
	s1 =	sadd.s32 s2, s1;
	[tilespmem:s14+$0x1BA70] =	vst.add.f32.msk $0xffff, v0;
	s14 =	simm.s32 $0x0  }
0x2d7: {  	[hbm4b:s1+s14] =	stream.linear.scatter [tilespmem:s3], [sflag:$0xA], $0x4000, $0x38;
	[tilespmem:$0x1F900] =	vst v63  }
0x2d8: {  	s6 =	simm.s32 $0x9  }
0x2d9: {  	_ =	swait.ge [sflag:s6], $0x4000  }
0x2da: {  	[sflag:s6] =	ssyncset.done $0x0  }
0x2db: {  	s0 =	simm.s32 $0x1800;
	s31 =	simm.s32 $0x1;
	[sflag:s6] =	ssyncadd.s32 $0xFFFFC000  }
0x2dc: {  	[tilespmem:s18], [sflag:$0x4] =	stream.indirect.gather [hbm4b:s5+s19], $0x80, s0, s19, $0xb8;
	[tilespmem:$0x1F900] =	vst v63  }
0x2dd: {  	_ =	swait.ge [sflag:s31], $0x4000  }
0x2de: {  	[sflag:s31] =	ssyncset.done $0x0  }
0x2df: {  	s0 =	simm.s32 $0x0;
	[sflag:s31] =	ssyncadd.s32 $0xFFFFC000  }
0x2e0: {  	v0 =	vld [tilespmem:s0+$0x6AF0]  }
0x2e1: {  	v1 =	vld [tilespmem:s0+$0x6900]  }
0x2e2: {  	v2 =	vld [tilespmem:s0+$0x6910]  }
0x2e3: {  	v3 =	vld [tilespmem:s0+$0x6920]  }
0x2e4: {  	v4 =	vld [tilespmem:s0+$0x6930]  }
0x2e5: {  	v5 =	vld [tilespmem:s0+$0x6940]  }
0x2e6: {  	v6 =	vld [tilespmem:s0+$0x6950]  }
0x2e7: {  	v7 =	vld [tilespmem:s0+$0x6960]  }
0x2e8: {  	v8 =	vld [tilespmem:s0+$0x6970]  }
0x2e9: {  	v9 =	vld [tilespmem:s0+$0x6980]  }
0x2ea: {  	v10 =	vld [tilespmem:s0+$0x6990]  }
0x2eb: {  	v11 =	vld [tilespmem:s0+$0x69A0]  }
0x2ec: {  	v12 =	vld [tilespmem:s0+$0x69B0]  }
0x2ed: {  	v13 =	vld [tilespmem:s0+$0x69C0]  }
0x2ee: {  	v14 =	vld [tilespmem:s0+$0x69D0]  }
0x2ef: {  	v15 =	vld [tilespmem:s0+$0x69E0]  }
0x2f0: {  	v16 =	vld [tilespmem:s0+$0x69F0]  }
0x2f1: {  	v17 =	vld [tilespmem:s0+$0x6A00]  }
0x2f2: {  	v18 =	vld [tilespmem:s0+$0x6A10]  }
0x2f3: {  	v19 =	vld [tilespmem:s0+$0x6A20]  }
0x2f4: {  	v20 =	vld [tilespmem:s0+$0x6A30]  }
0x2f5: {  	v21 =	vld [tilespmem:s0+$0x6A40]  }
0x2f6: {  	v22 =	vld [tilespmem:s0+$0x6A50]  }
0x2f7: {  	v23 =	vld [tilespmem:s0+$0x6A60]  }
0x2f8: {  	v24 =	vld [tilespmem:s0+$0x6A70]  }
0x2f9: {  	v25 =	vld [tilespmem:s0+$0x6A80]  }
0x2fa: {  	v26 =	vld [tilespmem:s0+$0x6A90]  }
0x2fb: {  	v27 =	vld [tilespmem:s0+$0x6AA0]  }
0x2fc: {  	v28 =	vld [tilespmem:s0+$0x6AB0]  }
0x2fd: {  	v29 =	vld [tilespmem:s0+$0x6AC0]  }
0x2fe: {  	v30 =	vld [tilespmem:s0+$0x6AD0]  }
0x2ff: {  	[tilespmem:s0+$0xBAF0] =	vst.add.f32.msk $0xffff, v0  }
0x300: {  	v0 =	vld [tilespmem:s0+$0x6AE0]  }
0x301: {  	[tilespmem:s0+$0xB900] =	vst.add.f32.msk $0xffff, v1  }
0x302: {  	[tilespmem:s0+$0xB910] =	vst.add.f32.msk $0xffff, v2  }
0x303: {  	[tilespmem:s0+$0xB920] =	vst.add.f32.msk $0xffff, v3  }
0x304: {  	[tilespmem:s0+$0xB930] =	vst.add.f32.msk $0xffff, v4  }
0x305: {  	[tilespmem:s0+$0xB940] =	vst.add.f32.msk $0xffff, v5  }
0x306: {  	[tilespmem:s0+$0xB950] =	vst.add.f32.msk $0xffff, v6  }
0x307: {  	[tilespmem:s0+$0xB960] =	vst.add.f32.msk $0xffff, v7  }
0x308: {  	[tilespmem:s0+$0xB970] =	vst.add.f32.msk $0xffff, v8  }
0x309: {  	[tilespmem:s0+$0xB980] =	vst.add.f32.msk $0xffff, v9  }
0x30a: {  	[tilespmem:s0+$0xB990] =	vst.add.f32.msk $0xffff, v10  }
0x30b: {  	[tilespmem:s0+$0xB9A0] =	vst.add.f32.msk $0xffff, v11  }
0x30c: {  	[tilespmem:s0+$0xB9B0] =	vst.add.f32.msk $0xffff, v12  }
0x30d: {  	[tilespmem:s0+$0xB9C0] =	vst.add.f32.msk $0xffff, v13  }
0x30e: {  	[tilespmem:s0+$0xB9D0] =	vst.add.f32.msk $0xffff, v14  }
0x30f: {  	[tilespmem:s0+$0xB9E0] =	vst.add.f32.msk $0xffff, v15  }
0x310: {  	[tilespmem:s0+$0xB9F0] =	vst.add.f32.msk $0xffff, v16  }
0x311: {  	[tilespmem:s0+$0xBA00] =	vst.add.f32.msk $0xffff, v17  }
0x312: {  	[tilespmem:s0+$0xBA10] =	vst.add.f32.msk $0xffff, v18  }
0x313: {  	[tilespmem:s0+$0xBA20] =	vst.add.f32.msk $0xffff, v19  }
0x314: {  	[tilespmem:s0+$0xBA30] =	vst.add.f32.msk $0xffff, v20  }
0x315: {  	[tilespmem:s0+$0xBA40] =	vst.add.f32.msk $0xffff, v21  }
0x316: {  	[tilespmem:s0+$0xBA50] =	vst.add.f32.msk $0xffff, v22  }
0x317: {  	[tilespmem:s0+$0xBA60] =	vst.add.f32.msk $0xffff, v23  }
0x318: {  	[tilespmem:s0+$0xBA70] =	vst.add.f32.msk $0xffff, v24  }
0x319: {  	[tilespmem:s0+$0xBA80] =	vst.add.f32.msk $0xffff, v25  }
0x31a: {  	[tilespmem:s0+$0xBA90] =	vst.add.f32.msk $0xffff, v26  }
0x31b: {  	[tilespmem:s0+$0xBAA0] =	vst.add.f32.msk $0xffff, v27  }
0x31c: {  	[tilespmem:s0+$0xBAB0] =	vst.add.f32.msk $0xffff, v28  }
0x31d: {  	[tilespmem:s0+$0xBAC0] =	vst.add.f32.msk $0xffff, v29  }
0x31e: {  	s1 =	simm.s32 $0x0;
	s3 =	simm.s32 $0x800;
	[tilespmem:s0+$0xBAD0] =	vst.add.f32.msk $0xffff, v30  }
.LBB2_14:
0x31f: {  	s1 =	sadd.s32 $0x4, s1;
	[tilespmem:s0+$0xBAE0] =	vst.add.f32.msk $0xffff, v0;
	s0 =	sshra.s32 s3, $0x2  }
0x320: {  	v0 =	vld [tilespmem:s0+$0x6AF0];
	p0 =	slt.u32 s1, $0x7C  }
0x321: {  	v1 =	vld [tilespmem:s0+$0x6900]  }
0x322: {  	v2 =	vld [tilespmem:s0+$0x6910]  }
0x323: {  	v3 =	vld [tilespmem:s0+$0x6920]  }
0x324: {  	v4 =	vld [tilespmem:s0+$0x6930]  }
0x325: {  	[tilespmem:s0+$0xBAF0] =	vst.add.f32.msk $0xffff, v0  }
0x326: {  	v5 =	vld [tilespmem:s0+$0x6940]  }
0x327: {  	v6 =	vld [tilespmem:s0+$0x6950]  }
0x328: {  	v7 =	vld [tilespmem:s0+$0x6960]  }
0x329: {  	v8 =	vld [tilespmem:s0+$0x6970]  }
0x32a: {  	v9 =	vld [tilespmem:s0+$0x6980]  }
0x32b: {  	v10 =	vld [tilespmem:s0+$0x6990]  }
0x32c: {  	v11 =	vld [tilespmem:s0+$0x69A0]  }
0x32d: {  	v12 =	vld [tilespmem:s0+$0x69B0]  }
0x32e: {  	v13 =	vld [tilespmem:s0+$0x69C0]  }
0x32f: {  	v14 =	vld [tilespmem:s0+$0x69D0]  }
0x330: {  	v15 =	vld [tilespmem:s0+$0x69E0]  }
0x331: {  	v16 =	vld [tilespmem:s0+$0x69F0]  }
0x332: {  	v17 =	vld [tilespmem:s0+$0x6A00]  }
0x333: {  	v18 =	vld [tilespmem:s0+$0x6A10]  }
0x334: {  	v19 =	vld [tilespmem:s0+$0x6A20]  }
0x335: {  	v20 =	vld [tilespmem:s0+$0x6A30]  }
0x336: {  	v21 =	vld [tilespmem:s0+$0x6A40]  }
0x337: {  	v22 =	vld [tilespmem:s0+$0x6A50]  }
0x338: {  	v23 =	vld [tilespmem:s0+$0x6A60]  }
0x339: {  	v24 =	vld [tilespmem:s0+$0x6A70]  }
0x33a: {  	v25 =	vld [tilespmem:s0+$0x6A80]  }
0x33b: {  	v26 =	vld [tilespmem:s0+$0x6A90]  }
0x33c: {  	v27 =	vld [tilespmem:s0+$0x6AA0]  }
0x33d: {  	v28 =	vld [tilespmem:s0+$0x6AB0]  }
0x33e: {  	v29 =	vld [tilespmem:s0+$0x6AC0]  }
0x33f: {  	v30 =	vld [tilespmem:s0+$0x6AD0]  }
0x340: {  	v0 =	vld [tilespmem:s0+$0x6AE0]  }
0x341: {  	[tilespmem:s0+$0xB900] =	vst.add.f32.msk $0xffff, v1  }
0x342: {  	[tilespmem:s0+$0xB910] =	vst.add.f32.msk $0xffff, v2  }
0x343: {  	[tilespmem:s0+$0xB920] =	vst.add.f32.msk $0xffff, v3  }
0x344: {  	[tilespmem:s0+$0xB930] =	vst.add.f32.msk $0xffff, v4  }
0x345: {  	[tilespmem:s0+$0xB940] =	vst.add.f32.msk $0xffff, v5  }
0x346: {  	[tilespmem:s0+$0xB950] =	vst.add.f32.msk $0xffff, v6  }
0x347: {  	[tilespmem:s0+$0xB960] =	vst.add.f32.msk $0xffff, v7  }
0x348: {  	[tilespmem:s0+$0xB970] =	vst.add.f32.msk $0xffff, v8  }
0x349: {  	[tilespmem:s0+$0xB980] =	vst.add.f32.msk $0xffff, v9  }
0x34a: {  	[tilespmem:s0+$0xB990] =	vst.add.f32.msk $0xffff, v10  }
0x34b: {  	[tilespmem:s0+$0xB9A0] =	vst.add.f32.msk $0xffff, v11  }
0x34c: {  	[tilespmem:s0+$0xB9B0] =	vst.add.f32.msk $0xffff, v12  }
0x34d: {  	[tilespmem:s0+$0xB9C0] =	vst.add.f32.msk $0xffff, v13  }
0x34e: {  	[tilespmem:s0+$0xB9D0] =	vst.add.f32.msk $0xffff, v14  }
0x34f: {  	[tilespmem:s0+$0xB9E0] =	vst.add.f32.msk $0xffff, v15  }
0x350: {  	[tilespmem:s0+$0xB9F0] =	vst.add.f32.msk $0xffff, v16  }
0x351: {  	[tilespmem:s0+$0xBA00] =	vst.add.f32.msk $0xffff, v17  }
0x352: {  	[tilespmem:s0+$0xBA10] =	vst.add.f32.msk $0xffff, v18  }
0x353: {  	[tilespmem:s0+$0xBA20] =	vst.add.f32.msk $0xffff, v19  }
0x354: {  	[tilespmem:s0+$0xBA30] =	vst.add.f32.msk $0xffff, v20  }
0x355: {  	[tilespmem:s0+$0xBA40] =	vst.add.f32.msk $0xffff, v21  }
0x356: {  	[tilespmem:s0+$0xBA50] =	vst.add.f32.msk $0xffff, v22  }
0x357: {  	[tilespmem:s0+$0xBA60] =	vst.add.f32.msk $0xffff, v23  }
0x358: {  	[tilespmem:s0+$0xBA70] =	vst.add.f32.msk $0xffff, v24  }
0x359: {  	[tilespmem:s0+$0xBA80] =	vst.add.f32.msk $0xffff, v25  }
.Ltmp6:
0x35a: {  	[tilespmem:s0+$0xBA90] =	vst.add.f32.msk $0xffff, v26;
	(pc) =	sbr.rel @p0 .LBB2_14-.Ltmp6, $4  }
0x35b: {  	[tilespmem:s0+$0xBAA0] =	vst.add.f32.msk $0xffff, v27  }
0x35c: {  	[tilespmem:s0+$0xBAB0] =	vst.add.f32.msk $0xffff, v28  }
0x35d: {  	[tilespmem:s0+$0xBAC0] =	vst.add.f32.msk $0xffff, v29  }
0x35e: {  	s3 =	sadd.s32 $0x800, s3;
	[tilespmem:s0+$0xBAD0] =	vst.add.f32.msk $0xffff, v30  }
0x35f: {  	[tilespmem:s0+$0xBAE0] =	vst.add.f32.msk $0xffff, v0  }
0x360: {  	s20 =	simm.s32 $0x0;
	s7 =	simm.s32 $0xA;
	s1 =	rddreg [dreg:$0x5]  }
0x361: {  	[hbm4b:s1+s20] =	stream.linear.scatter [tilespmem:s25], [sflag:$0x6], $0x4000, $0x38;
	[tilespmem:$0x1F900] =	vst v63  }
0x362: {  	_ =	swait.ge [sflag:s7], $0x4000  }
0x363: {  	s21 =	simm.s32 $0x1B900;
	[sflag:s7] =	ssyncset.done $0x0  }
0x364: {  	s23 =	simm.s32 $0x1880;
	s31 =	simm.s32 $0x2;
	[sflag:s7] =	ssyncadd.s32 $0xFFFFC000  }
0x365: {  	[tilespmem:s21], [sflag:$0x5] =	stream.indirect.gather [hbm4b:s5+s19], $0x80, s23, s19, $0xb8;
	[tilespmem:$0x1F900] =	vst v63  }
0x366: {  	_ =	swait.ge [sflag:s31], $0x4000  }
0x367: {  	[sflag:s31] =	ssyncset.done $0x0  }
0x368: {  	s0 =	simm.s32 $0x0;
	[sflag:s31] =	ssyncadd.s32 $0xFFFFC000  }
0x369: {  	v0 =	vld [tilespmem:s0+$0x46F0]  }
0x36a: {  	v1 =	vld [tilespmem:s0+$0x4500]  }
0x36b: {  	v2 =	vld [tilespmem:s0+$0x4510]  }
0x36c: {  	v3 =	vld [tilespmem:s0+$0x4520]  }
0x36d: {  	v4 =	vld [tilespmem:s0+$0x4530]  }
0x36e: {  	v5 =	vld [tilespmem:s0+$0x4540]  }
0x36f: {  	v6 =	vld [tilespmem:s0+$0x4550]  }
0x370: {  	v7 =	vld [tilespmem:s0+$0x4560]  }
0x371: {  	v8 =	vld [tilespmem:s0+$0x4570]  }
0x372: {  	v9 =	vld [tilespmem:s0+$0x4580]  }
0x373: {  	v10 =	vld [tilespmem:s0+$0x4590]  }
0x374: {  	v11 =	vld [tilespmem:s0+$0x45A0]  }
0x375: {  	v12 =	vld [tilespmem:s0+$0x45B0]  }
0x376: {  	v13 =	vld [tilespmem:s0+$0x45C0]  }
0x377: {  	v14 =	vld [tilespmem:s0+$0x45D0]  }
0x378: {  	v15 =	vld [tilespmem:s0+$0x45E0]  }
0x379: {  	v16 =	vld [tilespmem:s0+$0x45F0]  }
0x37a: {  	v17 =	vld [tilespmem:s0+$0x4600]  }
0x37b: {  	v18 =	vld [tilespmem:s0+$0x4610]  }
0x37c: {  	v19 =	vld [tilespmem:s0+$0x4620]  }
0x37d: {  	v20 =	vld [tilespmem:s0+$0x4630]  }
0x37e: {  	v21 =	vld [tilespmem:s0+$0x4640]  }
0x37f: {  	v22 =	vld [tilespmem:s0+$0x4650]  }
0x380: {  	v23 =	vld [tilespmem:s0+$0x4660]  }
0x381: {  	v24 =	vld [tilespmem:s0+$0x4670]  }
0x382: {  	v25 =	vld [tilespmem:s0+$0x4680]  }
0x383: {  	v26 =	vld [tilespmem:s0+$0x4690]  }
0x384: {  	v27 =	vld [tilespmem:s0+$0x46A0]  }
0x385: {  	v28 =	vld [tilespmem:s0+$0x46B0]  }
0x386: {  	v29 =	vld [tilespmem:s0+$0x46C0]  }
0x387: {  	v30 =	vld [tilespmem:s0+$0x46D0]  }
0x388: {  	[tilespmem:s0+$0xFAF0] =	vst.add.f32.msk $0xffff, v0  }
0x389: {  	v0 =	vld [tilespmem:s0+$0x46E0]  }
0x38a: {  	[tilespmem:s0+$0xF900] =	vst.add.f32.msk $0xffff, v1  }
0x38b: {  	[tilespmem:s0+$0xF910] =	vst.add.f32.msk $0xffff, v2  }
0x38c: {  	[tilespmem:s0+$0xF920] =	vst.add.f32.msk $0xffff, v3  }
0x38d: {  	[tilespmem:s0+$0xF930] =	vst.add.f32.msk $0xffff, v4  }
0x38e: {  	[tilespmem:s0+$0xF940] =	vst.add.f32.msk $0xffff, v5  }
0x38f: {  	[tilespmem:s0+$0xF950] =	vst.add.f32.msk $0xffff, v6  }
0x390: {  	[tilespmem:s0+$0xF960] =	vst.add.f32.msk $0xffff, v7  }
0x391: {  	[tilespmem:s0+$0xF970] =	vst.add.f32.msk $0xffff, v8  }
0x392: {  	[tilespmem:s0+$0xF980] =	vst.add.f32.msk $0xffff, v9  }
0x393: {  	[tilespmem:s0+$0xF990] =	vst.add.f32.msk $0xffff, v10  }
0x394: {  	[tilespmem:s0+$0xF9A0] =	vst.add.f32.msk $0xffff, v11  }
0x395: {  	[tilespmem:s0+$0xF9B0] =	vst.add.f32.msk $0xffff, v12  }
0x396: {  	[tilespmem:s0+$0xF9C0] =	vst.add.f32.msk $0xffff, v13  }
0x397: {  	[tilespmem:s0+$0xF9D0] =	vst.add.f32.msk $0xffff, v14  }
0x398: {  	[tilespmem:s0+$0xF9E0] =	vst.add.f32.msk $0xffff, v15  }
0x399: {  	[tilespmem:s0+$0xF9F0] =	vst.add.f32.msk $0xffff, v16  }
0x39a: {  	[tilespmem:s0+$0xFA00] =	vst.add.f32.msk $0xffff, v17  }
0x39b: {  	[tilespmem:s0+$0xFA10] =	vst.add.f32.msk $0xffff, v18  }
0x39c: {  	[tilespmem:s0+$0xFA20] =	vst.add.f32.msk $0xffff, v19  }
0x39d: {  	[tilespmem:s0+$0xFA30] =	vst.add.f32.msk $0xffff, v20  }
0x39e: {  	[tilespmem:s0+$0xFA40] =	vst.add.f32.msk $0xffff, v21  }
0x39f: {  	[tilespmem:s0+$0xFA50] =	vst.add.f32.msk $0xffff, v22  }
0x3a0: {  	[tilespmem:s0+$0xFA60] =	vst.add.f32.msk $0xffff, v23  }
0x3a1: {  	[tilespmem:s0+$0xFA70] =	vst.add.f32.msk $0xffff, v24  }
0x3a2: {  	[tilespmem:s0+$0xFA80] =	vst.add.f32.msk $0xffff, v25  }
0x3a3: {  	[tilespmem:s0+$0xFA90] =	vst.add.f32.msk $0xffff, v26  }
0x3a4: {  	[tilespmem:s0+$0xFAA0] =	vst.add.f32.msk $0xffff, v27  }
0x3a5: {  	[tilespmem:s0+$0xFAB0] =	vst.add.f32.msk $0xffff, v28  }
0x3a6: {  	[tilespmem:s0+$0xFAC0] =	vst.add.f32.msk $0xffff, v29  }
0x3a7: {  	s3 =	simm.s32 $0x800;
	s1 =	simm.s32 $0x0;
	[tilespmem:s0+$0xFAD0] =	vst.add.f32.msk $0xffff, v30  }
.LBB2_16:
0x3a8: {  	s1 =	sadd.s32 $0x4, s1;
	[tilespmem:s0+$0xFAE0] =	vst.add.f32.msk $0xffff, v0;
	s0 =	sshra.s32 s3, $0x2  }
0x3a9: {  	v0 =	vld [tilespmem:s0+$0x46F0];
	p0 =	slt.u32 s1, $0x7C  }
0x3aa: {  	v1 =	vld [tilespmem:s0+$0x4500]  }
0x3ab: {  	v2 =	vld [tilespmem:s0+$0x4510]  }
0x3ac: {  	v3 =	vld [tilespmem:s0+$0x4520]  }
0x3ad: {  	v4 =	vld [tilespmem:s0+$0x4530]  }
0x3ae: {  	[tilespmem:s0+$0xFAF0] =	vst.add.f32.msk $0xffff, v0  }
0x3af: {  	v5 =	vld [tilespmem:s0+$0x4540]  }
0x3b0: {  	v6 =	vld [tilespmem:s0+$0x4550]  }
0x3b1: {  	v7 =	vld [tilespmem:s0+$0x4560]  }
0x3b2: {  	v8 =	vld [tilespmem:s0+$0x4570]  }
0x3b3: {  	v9 =	vld [tilespmem:s0+$0x4580]  }
0x3b4: {  	v10 =	vld [tilespmem:s0+$0x4590]  }
0x3b5: {  	v11 =	vld [tilespmem:s0+$0x45A0]  }
0x3b6: {  	v12 =	vld [tilespmem:s0+$0x45B0]  }
0x3b7: {  	v13 =	vld [tilespmem:s0+$0x45C0]  }
0x3b8: {  	v14 =	vld [tilespmem:s0+$0x45D0]  }
0x3b9: {  	v15 =	vld [tilespmem:s0+$0x45E0]  }
0x3ba: {  	v16 =	vld [tilespmem:s0+$0x45F0]  }
0x3bb: {  	v17 =	vld [tilespmem:s0+$0x4600]  }
0x3bc: {  	v18 =	vld [tilespmem:s0+$0x4610]  }
0x3bd: {  	v19 =	vld [tilespmem:s0+$0x4620]  }
0x3be: {  	v20 =	vld [tilespmem:s0+$0x4630]  }
0x3bf: {  	v21 =	vld [tilespmem:s0+$0x4640]  }
0x3c0: {  	v22 =	vld [tilespmem:s0+$0x4650]  }
0x3c1: {  	v23 =	vld [tilespmem:s0+$0x4660]  }
0x3c2: {  	v24 =	vld [tilespmem:s0+$0x4670]  }
0x3c3: {  	v25 =	vld [tilespmem:s0+$0x4680]  }
0x3c4: {  	v26 =	vld [tilespmem:s0+$0x4690]  }
0x3c5: {  	v27 =	vld [tilespmem:s0+$0x46A0]  }
0x3c6: {  	v28 =	vld [tilespmem:s0+$0x46B0]  }
0x3c7: {  	v29 =	vld [tilespmem:s0+$0x46C0]  }
0x3c8: {  	v30 =	vld [tilespmem:s0+$0x46D0]  }
0x3c9: {  	v0 =	vld [tilespmem:s0+$0x46E0]  }
0x3ca: {  	[tilespmem:s0+$0xF900] =	vst.add.f32.msk $0xffff, v1  }
0x3cb: {  	[tilespmem:s0+$0xF910] =	vst.add.f32.msk $0xffff, v2  }
0x3cc: {  	[tilespmem:s0+$0xF920] =	vst.add.f32.msk $0xffff, v3  }
0x3cd: {  	[tilespmem:s0+$0xF930] =	vst.add.f32.msk $0xffff, v4  }
0x3ce: {  	[tilespmem:s0+$0xF940] =	vst.add.f32.msk $0xffff, v5  }
0x3cf: {  	[tilespmem:s0+$0xF950] =	vst.add.f32.msk $0xffff, v6  }
0x3d0: {  	[tilespmem:s0+$0xF960] =	vst.add.f32.msk $0xffff, v7  }
0x3d1: {  	[tilespmem:s0+$0xF970] =	vst.add.f32.msk $0xffff, v8  }
0x3d2: {  	[tilespmem:s0+$0xF980] =	vst.add.f32.msk $0xffff, v9  }
0x3d3: {  	[tilespmem:s0+$0xF990] =	vst.add.f32.msk $0xffff, v10  }
0x3d4: {  	[tilespmem:s0+$0xF9A0] =	vst.add.f32.msk $0xffff, v11  }
0x3d5: {  	[tilespmem:s0+$0xF9B0] =	vst.add.f32.msk $0xffff, v12  }
0x3d6: {  	[tilespmem:s0+$0xF9C0] =	vst.add.f32.msk $0xffff, v13  }
0x3d7: {  	[tilespmem:s0+$0xF9D0] =	vst.add.f32.msk $0xffff, v14  }
0x3d8: {  	[tilespmem:s0+$0xF9E0] =	vst.add.f32.msk $0xffff, v15  }
0x3d9: {  	[tilespmem:s0+$0xF9F0] =	vst.add.f32.msk $0xffff, v16  }
0x3da: {  	[tilespmem:s0+$0xFA00] =	vst.add.f32.msk $0xffff, v17  }
0x3db: {  	[tilespmem:s0+$0xFA10] =	vst.add.f32.msk $0xffff, v18  }
0x3dc: {  	[tilespmem:s0+$0xFA20] =	vst.add.f32.msk $0xffff, v19  }
0x3dd: {  	[tilespmem:s0+$0xFA30] =	vst.add.f32.msk $0xffff, v20  }
0x3de: {  	[tilespmem:s0+$0xFA40] =	vst.add.f32.msk $0xffff, v21  }
0x3df: {  	[tilespmem:s0+$0xFA50] =	vst.add.f32.msk $0xffff, v22  }
0x3e0: {  	[tilespmem:s0+$0xFA60] =	vst.add.f32.msk $0xffff, v23  }
0x3e1: {  	[tilespmem:s0+$0xFA70] =	vst.add.f32.msk $0xffff, v24  }
0x3e2: {  	[tilespmem:s0+$0xFA80] =	vst.add.f32.msk $0xffff, v25  }
.Ltmp7:
0x3e3: {  	[tilespmem:s0+$0xFA90] =	vst.add.f32.msk $0xffff, v26;
	(pc) =	sbr.rel @p0 .LBB2_16-.Ltmp7, $4  }
0x3e4: {  	[tilespmem:s0+$0xFAA0] =	vst.add.f32.msk $0xffff, v27  }
0x3e5: {  	[tilespmem:s0+$0xFAB0] =	vst.add.f32.msk $0xffff, v28  }
0x3e6: {  	[tilespmem:s0+$0xFAC0] =	vst.add.f32.msk $0xffff, v29  }
0x3e7: {  	s3 =	sadd.s32 $0x800, s3;
	[tilespmem:s0+$0xFAD0] =	vst.add.f32.msk $0xffff, v30  }
0x3e8: {  	[tilespmem:s0+$0xFAE0] =	vst.add.f32.msk $0xffff, v0  }
0x3e9: {  	s23 =	simm.s32 $0x0;
	s31 =	simm.s32 $0x3;
	s1 =	rddreg [dreg:$0x6]  }
0x3ea: {  	[hbm4b:s1+s23] =	stream.linear.scatter [tilespmem:s24], [sflag:$0x7], $0x4000, $0x38;
	[tilespmem:$0x1F900] =	vst v63  }
0x3eb: {  	_ =	swait.ge [sflag:s31], $0x4000  }
0x3ec: {  	[sflag:s31] =	ssyncset.done $0x0  }
0x3ed: {  	s0 =	simm.s32 $0x0;
	[sflag:s31] =	ssyncadd.s32 $0xFFFFC000  }
0x3ee: {  	v0 =	vld [tilespmem:s0+$0x22F0]  }
0x3ef: {  	v1 =	vld [tilespmem:s0+$0x2100]  }
0x3f0: {  	v2 =	vld [tilespmem:s0+$0x2110]  }
0x3f1: {  	v3 =	vld [tilespmem:s0+$0x2120]  }
0x3f2: {  	v4 =	vld [tilespmem:s0+$0x2130]  }
0x3f3: {  	v5 =	vld [tilespmem:s0+$0x2140]  }
0x3f4: {  	v6 =	vld [tilespmem:s0+$0x2150]  }
0x3f5: {  	v7 =	vld [tilespmem:s0+$0x2160]  }
0x3f6: {  	v8 =	vld [tilespmem:s0+$0x2170]  }
0x3f7: {  	v9 =	vld [tilespmem:s0+$0x2180]  }
0x3f8: {  	v10 =	vld [tilespmem:s0+$0x2190]  }
0x3f9: {  	v11 =	vld [tilespmem:s0+$0x21A0]  }
0x3fa: {  	v12 =	vld [tilespmem:s0+$0x21B0]  }
0x3fb: {  	v13 =	vld [tilespmem:s0+$0x21C0]  }
0x3fc: {  	v14 =	vld [tilespmem:s0+$0x21D0]  }
0x3fd: {  	v15 =	vld [tilespmem:s0+$0x21E0]  }
0x3fe: {  	v16 =	vld [tilespmem:s0+$0x21F0]  }
0x3ff: {  	v17 =	vld [tilespmem:s0+$0x2200]  }
0x400: {  	v18 =	vld [tilespmem:s0+$0x2210]  }
0x401: {  	v19 =	vld [tilespmem:s0+$0x2220]  }
0x402: {  	v20 =	vld [tilespmem:s0+$0x2230]  }
0x403: {  	v21 =	vld [tilespmem:s0+$0x2240]  }
0x404: {  	v22 =	vld [tilespmem:s0+$0x2250]  }
0x405: {  	v23 =	vld [tilespmem:s0+$0x2260]  }
0x406: {  	v24 =	vld [tilespmem:s0+$0x2270]  }
0x407: {  	v25 =	vld [tilespmem:s0+$0x2280]  }
0x408: {  	v26 =	vld [tilespmem:s0+$0x2290]  }
0x409: {  	v27 =	vld [tilespmem:s0+$0x22A0]  }
0x40a: {  	v28 =	vld [tilespmem:s0+$0x22B0]  }
0x40b: {  	v29 =	vld [tilespmem:s0+$0x22C0]  }
0x40c: {  	v30 =	vld [tilespmem:s0+$0x22D0]  }
0x40d: {  	[tilespmem:s0+$0x13AF0] =	vst.add.f32.msk $0xffff, v0  }
0x40e: {  	v0 =	vld [tilespmem:s0+$0x22E0]  }
0x40f: {  	[tilespmem:s0+$0x13900] =	vst.add.f32.msk $0xffff, v1  }
0x410: {  	[tilespmem:s0+$0x13910] =	vst.add.f32.msk $0xffff, v2  }
0x411: {  	[tilespmem:s0+$0x13920] =	vst.add.f32.msk $0xffff, v3  }
0x412: {  	[tilespmem:s0+$0x13930] =	vst.add.f32.msk $0xffff, v4  }
0x413: {  	[tilespmem:s0+$0x13940] =	vst.add.f32.msk $0xffff, v5  }
0x414: {  	[tilespmem:s0+$0x13950] =	vst.add.f32.msk $0xffff, v6  }
0x415: {  	[tilespmem:s0+$0x13960] =	vst.add.f32.msk $0xffff, v7  }
0x416: {  	[tilespmem:s0+$0x13970] =	vst.add.f32.msk $0xffff, v8  }
0x417: {  	[tilespmem:s0+$0x13980] =	vst.add.f32.msk $0xffff, v9  }
0x418: {  	[tilespmem:s0+$0x13990] =	vst.add.f32.msk $0xffff, v10  }
0x419: {  	[tilespmem:s0+$0x139A0] =	vst.add.f32.msk $0xffff, v11  }
0x41a: {  	[tilespmem:s0+$0x139B0] =	vst.add.f32.msk $0xffff, v12  }
0x41b: {  	[tilespmem:s0+$0x139C0] =	vst.add.f32.msk $0xffff, v13  }
0x41c: {  	[tilespmem:s0+$0x139D0] =	vst.add.f32.msk $0xffff, v14  }
0x41d: {  	[tilespmem:s0+$0x139E0] =	vst.add.f32.msk $0xffff, v15  }
0x41e: {  	[tilespmem:s0+$0x139F0] =	vst.add.f32.msk $0xffff, v16  }
0x41f: {  	[tilespmem:s0+$0x13A00] =	vst.add.f32.msk $0xffff, v17  }
0x420: {  	[tilespmem:s0+$0x13A10] =	vst.add.f32.msk $0xffff, v18  }
0x421: {  	[tilespmem:s0+$0x13A20] =	vst.add.f32.msk $0xffff, v19  }
0x422: {  	[tilespmem:s0+$0x13A30] =	vst.add.f32.msk $0xffff, v20  }
0x423: {  	[tilespmem:s0+$0x13A40] =	vst.add.f32.msk $0xffff, v21  }
0x424: {  	[tilespmem:s0+$0x13A50] =	vst.add.f32.msk $0xffff, v22  }
0x425: {  	[tilespmem:s0+$0x13A60] =	vst.add.f32.msk $0xffff, v23  }
0x426: {  	[tilespmem:s0+$0x13A70] =	vst.add.f32.msk $0xffff, v24  }
0x427: {  	[tilespmem:s0+$0x13A80] =	vst.add.f32.msk $0xffff, v25  }
0x428: {  	[tilespmem:s0+$0x13A90] =	vst.add.f32.msk $0xffff, v26  }
0x429: {  	[tilespmem:s0+$0x13AA0] =	vst.add.f32.msk $0xffff, v27  }
0x42a: {  	[tilespmem:s0+$0x13AB0] =	vst.add.f32.msk $0xffff, v28  }
0x42b: {  	[tilespmem:s0+$0x13AC0] =	vst.add.f32.msk $0xffff, v29  }
0x42c: {  	s3 =	simm.s32 $0x800;
	s1 =	simm.s32 $0x0;
	[tilespmem:s0+$0x13AD0] =	vst.add.f32.msk $0xffff, v30  }
.LBB2_18:
0x42d: {  	s1 =	sadd.s32 $0x4, s1;
	[tilespmem:s0+$0x13AE0] =	vst.add.f32.msk $0xffff, v0;
	s0 =	sshra.s32 s3, $0x2  }
0x42e: {  	v0 =	vld [tilespmem:s0+$0x22F0];
	p0 =	slt.u32 s1, $0x7C  }
0x42f: {  	v1 =	vld [tilespmem:s0+$0x2100]  }
0x430: {  	v2 =	vld [tilespmem:s0+$0x2110]  }
0x431: {  	v3 =	vld [tilespmem:s0+$0x2120]  }
0x432: {  	v4 =	vld [tilespmem:s0+$0x2130]  }
0x433: {  	[tilespmem:s0+$0x13AF0] =	vst.add.f32.msk $0xffff, v0  }
0x434: {  	v5 =	vld [tilespmem:s0+$0x2140]  }
0x435: {  	v6 =	vld [tilespmem:s0+$0x2150]  }
0x436: {  	v7 =	vld [tilespmem:s0+$0x2160]  }
0x437: {  	v8 =	vld [tilespmem:s0+$0x2170]  }
0x438: {  	v9 =	vld [tilespmem:s0+$0x2180]  }
0x439: {  	v10 =	vld [tilespmem:s0+$0x2190]  }
0x43a: {  	v11 =	vld [tilespmem:s0+$0x21A0]  }
0x43b: {  	v12 =	vld [tilespmem:s0+$0x21B0]  }
0x43c: {  	v13 =	vld [tilespmem:s0+$0x21C0]  }
0x43d: {  	v14 =	vld [tilespmem:s0+$0x21D0]  }
0x43e: {  	v15 =	vld [tilespmem:s0+$0x21E0]  }
0x43f: {  	v16 =	vld [tilespmem:s0+$0x21F0]  }
0x440: {  	v17 =	vld [tilespmem:s0+$0x2200]  }
0x441: {  	v18 =	vld [tilespmem:s0+$0x2210]  }
0x442: {  	v19 =	vld [tilespmem:s0+$0x2220]  }
0x443: {  	v20 =	vld [tilespmem:s0+$0x2230]  }
0x444: {  	v21 =	vld [tilespmem:s0+$0x2240]  }
0x445: {  	v22 =	vld [tilespmem:s0+$0x2250]  }
0x446: {  	v23 =	vld [tilespmem:s0+$0x2260]  }
0x447: {  	v24 =	vld [tilespmem:s0+$0x2270]  }
0x448: {  	v25 =	vld [tilespmem:s0+$0x2280]  }
0x449: {  	v26 =	vld [tilespmem:s0+$0x2290]  }
0x44a: {  	v27 =	vld [tilespmem:s0+$0x22A0]  }
0x44b: {  	v28 =	vld [tilespmem:s0+$0x22B0]  }
0x44c: {  	v29 =	vld [tilespmem:s0+$0x22C0]  }
0x44d: {  	v30 =	vld [tilespmem:s0+$0x22D0]  }
0x44e: {  	v0 =	vld [tilespmem:s0+$0x22E0]  }
0x44f: {  	[tilespmem:s0+$0x13900] =	vst.add.f32.msk $0xffff, v1  }
0x450: {  	[tilespmem:s0+$0x13910] =	vst.add.f32.msk $0xffff, v2  }
0x451: {  	[tilespmem:s0+$0x13920] =	vst.add.f32.msk $0xffff, v3  }
0x452: {  	[tilespmem:s0+$0x13930] =	vst.add.f32.msk $0xffff, v4  }
0x453: {  	[tilespmem:s0+$0x13940] =	vst.add.f32.msk $0xffff, v5  }
0x454: {  	[tilespmem:s0+$0x13950] =	vst.add.f32.msk $0xffff, v6  }
0x455: {  	[tilespmem:s0+$0x13960] =	vst.add.f32.msk $0xffff, v7  }
0x456: {  	[tilespmem:s0+$0x13970] =	vst.add.f32.msk $0xffff, v8  }
0x457: {  	[tilespmem:s0+$0x13980] =	vst.add.f32.msk $0xffff, v9  }
0x458: {  	[tilespmem:s0+$0x13990] =	vst.add.f32.msk $0xffff, v10  }
0x459: {  	[tilespmem:s0+$0x139A0] =	vst.add.f32.msk $0xffff, v11  }
0x45a: {  	[tilespmem:s0+$0x139B0] =	vst.add.f32.msk $0xffff, v12  }
0x45b: {  	[tilespmem:s0+$0x139C0] =	vst.add.f32.msk $0xffff, v13  }
0x45c: {  	[tilespmem:s0+$0x139D0] =	vst.add.f32.msk $0xffff, v14  }
0x45d: {  	[tilespmem:s0+$0x139E0] =	vst.add.f32.msk $0xffff, v15  }
0x45e: {  	[tilespmem:s0+$0x139F0] =	vst.add.f32.msk $0xffff, v16  }
0x45f: {  	[tilespmem:s0+$0x13A00] =	vst.add.f32.msk $0xffff, v17  }
0x460: {  	[tilespmem:s0+$0x13A10] =	vst.add.f32.msk $0xffff, v18  }
0x461: {  	[tilespmem:s0+$0x13A20] =	vst.add.f32.msk $0xffff, v19  }
0x462: {  	[tilespmem:s0+$0x13A30] =	vst.add.f32.msk $0xffff, v20  }
0x463: {  	[tilespmem:s0+$0x13A40] =	vst.add.f32.msk $0xffff, v21  }
0x464: {  	[tilespmem:s0+$0x13A50] =	vst.add.f32.msk $0xffff, v22  }
0x465: {  	[tilespmem:s0+$0x13A60] =	vst.add.f32.msk $0xffff, v23  }
0x466: {  	[tilespmem:s0+$0x13A70] =	vst.add.f32.msk $0xffff, v24  }
0x467: {  	[tilespmem:s0+$0x13A80] =	vst.add.f32.msk $0xffff, v25  }
.Ltmp8:
0x468: {  	[tilespmem:s0+$0x13A90] =	vst.add.f32.msk $0xffff, v26;
	(pc) =	sbr.rel @p0 .LBB2_18-.Ltmp8, $4  }
0x469: {  	[tilespmem:s0+$0x13AA0] =	vst.add.f32.msk $0xffff, v27  }
0x46a: {  	[tilespmem:s0+$0x13AB0] =	vst.add.f32.msk $0xffff, v28  }
0x46b: {  	[tilespmem:s0+$0x13AC0] =	vst.add.f32.msk $0xffff, v29  }
0x46c: {  	s3 =	sadd.s32 $0x800, s3;
	[tilespmem:s0+$0x13AD0] =	vst.add.f32.msk $0xffff, v30  }
0x46d: {  	[tilespmem:s0+$0x13AE0] =	vst.add.f32.msk $0xffff, v0  }
0x46e: {  	s31 =	simm.s32 $0x0;
	s1 =	rddreg [dreg:$0x7]  }
0x46f: {  	[hbm4b:s1+s31] =	stream.linear.scatter [tilespmem:s22], [sflag:$0x8], $0x4000, $0x38;
	[tilespmem:$0x1F900] =	vst v63  }
0x470: {  	_ =	swait.ge [sflag:s28], $0x4000  }
0x471: {  	[sflag:s28] =	ssyncset.done $0x0  }
0x472: {  	s0 =	simm.s32 $0x0;
	[sflag:s28] =	ssyncadd.s32 $0xFFFFC000  }
0x473: {  	v0 =	vld [tilespmem:s0+$0x62F0]  }
0x474: {  	v1 =	vld [tilespmem:s0+$0x6100]  }
0x475: {  	v2 =	vld [tilespmem:s0+$0x6110]  }
0x476: {  	v3 =	vld [tilespmem:s0+$0x6120]  }
0x477: {  	v4 =	vld [tilespmem:s0+$0x6130]  }
0x478: {  	v5 =	vld [tilespmem:s0+$0x6140]  }
0x479: {  	v6 =	vld [tilespmem:s0+$0x6150]  }
0x47a: {  	v7 =	vld [tilespmem:s0+$0x6160]  }
0x47b: {  	v8 =	vld [tilespmem:s0+$0x6170]  }
0x47c: {  	v9 =	vld [tilespmem:s0+$0x6180]  }
0x47d: {  	v10 =	vld [tilespmem:s0+$0x6190]  }
0x47e: {  	v11 =	vld [tilespmem:s0+$0x61A0]  }
0x47f: {  	v12 =	vld [tilespmem:s0+$0x61B0]  }
0x480: {  	v13 =	vld [tilespmem:s0+$0x61C0]  }
0x481: {  	v14 =	vld [tilespmem:s0+$0x61D0]  }
0x482: {  	v15 =	vld [tilespmem:s0+$0x61E0]  }
0x483: {  	v16 =	vld [tilespmem:s0+$0x61F0]  }
0x484: {  	v17 =	vld [tilespmem:s0+$0x6200]  }
0x485: {  	v18 =	vld [tilespmem:s0+$0x6210]  }
0x486: {  	v19 =	vld [tilespmem:s0+$0x6220]  }
0x487: {  	v20 =	vld [tilespmem:s0+$0x6230]  }
0x488: {  	v21 =	vld [tilespmem:s0+$0x6240]  }
0x489: {  	v22 =	vld [tilespmem:s0+$0x6250]  }
0x48a: {  	v23 =	vld [tilespmem:s0+$0x6260]  }
0x48b: {  	v24 =	vld [tilespmem:s0+$0x6270]  }
0x48c: {  	v25 =	vld [tilespmem:s0+$0x6280]  }
0x48d: {  	v26 =	vld [tilespmem:s0+$0x6290]  }
0x48e: {  	v27 =	vld [tilespmem:s0+$0x62A0]  }
0x48f: {  	v28 =	vld [tilespmem:s0+$0x62B0]  }
0x490: {  	v29 =	vld [tilespmem:s0+$0x62C0]  }
0x491: {  	v30 =	vld [tilespmem:s0+$0x62D0]  }
0x492: {  	[tilespmem:s0+$0x17AF0] =	vst.add.f32.msk $0xffff, v0  }
0x493: {  	v0 =	vld [tilespmem:s0+$0x62E0]  }
0x494: {  	[tilespmem:s0+$0x17900] =	vst.add.f32.msk $0xffff, v1  }
0x495: {  	[tilespmem:s0+$0x17910] =	vst.add.f32.msk $0xffff, v2  }
0x496: {  	[tilespmem:s0+$0x17920] =	vst.add.f32.msk $0xffff, v3  }
0x497: {  	[tilespmem:s0+$0x17930] =	vst.add.f32.msk $0xffff, v4  }
0x498: {  	[tilespmem:s0+$0x17940] =	vst.add.f32.msk $0xffff, v5  }
0x499: {  	[tilespmem:s0+$0x17950] =	vst.add.f32.msk $0xffff, v6  }
0x49a: {  	[tilespmem:s0+$0x17960] =	vst.add.f32.msk $0xffff, v7  }
0x49b: {  	[tilespmem:s0+$0x17970] =	vst.add.f32.msk $0xffff, v8  }
0x49c: {  	[tilespmem:s0+$0x17980] =	vst.add.f32.msk $0xffff, v9  }
0x49d: {  	[tilespmem:s0+$0x17990] =	vst.add.f32.msk $0xffff, v10  }
0x49e: {  	[tilespmem:s0+$0x179A0] =	vst.add.f32.msk $0xffff, v11  }
0x49f: {  	[tilespmem:s0+$0x179B0] =	vst.add.f32.msk $0xffff, v12  }
0x4a0: {  	[tilespmem:s0+$0x179C0] =	vst.add.f32.msk $0xffff, v13  }
0x4a1: {  	[tilespmem:s0+$0x179D0] =	vst.add.f32.msk $0xffff, v14  }
0x4a2: {  	[tilespmem:s0+$0x179E0] =	vst.add.f32.msk $0xffff, v15  }
0x4a3: {  	[tilespmem:s0+$0x179F0] =	vst.add.f32.msk $0xffff, v16  }
0x4a4: {  	[tilespmem:s0+$0x17A00] =	vst.add.f32.msk $0xffff, v17  }
0x4a5: {  	[tilespmem:s0+$0x17A10] =	vst.add.f32.msk $0xffff, v18  }
0x4a6: {  	[tilespmem:s0+$0x17A20] =	vst.add.f32.msk $0xffff, v19  }
0x4a7: {  	[tilespmem:s0+$0x17A30] =	vst.add.f32.msk $0xffff, v20  }
0x4a8: {  	[tilespmem:s0+$0x17A40] =	vst.add.f32.msk $0xffff, v21  }
0x4a9: {  	[tilespmem:s0+$0x17A50] =	vst.add.f32.msk $0xffff, v22  }
0x4aa: {  	[tilespmem:s0+$0x17A60] =	vst.add.f32.msk $0xffff, v23  }
0x4ab: {  	[tilespmem:s0+$0x17A70] =	vst.add.f32.msk $0xffff, v24  }
0x4ac: {  	[tilespmem:s0+$0x17A80] =	vst.add.f32.msk $0xffff, v25  }
0x4ad: {  	[tilespmem:s0+$0x17A90] =	vst.add.f32.msk $0xffff, v26  }
0x4ae: {  	[tilespmem:s0+$0x17AA0] =	vst.add.f32.msk $0xffff, v27  }
0x4af: {  	[tilespmem:s0+$0x17AB0] =	vst.add.f32.msk $0xffff, v28  }
0x4b0: {  	[tilespmem:s0+$0x17AC0] =	vst.add.f32.msk $0xffff, v29  }
0x4b1: {  	s3 =	simm.s32 $0x800;
	s1 =	simm.s32 $0x0;
	[tilespmem:s0+$0x17AD0] =	vst.add.f32.msk $0xffff, v30  }
.LBB2_20:
0x4b2: {  	s1 =	sadd.s32 $0x4, s1;
	[tilespmem:s0+$0x17AE0] =	vst.add.f32.msk $0xffff, v0;
	s0 =	sshra.s32 s3, $0x2  }
0x4b3: {  	v0 =	vld [tilespmem:s0+$0x62F0];
	p0 =	slt.u32 s1, $0x7C  }
0x4b4: {  	v1 =	vld [tilespmem:s0+$0x6100]  }
0x4b5: {  	v2 =	vld [tilespmem:s0+$0x6110]  }
0x4b6: {  	v3 =	vld [tilespmem:s0+$0x6120]  }
0x4b7: {  	v4 =	vld [tilespmem:s0+$0x6130]  }
0x4b8: {  	[tilespmem:s0+$0x17AF0] =	vst.add.f32.msk $0xffff, v0  }
0x4b9: {  	v5 =	vld [tilespmem:s0+$0x6140]  }
0x4ba: {  	v6 =	vld [tilespmem:s0+$0x6150]  }
0x4bb: {  	v7 =	vld [tilespmem:s0+$0x6160]  }
0x4bc: {  	v8 =	vld [tilespmem:s0+$0x6170]  }
0x4bd: {  	v9 =	vld [tilespmem:s0+$0x6180]  }
0x4be: {  	v10 =	vld [tilespmem:s0+$0x6190]  }
0x4bf: {  	v11 =	vld [tilespmem:s0+$0x61A0]  }
0x4c0: {  	v12 =	vld [tilespmem:s0+$0x61B0]  }
0x4c1: {  	v13 =	vld [tilespmem:s0+$0x61C0]  }
0x4c2: {  	v14 =	vld [tilespmem:s0+$0x61D0]  }
0x4c3: {  	v15 =	vld [tilespmem:s0+$0x61E0]  }
0x4c4: {  	v16 =	vld [tilespmem:s0+$0x61F0]  }
0x4c5: {  	v17 =	vld [tilespmem:s0+$0x6200]  }
0x4c6: {  	v18 =	vld [tilespmem:s0+$0x6210]  }
0x4c7: {  	v19 =	vld [tilespmem:s0+$0x6220]  }
0x4c8: {  	v20 =	vld [tilespmem:s0+$0x6230]  }
0x4c9: {  	v21 =	vld [tilespmem:s0+$0x6240]  }
0x4ca: {  	v22 =	vld [tilespmem:s0+$0x6250]  }
0x4cb: {  	v23 =	vld [tilespmem:s0+$0x6260]  }
0x4cc: {  	v24 =	vld [tilespmem:s0+$0x6270]  }
0x4cd: {  	v25 =	vld [tilespmem:s0+$0x6280]  }
0x4ce: {  	v26 =	vld [tilespmem:s0+$0x6290]  }
0x4cf: {  	v27 =	vld [tilespmem:s0+$0x62A0]  }
0x4d0: {  	v28 =	vld [tilespmem:s0+$0x62B0]  }
0x4d1: {  	v29 =	vld [tilespmem:s0+$0x62C0]  }
0x4d2: {  	v30 =	vld [tilespmem:s0+$0x62D0]  }
0x4d3: {  	v0 =	vld [tilespmem:s0+$0x62E0]  }
0x4d4: {  	[tilespmem:s0+$0x17900] =	vst.add.f32.msk $0xffff, v1  }
0x4d5: {  	[tilespmem:s0+$0x17910] =	vst.add.f32.msk $0xffff, v2  }
0x4d6: {  	[tilespmem:s0+$0x17920] =	vst.add.f32.msk $0xffff, v3  }
0x4d7: {  	[tilespmem:s0+$0x17930] =	vst.add.f32.msk $0xffff, v4  }
0x4d8: {  	[tilespmem:s0+$0x17940] =	vst.add.f32.msk $0xffff, v5  }
0x4d9: {  	[tilespmem:s0+$0x17950] =	vst.add.f32.msk $0xffff, v6  }
0x4da: {  	[tilespmem:s0+$0x17960] =	vst.add.f32.msk $0xffff, v7  }
0x4db: {  	[tilespmem:s0+$0x17970] =	vst.add.f32.msk $0xffff, v8  }
0x4dc: {  	[tilespmem:s0+$0x17980] =	vst.add.f32.msk $0xffff, v9  }
0x4dd: {  	[tilespmem:s0+$0x17990] =	vst.add.f32.msk $0xffff, v10  }
0x4de: {  	[tilespmem:s0+$0x179A0] =	vst.add.f32.msk $0xffff, v11  }
0x4df: {  	[tilespmem:s0+$0x179B0] =	vst.add.f32.msk $0xffff, v12  }
0x4e0: {  	[tilespmem:s0+$0x179C0] =	vst.add.f32.msk $0xffff, v13  }
0x4e1: {  	[tilespmem:s0+$0x179D0] =	vst.add.f32.msk $0xffff, v14  }
0x4e2: {  	[tilespmem:s0+$0x179E0] =	vst.add.f32.msk $0xffff, v15  }
0x4e3: {  	[tilespmem:s0+$0x179F0] =	vst.add.f32.msk $0xffff, v16  }
0x4e4: {  	[tilespmem:s0+$0x17A00] =	vst.add.f32.msk $0xffff, v17  }
0x4e5: {  	[tilespmem:s0+$0x17A10] =	vst.add.f32.msk $0xffff, v18  }
0x4e6: {  	[tilespmem:s0+$0x17A20] =	vst.add.f32.msk $0xffff, v19  }
0x4e7: {  	[tilespmem:s0+$0x17A30] =	vst.add.f32.msk $0xffff, v20  }
0x4e8: {  	[tilespmem:s0+$0x17A40] =	vst.add.f32.msk $0xffff, v21  }
0x4e9: {  	[tilespmem:s0+$0x17A50] =	vst.add.f32.msk $0xffff, v22  }
0x4ea: {  	[tilespmem:s0+$0x17A60] =	vst.add.f32.msk $0xffff, v23  }
0x4eb: {  	[tilespmem:s0+$0x17A70] =	vst.add.f32.msk $0xffff, v24  }
0x4ec: {  	[tilespmem:s0+$0x17A80] =	vst.add.f32.msk $0xffff, v25  }
.Ltmp9:
0x4ed: {  	[tilespmem:s0+$0x17A90] =	vst.add.f32.msk $0xffff, v26;
	(pc) =	sbr.rel @p0 .LBB2_20-.Ltmp9, $4  }
0x4ee: {  	[tilespmem:s0+$0x17AA0] =	vst.add.f32.msk $0xffff, v27  }
0x4ef: {  	[tilespmem:s0+$0x17AB0] =	vst.add.f32.msk $0xffff, v28  }
0x4f0: {  	[tilespmem:s0+$0x17AC0] =	vst.add.f32.msk $0xffff, v29  }
0x4f1: {  	s3 =	sadd.s32 $0x800, s3;
	[tilespmem:s0+$0x17AD0] =	vst.add.f32.msk $0xffff, v30  }
0x4f2: {  	[tilespmem:s0+$0x17AE0] =	vst.add.f32.msk $0xffff, v0  }
0x4f3: {  	s31 =	simm.s32 $0x0;
	s1 =	rddreg [dreg:$0x8]  }
0x4f4: {  	[hbm4b:s1+s31] =	stream.linear.scatter [tilespmem:s18], [sflag:$0x9], $0x4000, $0x38;
	[tilespmem:$0x1F900] =	vst v63  }
0x4f5: {  	_ =	swait.ge [sflag:s30], $0x4000  }
0x4f6: {  	[sflag:s30] =	ssyncset.done $0x0  }
0x4f7: {  	s0 =	simm.s32 $0x0;
	[sflag:s30] =	ssyncadd.s32 $0xFFFFC000  }
0x4f8: {  	v0 =	vld [tilespmem:s0+$0x3EF0]  }
0x4f9: {  	v1 =	vld [tilespmem:s0+$0x3D00]  }
0x4fa: {  	v2 =	vld [tilespmem:s0+$0x3D10]  }
0x4fb: {  	v3 =	vld [tilespmem:s0+$0x3D20]  }
0x4fc: {  	v4 =	vld [tilespmem:s0+$0x3D30]  }
0x4fd: {  	v5 =	vld [tilespmem:s0+$0x3D40]  }
0x4fe: {  	v6 =	vld [tilespmem:s0+$0x3D50]  }
0x4ff: {  	v7 =	vld [tilespmem:s0+$0x3D60]  }
0x500: {  	v8 =	vld [tilespmem:s0+$0x3D70]  }
0x501: {  	v9 =	vld [tilespmem:s0+$0x3D80]  }
0x502: {  	v10 =	vld [tilespmem:s0+$0x3D90]  }
0x503: {  	v11 =	vld [tilespmem:s0+$0x3DA0]  }
0x504: {  	v12 =	vld [tilespmem:s0+$0x3DB0]  }
0x505: {  	v13 =	vld [tilespmem:s0+$0x3DC0]  }
0x506: {  	v14 =	vld [tilespmem:s0+$0x3DD0]  }
0x507: {  	v15 =	vld [tilespmem:s0+$0x3DE0]  }
0x508: {  	v16 =	vld [tilespmem:s0+$0x3DF0]  }
0x509: {  	v17 =	vld [tilespmem:s0+$0x3E00]  }
0x50a: {  	v18 =	vld [tilespmem:s0+$0x3E10]  }
0x50b: {  	v19 =	vld [tilespmem:s0+$0x3E20]  }
0x50c: {  	v20 =	vld [tilespmem:s0+$0x3E30]  }
0x50d: {  	v21 =	vld [tilespmem:s0+$0x3E40]  }
0x50e: {  	v22 =	vld [tilespmem:s0+$0x3E50]  }
0x50f: {  	v23 =	vld [tilespmem:s0+$0x3E60]  }
0x510: {  	v24 =	vld [tilespmem:s0+$0x3E70]  }
0x511: {  	v25 =	vld [tilespmem:s0+$0x3E80]  }
0x512: {  	v26 =	vld [tilespmem:s0+$0x3E90]  }
0x513: {  	v27 =	vld [tilespmem:s0+$0x3EA0]  }
0x514: {  	v28 =	vld [tilespmem:s0+$0x3EB0]  }
0x515: {  	v29 =	vld [tilespmem:s0+$0x3EC0]  }
0x516: {  	v30 =	vld [tilespmem:s0+$0x3ED0]  }
0x517: {  	[tilespmem:s0+$0x1BAF0] =	vst.add.f32.msk $0xffff, v0  }
0x518: {  	v0 =	vld [tilespmem:s0+$0x3EE0]  }
0x519: {  	[tilespmem:s0+$0x1B900] =	vst.add.f32.msk $0xffff, v1  }
0x51a: {  	[tilespmem:s0+$0x1B910] =	vst.add.f32.msk $0xffff, v2  }
0x51b: {  	[tilespmem:s0+$0x1B920] =	vst.add.f32.msk $0xffff, v3  }
0x51c: {  	[tilespmem:s0+$0x1B930] =	vst.add.f32.msk $0xffff, v4  }
0x51d: {  	[tilespmem:s0+$0x1B940] =	vst.add.f32.msk $0xffff, v5  }
0x51e: {  	[tilespmem:s0+$0x1B950] =	vst.add.f32.msk $0xffff, v6  }
0x51f: {  	[tilespmem:s0+$0x1B960] =	vst.add.f32.msk $0xffff, v7  }
0x520: {  	[tilespmem:s0+$0x1B970] =	vst.add.f32.msk $0xffff, v8  }
0x521: {  	[tilespmem:s0+$0x1B980] =	vst.add.f32.msk $0xffff, v9  }
0x522: {  	[tilespmem:s0+$0x1B990] =	vst.add.f32.msk $0xffff, v10  }
0x523: {  	[tilespmem:s0+$0x1B9A0] =	vst.add.f32.msk $0xffff, v11  }
0x524: {  	[tilespmem:s0+$0x1B9B0] =	vst.add.f32.msk $0xffff, v12  }
0x525: {  	[tilespmem:s0+$0x1B9C0] =	vst.add.f32.msk $0xffff, v13  }
0x526: {  	[tilespmem:s0+$0x1B9D0] =	vst.add.f32.msk $0xffff, v14  }
0x527: {  	[tilespmem:s0+$0x1B9E0] =	vst.add.f32.msk $0xffff, v15  }
0x528: {  	[tilespmem:s0+$0x1B9F0] =	vst.add.f32.msk $0xffff, v16  }
0x529: {  	[tilespmem:s0+$0x1BA00] =	vst.add.f32.msk $0xffff, v17  }
0x52a: {  	[tilespmem:s0+$0x1BA10] =	vst.add.f32.msk $0xffff, v18  }
0x52b: {  	[tilespmem:s0+$0x1BA20] =	vst.add.f32.msk $0xffff, v19  }
0x52c: {  	[tilespmem:s0+$0x1BA30] =	vst.add.f32.msk $0xffff, v20  }
0x52d: {  	[tilespmem:s0+$0x1BA40] =	vst.add.f32.msk $0xffff, v21  }
0x52e: {  	[tilespmem:s0+$0x1BA50] =	vst.add.f32.msk $0xffff, v22  }
0x52f: {  	[tilespmem:s0+$0x1BA60] =	vst.add.f32.msk $0xffff, v23  }
0x530: {  	[tilespmem:s0+$0x1BA70] =	vst.add.f32.msk $0xffff, v24  }
0x531: {  	[tilespmem:s0+$0x1BA80] =	vst.add.f32.msk $0xffff, v25  }
0x532: {  	[tilespmem:s0+$0x1BA90] =	vst.add.f32.msk $0xffff, v26  }
0x533: {  	[tilespmem:s0+$0x1BAA0] =	vst.add.f32.msk $0xffff, v27  }
0x534: {  	[tilespmem:s0+$0x1BAB0] =	vst.add.f32.msk $0xffff, v28  }
0x535: {  	[tilespmem:s0+$0x1BAC0] =	vst.add.f32.msk $0xffff, v29  }
0x536: {  	s3 =	simm.s32 $0x800;
	s1 =	simm.s32 $0x0;
	[tilespmem:s0+$0x1BAD0] =	vst.add.f32.msk $0xffff, v30  }
.LBB2_22:
0x537: {  	s1 =	sadd.s32 $0x4, s1;
	[tilespmem:s0+$0x1BAE0] =	vst.add.f32.msk $0xffff, v0;
	s0 =	sshra.s32 s3, $0x2  }
0x538: {  	v0 =	vld [tilespmem:s0+$0x3EF0];
	p0 =	slt.u32 s1, $0x7C  }
0x539: {  	v1 =	vld [tilespmem:s0+$0x3D00]  }
0x53a: {  	v2 =	vld [tilespmem:s0+$0x3D10]  }
0x53b: {  	v3 =	vld [tilespmem:s0+$0x3D20]  }
0x53c: {  	v4 =	vld [tilespmem:s0+$0x3D30]  }
0x53d: {  	[tilespmem:s0+$0x1BAF0] =	vst.add.f32.msk $0xffff, v0  }
0x53e: {  	v5 =	vld [tilespmem:s0+$0x3D40]  }
0x53f: {  	v6 =	vld [tilespmem:s0+$0x3D50]  }
0x540: {  	v7 =	vld [tilespmem:s0+$0x3D60]  }
0x541: {  	v8 =	vld [tilespmem:s0+$0x3D70]  }
0x542: {  	v9 =	vld [tilespmem:s0+$0x3D80]  }
0x543: {  	v10 =	vld [tilespmem:s0+$0x3D90]  }
0x544: {  	v11 =	vld [tilespmem:s0+$0x3DA0]  }
0x545: {  	v12 =	vld [tilespmem:s0+$0x3DB0]  }
0x546: {  	v13 =	vld [tilespmem:s0+$0x3DC0]  }
0x547: {  	v14 =	vld [tilespmem:s0+$0x3DD0]  }
0x548: {  	v15 =	vld [tilespmem:s0+$0x3DE0]  }
0x549: {  	v16 =	vld [tilespmem:s0+$0x3DF0]  }
0x54a: {  	v17 =	vld [tilespmem:s0+$0x3E00]  }
0x54b: {  	v18 =	vld [tilespmem:s0+$0x3E10]  }
0x54c: {  	v19 =	vld [tilespmem:s0+$0x3E20]  }
0x54d: {  	v20 =	vld [tilespmem:s0+$0x3E30]  }
0x54e: {  	v21 =	vld [tilespmem:s0+$0x3E40]  }
0x54f: {  	v22 =	vld [tilespmem:s0+$0x3E50]  }
0x550: {  	v23 =	vld [tilespmem:s0+$0x3E60]  }
0x551: {  	v24 =	vld [tilespmem:s0+$0x3E70]  }
0x552: {  	v25 =	vld [tilespmem:s0+$0x3E80]  }
0x553: {  	v26 =	vld [tilespmem:s0+$0x3E90]  }
0x554: {  	v27 =	vld [tilespmem:s0+$0x3EA0]  }
0x555: {  	v28 =	vld [tilespmem:s0+$0x3EB0]  }
0x556: {  	v29 =	vld [tilespmem:s0+$0x3EC0]  }
0x557: {  	v30 =	vld [tilespmem:s0+$0x3ED0]  }
0x558: {  	v0 =	vld [tilespmem:s0+$0x3EE0]  }
0x559: {  	[tilespmem:s0+$0x1B900] =	vst.add.f32.msk $0xffff, v1  }
0x55a: {  	[tilespmem:s0+$0x1B910] =	vst.add.f32.msk $0xffff, v2  }
0x55b: {  	[tilespmem:s0+$0x1B920] =	vst.add.f32.msk $0xffff, v3  }
0x55c: {  	[tilespmem:s0+$0x1B930] =	vst.add.f32.msk $0xffff, v4  }
0x55d: {  	[tilespmem:s0+$0x1B940] =	vst.add.f32.msk $0xffff, v5  }
0x55e: {  	[tilespmem:s0+$0x1B950] =	vst.add.f32.msk $0xffff, v6  }
0x55f: {  	[tilespmem:s0+$0x1B960] =	vst.add.f32.msk $0xffff, v7  }
0x560: {  	[tilespmem:s0+$0x1B970] =	vst.add.f32.msk $0xffff, v8  }
0x561: {  	[tilespmem:s0+$0x1B980] =	vst.add.f32.msk $0xffff, v9  }
0x562: {  	[tilespmem:s0+$0x1B990] =	vst.add.f32.msk $0xffff, v10  }
0x563: {  	[tilespmem:s0+$0x1B9A0] =	vst.add.f32.msk $0xffff, v11  }
0x564: {  	[tilespmem:s0+$0x1B9B0] =	vst.add.f32.msk $0xffff, v12  }
0x565: {  	[tilespmem:s0+$0x1B9C0] =	vst.add.f32.msk $0xffff, v13  }
0x566: {  	[tilespmem:s0+$0x1B9D0] =	vst.add.f32.msk $0xffff, v14  }
0x567: {  	[tilespmem:s0+$0x1B9E0] =	vst.add.f32.msk $0xffff, v15  }
0x568: {  	[tilespmem:s0+$0x1B9F0] =	vst.add.f32.msk $0xffff, v16  }
0x569: {  	[tilespmem:s0+$0x1BA00] =	vst.add.f32.msk $0xffff, v17  }
0x56a: {  	[tilespmem:s0+$0x1BA10] =	vst.add.f32.msk $0xffff, v18  }
0x56b: {  	[tilespmem:s0+$0x1BA20] =	vst.add.f32.msk $0xffff, v19  }
0x56c: {  	[tilespmem:s0+$0x1BA30] =	vst.add.f32.msk $0xffff, v20  }
0x56d: {  	[tilespmem:s0+$0x1BA40] =	vst.add.f32.msk $0xffff, v21  }
0x56e: {  	[tilespmem:s0+$0x1BA50] =	vst.add.f32.msk $0xffff, v22  }
0x56f: {  	[tilespmem:s0+$0x1BA60] =	vst.add.f32.msk $0xffff, v23  }
0x570: {  	[tilespmem:s0+$0x1BA70] =	vst.add.f32.msk $0xffff, v24  }
0x571: {  	[tilespmem:s0+$0x1BA80] =	vst.add.f32.msk $0xffff, v25  }
.Ltmp10:
0x572: {  	[tilespmem:s0+$0x1BA90] =	vst.add.f32.msk $0xffff, v26;
	(pc) =	sbr.rel @p0 .LBB2_22-.Ltmp10, $4  }
0x573: {  	[tilespmem:s0+$0x1BAA0] =	vst.add.f32.msk $0xffff, v27  }
0x574: {  	[tilespmem:s0+$0x1BAB0] =	vst.add.f32.msk $0xffff, v28  }
0x575: {  	[tilespmem:s0+$0x1BAC0] =	vst.add.f32.msk $0xffff, v29  }
0x576: {  	s3 =	sadd.s32 $0x800, s3;
	[tilespmem:s0+$0x1BAD0] =	vst.add.f32.msk $0xffff, v30  }
0x577: {  	[tilespmem:s0+$0x1BAE0] =	vst.add.f32.msk $0xffff, v0  }
0x578: {  	s1 =	simm.s32 $0x1B900;
	s21 =	simm.s32 $0x6;
	s0 =	rddreg [dreg:$0x9]  }
0x579: {  	[hbm4b:s0+s14] =	stream.linear.scatter [tilespmem:s1], [sflag:$0xA], $0x4000, $0x38;
	[tilespmem:$0x1F900] =	vst v63  }
0x57a: {  	_ =	swait.ge [sflag:s21], $0x4000  }
0x57b: {  	[sflag:s21] =	ssyncset.done $0x0  }
0x57c: {  	[sflag:s21] =	ssyncadd.s32 $0xFFFFC000  }
0x57d: {  	_ =	swait.ge [sflag:s26], $0x4000  }
0x57e: {  	[sflag:s26] =	ssyncset.done $0x0  }
0x57f: {  	[sflag:s26] =	ssyncadd.s32 $0xFFFFC000  }
0x580: {  	_ =	swait.ge [sflag:s29], $0x4000  }
0x581: {  	[sflag:s29] =	ssyncset.done $0x0  }
0x582: {  	[sflag:s29] =	ssyncadd.s32 $0xFFFFC000  }
0x583: {  	_ =	swait.ge [sflag:s6], $0x4000  }
0x584: {  	[sflag:s6] =	ssyncset.done $0x0  }
0x585: {  	[sflag:s6] =	ssyncadd.s32 $0xFFFFC000  }
0x586: {  	_ =	swait.ge [sflag:s7], $0x4000  }
0x587: {  	s23 =	rddreg [dreg:$0xb]  }
0x588: {  	s31 =	rddreg [dreg:$0xa];
	s1 =	sadd.s32 $0x1, s23  }
0x589: {  	p0 =	sne.s32 s1, s31  }
.Ltmp11:
0x58a: {  	_ = 	snop;
	(pc) =	sbr.rel @p0 .LBB2_1-.Ltmp11, $3  }
0x58b: {  	_ =	sdelay $0x1  }
0x58c: {  	[sflag:s7] =	ssyncset.done $0x0  }
0x58d: {  	[sflag:s7] =	ssyncadd.s32 $0xFFFFC000  }
0x58e: {  	_ =	sfence.sel $0x180000  }
0x58f: {  	[bflag:$0x0] =	sbarrier.arrive $0xFFFF  }
0x590: {  	_ =	strace $0x90000047  }
0x591: {  	s0 =	stileid.u32;
	[bflag:$0x2] =	sbarrier.arrive $0xFFFF  }
0x592: {  	p0 =	sne.s32 s0, $0x0;
	s0 =	rddreg [dreg:$0x2]  }
0x593: {  	s0 =	sadd.s32 @!p0 $0x100000, s0  }
0x594: {  	[sflag:s0] =	ssyncadd.tile.s32 @!p0 $0x1;
	_ =	shalt  }
.Lfunc_end2:
_tile_overlayer_lowered:
.L_overlay_start_2:
0x595: {  	(tag) =	ssettag $0x2  }
0x596: {  	s0 =	rddreg [dreg:$0x0];
	s2 =	stileid.u32  }
0x597: {  	s1 =	rddreg [dreg:$0x1];
	p0 =	sne.s32 s2, $0x0  }
0x598: {  	s3 =	rddreg [dreg:$0x2];
	[bflag:$0x3] =	sbarrier.arrive $0xFFFF;
	s2 =	simm.s32 @!p0 $0x1C0B  }
0x599: {  	[timem:s3], [sflag:s2] =	dma.local @!p0 [hbm:s0], s1  }
0x59a: {  	s0 =	simm.s32 @!p0 $0xB  }
0x59b: {  	_ =	swait.ge @!p0 [sflag:s0], s1  }
0x59c: {  	s1 =	ssub.s32 @!p0 $0x0, s1;
	[sflag:s0] =	ssyncset.done @!p0 $0x0  }
0x59d: {  	[sflag:s0] =	ssyncadd.s32 @!p0 s1  }
0x59e: {  	[bflag:$0x3] =	sbarrier.arrive $0xFFFF  }
0x59f: {  	_ =	shalt  }

</sc_bundles>
